<compile_context>
chip_gen: v7x
topology: tpu7x:2x2x1
jax: 0.10.2.dev20260603
libtpu: 0.0.44.dev20260713+nightly
codegen_flags: <defaults>
</compile_context>

<pallas_src>
import functools

import jax
import jax.numpy as jnp
from jax import lax
from jax.experimental import pallas as pl
from jax.experimental.pallas import tpu as pltpu
from jax.experimental.pallas import tpu_sc as plsc

B, S = 8, 512
F32 = jnp.float32

TC_B = 7
NSC = B - TC_B
NW = 32
SLABS = NSC * S
SLABS_PW = SLABS // NW
GULP = 16
NGULP = SLABS_PW // GULP


_GATHER_DNUMS = lax.GatherDimensionNumbers(
    offset_dims=(), collapsed_slice_dims=(0,), start_index_map=(0,))


def _lane_allmax(v, lane):
    for d in (8, 4, 2, 1):
        idx = lane ^ d
        p = lax.gather(v, idx[:, None], _GATHER_DNUMS, slice_sizes=(1,),
                       mode=lax.GatherScatterMode.PROMISE_IN_BOUNDS)
        v = jnp.maximum(v, p)
    return v


def _sc_caus_body(rel_hbm, out_hbm, buf, res):
    wid = lax.axis_index("s") * 2 + lax.axis_index("c")
    slab0 = TC_B * S + wid * SLABS_PW
    lane = lax.broadcasted_iota(jnp.int32, (16,), 0)
    zero = jnp.zeros((16,), F32)

    def gulp_body(g, carry):
        first = slab0 + g * GULP
        pltpu.sync_copy(rel_hbm.at[pl.ds(first * 16, GULP * 16)], buf)

        def slab_body(s, rvec):
            i = (first + s) & (S - 1)
            acc0, acc1 = zero, zero
            for jblk in range(4):
                for lv in range(8):
                    mask = lane < (i - (jblk * 128 + lv * 16))
                    r0 = s * 16 + jblk * 4
                    v0 = buf[r0 + 0, pl.ds(lv * 16, 16)]
                    v1 = buf[r0 + 1, pl.ds(lv * 16, 16)]
                    v2 = buf[r0 + 2, pl.ds(lv * 16, 16)]
                    v3 = buf[r0 + 3, pl.ds(lv * 16, 16)]
                    acc0 = jnp.maximum(acc0,
                                       jnp.where(mask, jnp.maximum(v0, v1), 0.0))
                    acc1 = jnp.maximum(acc1,
                                       jnp.where(mask, jnp.maximum(v2, v3), 0.0))
            acc = jnp.maximum(acc0, acc1)
            amax = _lane_allmax(acc, lane)
            return jnp.where((lane == s) & (amax > 0.5), 1.0, rvec)

        rvec = lax.fori_loop(0, GULP, slab_body, jnp.zeros((16,), F32))
        res[pl.ds(g * GULP, GULP)] = rvec
        return carry

    lax.fori_loop(0, NGULP, gulp_body, 0)
    pltpu.sync_copy(res, out_hbm.at[pl.ds(wid * SLABS_PW, SLABS_PW)])


def _sc_caus(rel_rows):
    mesh = plsc.VectorSubcoreMesh(core_axis_name="c", subcore_axis_name="s")
    k = functools.partial(
        pl.kernel,
        mesh=mesh,
        out_type=jax.ShapeDtypeStruct((SLABS,), F32),
        scratch_types=[
            pltpu.VMEM((GULP * 16, 128), F32),
            pltpu.VMEM((SLABS_PW,), F32),
        ],
    )(_sc_caus_body)
    return k(rel_rows)


def _shift_fwd(x, d, fill, lane):
    r = pltpu.roll(x, d, 1)
    return jnp.where(lane >= d, r, fill)


def _shift_bwd(x, d, fill, lane):
    r = pltpu.roll(x, S - d, 1)
    return jnp.where(lane < S - d, r, fill)


def _channels(view):
    return [jnp.concatenate([view[:, 4 * k + c, :] for k in range(4)], axis=1)
            for c in range(4)]


def _tc_caus_body(rel_ref, out_ref):
    x = rel_ref[0]
    i_iota = jax.lax.broadcasted_iota(jnp.int32, (S, 16, 128), 0)
    m_iota = jax.lax.broadcasted_iota(jnp.int32, (S, 16, 128), 1)
    l_iota = jax.lax.broadcasted_iota(jnp.int32, (S, 16, 128), 2)
    j = ((m_iota >> 2) << 7) + l_iota
    hit = (x > 0.5) & (j < i_iota)
    out_ref[0] = jnp.any(hit, axis=(1, 2)).astype(F32)[:, None]


def _main_body(av_ref, ov_ref, ea_ref, eo_ref, tcc_ref, scc_ref,
               w1t_ref, b1c_ref, w2t_ref, b2c_ref, w3t_ref, b3c_ref,
               cav_ref, cov_ref):
    if True:
        a0, a1, a2, a3 = _channels(av_ref[...])
        o0, o1, o2, o3 = _channels(ov_ref[...])

        feats = [a0, a1, a2, a3, o0, o1, o2, o3]
        xall = jnp.concatenate(
            [jnp.reshape(f, (1, B * S)) for f in feats], axis=0)
        h = jnp.dot(w1t_ref[...], xall, preferred_element_type=F32) + b1c_ref[...]
        h = jnp.maximum(h, 0.0)
        h = jnp.dot(w2t_ref[...], h, preferred_element_type=F32) + b2c_ref[...]
        h = jnp.maximum(h, 0.0)
        z = jnp.dot(w3t_ref[...], h, preferred_element_type=F32) + b3c_ref[...]
        score = jax.nn.sigmoid(jnp.reshape(z, (B, S)))
        f1 = jnp.where(score < 0.5, 2.0 * score, 1.0)

        def imp(c0, c1, c2, c3):
            m = jnp.maximum(jnp.maximum(c0, c1), jnp.maximum(c2, c3))
            e0, e1 = jnp.exp(c0 - m), jnp.exp(c1 - m)
            e2, e3 = jnp.exp(c2 - m), jnp.exp(c3 - m)
            den = ((e0 + e1) + e2) + e3
            return (e0 / den + e1 / den) > 0.5

        imp_asp = imp(a0, a1, a2, a3)
        imp_op = imp(o0, o1, o2, o3)

        ri = jax.lax.broadcasted_iota(jnp.int32, (S, S), 0)
        ci = jax.lax.broadcasted_iota(jnp.int32, (S, S), 1)
        band = (jnp.abs(ri - ci) <= 3).astype(F32)
        ea = (ea_ref[...] > 0).astype(F32)
        eo = (eo_ref[...] > 0).astype(F32)
        near_op = jnp.dot(eo, band, preferred_element_type=F32) > 0.0
        near_as = jnp.dot(ea, band, preferred_element_type=F32) > 0.0

        r2 = imp_asp & (~near_op)
        r3 = imp_op & (~near_as)
        caus = jnp.concatenate(
            [jnp.reshape(tcc_ref[...], (TC_B, S)), scc_ref[...]], axis=0) > 0.5

        w2a = jnp.where(r2, 0.3, 1.0)
        w2o = jnp.where(r3, 0.3, 1.0)
        w7 = jnp.where(caus, 0.7, 1.0)
        u_a0, u_a1 = (a0 * f1) * w2a, (a1 * f1) * w2a
        u_o0, u_o1 = (o0 * f1) * w2o, (o1 * f1) * w2o
        t_a2, t_a3 = a2 * f1, a3 * f1
        t_o2, t_o3 = o2 * f1, o3 * f1

        P = jnp.maximum(jnp.maximum(t_a2, t_a3), jnp.maximum(t_o2, t_o3)) > 0.5
        Q1 = jnp.maximum(jnp.maximum(u_a0 * w7, u_a1 * w7),
                         jnp.maximum(u_o0, u_o1)) > 0.5
        Q0 = jnp.maximum(jnp.maximum((u_a0 * 0.1) * w7, (u_a1 * 0.1) * w7),
                         jnp.maximum(u_o0 * 0.1, u_o1 * 0.1)) > 0.5
        F = jnp.maximum(
            jnp.maximum(jnp.maximum(a0, a1), jnp.maximum(a2, a3)),
            jnp.maximum(jnp.maximum(o0, o1), jnp.maximum(o2, o3))) > 0.5

        Rf = (P | Q0).astype(F32)
        Q1f = Q1.astype(F32)
        Ff = F.astype(F32)

        lane = jax.lax.broadcasted_iota(jnp.int32, (B, S), 1)
        base = jnp.maximum(
            jnp.maximum(_shift_bwd(Ff, 1, 0.0, lane),
                        _shift_bwd(Ff, 2, 0.0, lane)),
            jnp.maximum(_shift_fwd(Rf, 1, 0.0, lane),
                        _shift_fwd(Rf, 2, 0.0, lane)))
        q1s1 = _shift_fwd(Q1f, 1, 0.0, lane)
        q1s2 = _shift_fwd(Q1f, 2, 0.0, lane)

        ones = jnp.ones((B, S), F32)
        zeros = jnp.zeros((B, S), F32)
        a11, a12, a21, a22 = q1s1, q1s2, ones, zeros
        c1, c2 = base, zeros
        d = 1
        while d < S:
            b11 = _shift_fwd(a11, d, 1.0, lane)
            b12 = _shift_fwd(a12, d, 0.0, lane)
            b21 = _shift_fwd(a21, d, 0.0, lane)
            b22 = _shift_fwd(a22, d, 1.0, lane)
            bc1 = _shift_fwd(c1, d, 0.0, lane)
            bc2 = _shift_fwd(c2, d, 0.0, lane)
            n11 = jnp.maximum(a11 * b11, a12 * b21)
            n12 = jnp.maximum(a11 * b12, a12 * b22)
            n21 = jnp.maximum(a21 * b11, a22 * b21)
            n22 = jnp.maximum(a21 * b12, a22 * b22)
            nc1 = jnp.maximum(jnp.maximum(a11 * bc1, a12 * bc2), c1)
            nc2 = jnp.maximum(jnp.maximum(a21 * bc1, a22 * bc2), c2)
            a11, a12, a21, a22, c1, c2 = n11, n12, n21, n22, nc1, nc2
            d *= 2

        iso = jnp.where(c1 > 0.5, 1.0, 0.1)

        outs_a = ((u_a0 * iso) * w7, (u_a1 * iso) * w7, t_a2, t_a3)
        outs_o = (u_o0 * iso, u_o1 * iso, t_o2, t_o3)
        for k in range(4):
            sl = slice(128 * k, 128 * (k + 1))
            for c in range(4):
                cav_ref[:, 4 * k + c, :] = outs_a[c][:, sl]
                cov_ref[:, 4 * k + c, :] = outs_o[c][:, sl]


def _to_view(x):
    return (x.reshape(B, 4, 128, 4)
            .transpose(0, 1, 3, 2)
            .reshape(B, 16, 128))


def _from_view(v):
    return (v.reshape(B, 4, 4, 128)
            .transpose(0, 1, 3, 2)
            .reshape(B, S, 4))


def kernel(aspect_logits, opinion_logits, aspect_opinion_relations,
           explicit_aspects, explicit_opinions, W1, b1, W2, b2, W3, b3):
    rel_v = (aspect_opinion_relations.reshape(B, S, 4, 128, 4)
             .transpose(0, 1, 2, 4, 3)
             .reshape(B, S, 16, 128))
    rel_rows = rel_v.reshape(B * S * 16, 128)
    sc_caus = _sc_caus(rel_rows).reshape(NSC, S)

    av = _to_view(aspect_logits)
    ov = _to_view(opinion_logits)
    ea = explicit_aspects.astype(jnp.int32)
    eo = explicit_opinions.astype(jnp.int32)
    w1t = W1.T
    w2t = W2.T
    w3t = W3.T
    b1c = b1.reshape(32, 1)
    b2c = b2.reshape(16, 1)
    b3c = b3.reshape(1, 1)

    tc_caus = pl.pallas_call(
        _tc_caus_body,
        grid=(TC_B,),
        in_specs=[pl.BlockSpec((1, S, 16, 128), lambda b: (b, 0, 0, 0))],
        out_specs=pl.BlockSpec((1, S, 1), lambda b: (b, 0, 0)),
        out_shape=jax.ShapeDtypeStruct((TC_B, S, 1), F32),
    )(rel_v)

    full = lambda shape: pl.BlockSpec(shape, lambda: (0,) * len(shape))
    cav, cov = pl.pallas_call(
        _main_body,
        in_specs=[
            full((B, 16, 128)), full((B, 16, 128)),
            full((B, S)), full((B, S)),
            full((TC_B, S, 1)), full((NSC, S)),
            full((32, 8)), full((32, 1)),
            full((16, 32)), full((16, 1)),
            full((1, 16)), full((1, 1)),
        ],
        out_specs=(full((B, 16, 128)), full((B, 16, 128))),
        out_shape=(jax.ShapeDtypeStruct((B, 16, 128), F32),
                   jax.ShapeDtypeStruct((B, 16, 128), F32)),
    )(av, ov, ea, eo, tc_caus, sc_caus, w1t, b1c, w2t, b2c, w3t, b3c)

    return _from_view(cav), _from_view(cov)

# --- scband reference (transcript-rebuilt; emitter-appended) ---
"""Pipeline reference for scband-causality-constraints-46935402610849 (READ-ONLY COPY).

The authoritative reference and input builder live on the scoring server;
editing this copy changes nothing except your own understanding.
"""

import jax, jax.numpy as jnp
import numpy as np

B, S = 8, 512


def setup_inputs(seed: int = 0):
    key = jax.random.key(seed)
    ks = jax.random.split(key, 12)
    aspect_logits = jax.random.normal(ks[0], (B, S, 4), dtype=jnp.float32)
    opinion_logits = jax.random.normal(ks[1], (B, S, 4), dtype=jnp.float32)
    aspect_opinion_relations = jax.random.uniform(ks[2], (B, S, S, 4), dtype=jnp.float32)
    explicit_aspects = jax.random.randint(ks[3], (B, S), 0, 2)
    explicit_opinions = jax.random.randint(ks[4], (B, S), 0, 2)
    W1 = jax.random.normal(ks[5], (8, 32), dtype=jnp.float32) / jnp.sqrt(8.0)
    b1 = jax.random.normal(ks[6], (32,), dtype=jnp.float32) * 0.01
    W2 = jax.random.normal(ks[7], (32, 16), dtype=jnp.float32) / jnp.sqrt(32.0)
    b2 = jax.random.normal(ks[8], (16,), dtype=jnp.float32) * 0.01
    W3 = jax.random.normal(ks[9], (16, 1), dtype=jnp.float32) / jnp.sqrt(16.0)
    b3 = jax.random.normal(ks[10], (1,), dtype=jnp.float32) * 0.01
    return {
        "aspect_logits": aspect_logits,
        "opinion_logits": opinion_logits,
        "aspect_opinion_relations": aspect_opinion_relations,
        "explicit_aspects": explicit_aspects,
        "explicit_opinions": explicit_opinions,
        "W1": W1, "b1": b1, "W2": W2, "b2": b2, "W3": W3, "b3": b3,
    }


def _nearby_any(e, w):
    # any(e[b, i-w : i+w+1]) per position, zero-padded at boundaries
    Bb, Ss = e.shape
    ep = jnp.pad(e, ((0, 0), (w, w)))
    acc = jnp.zeros((Bb, Ss), dtype=bool)
    for d in range(2 * w + 1):
        acc = acc | ep[:, d:d + Ss]
    return acc


def reference(aspect_logits, opinion_logits, aspect_opinion_relations,
              explicit_aspects, explicit_opinions, W1, b1, W2, b2, W3, b3):
    Bb, Ss, _ = aspect_logits.shape

    # --- consistency MLP over concat(aspect, opinion) per token ---
    X = jnp.concatenate([aspect_logits, opinion_logits], axis=-1)  # [B,S,8]
    h = jax.nn.relu(X @ W1 + b1)
    h = jax.nn.relu(h @ W2 + b2)
    score = jax.nn.sigmoid(h @ W3 + b3)[..., 0]  # [B,S]
    # if score < 0.5: factor = 1 - (0.5 - score)*2 = 2*score
    f1 = jnp.where(score < 0.5, 2.0 * score, 1.0)  # applied to all 4 channels of both

    # --- rule: implicit element requires nearby explicit counterpart (window=3) ---
    near_op = _nearby_any(explicit_opinions > 0, 3)
    near_as = _nearby_any(explicit_aspects > 0, 3)
    imp_asp = jax.nn.softmax(aspect_logits, axis=-1)[..., :2].sum(-1) > 0.5
    imp_op = jax.nn.softmax(opinion_logits, axis=-1)[..., :2].sum(-1) > 0.5
    r2 = imp_asp & (~near_op)  # -> aspects[:2] *= 0.3
    r3 = imp_op & (~near_as)   # -> opinions[:2] *= 0.3

    # --- causality ordering: any related opinion position strictly before i ---
    rel_any = (aspect_opinion_relations > 0.5).any(-1)  # [B,S,S]
    tri = jnp.arange(Ss)[None, :] < jnp.arange(Ss)[:, None]  # [S_i, S_j]: j < i
    caus = (rel_any & tri[None, :, :]).any(-1)  # [B,S] -> aspects[:2] *= 0.7

    off = jnp.array([-2, -1, 1, 2])

    def step(carry, x):
        ca, co = carry
        i, a0, o0, f1i, r2i, r3i, ci = x  # a0,o0: [B,4]; rest: [B]
        a = a0 * f1i[:, None]
        o = o0 * f1i[:, None]
        fa = a[:, :2] * jnp.where(r2i, 0.3, 1.0)[:, None]
        fo = o[:, :2] * jnp.where(r3i, 0.3, 1.0)[:, None]
        # isolation check reads current constrained arrays, excluding pos i
        j = i + off
        valid = (j >= 0) & (j < Ss)
        jc = jnp.clip(j, 0, Ss - 1)
        na = jnp.max(ca[:, jc, :], axis=-1) > 0.5  # [B,4]
        no = jnp.max(co[:, jc, :], axis=-1) > 0.5
        act = ((na | no) & valid[None, :]).any(-1)  # [B]
        iso = jnp.where(act, 1.0, 0.1)
        fa = fa * iso[:, None]
        fo = fo * iso[:, None]
        fa = fa * jnp.where(ci, 0.7, 1.0)[:, None]
        new_a = jnp.concatenate([fa, a[:, 2:]], axis=1)
        new_o = jnp.concatenate([fo, o[:, 2:]], axis=1)
        ca = ca.at[:, i].set(new_a)
        co = co.at[:, i].set(new_o)
        return (ca, co), None

    xs = (jnp.arange(Ss),
          jnp.transpose(aspect_logits, (1, 0, 2)),
          jnp.transpose(opinion_logits, (1, 0, 2)),
          f1.T, r2.T, r3.T, caus.T)
    (ca, co), _ = jax.lax.scan(step, (aspect_logits, opinion_logits), xs)
    return ca, co


if False:  # reference __main__ guard neutralized (emitter)
    out = reference(**setup_inputs())
    print(out[0].shape, out[1].shape)

if __name__ == "__main__":
    import jax
    _d = setup_inputs()
    print(jax.jit(kernel)(*tuple(_d.values())))

</pallas_src>

<mosaic_0001>
#map = affine_map<(d0, d1) -> (0, 0)>
#map1 = affine_map<(d0, d1) -> (0)>
module attributes {stable_mosaic.version = 14 : i64} {
  func.func @_sc_caus_body(%arg0: i32, %arg1: i32, %arg2: memref<65536x128xf32, #tpu.memory_space<hbm>>, %arg3: memref<512xf32, #tpu.memory_space<hbm>>, %arg4: memref<256x128xf32, #tpu.memory_space<vmem>>, %arg5: memref<16xf32, #tpu.memory_space<vmem>>) attributes {dimension_semantics = [#tpu.dimension_semantics<core_parallel>, #tpu.dimension_semantics<subcore_parallel>], iteration_bounds = array<i64: 2, 16>, scalar_prefetch = 0 : i64, scratch_operands = 2 : i64, tpu.core_type = #tpu.core_type<sc_vector_subcore>, window_params = [{transform_indices = #map}, {transform_indices = #map1}]} {
    %mul3A = arith.constant 2 : i32
    %mul3A_0 = arith.muli %arg1, %mul3A : i32
    %add3A = arith.addi %mul3A_0, %arg0 : i32
    %mul3A_1 = arith.constant 16 : i32
    %mul3A_2 = arith.muli %add3A, %mul3A_1 : i32
    %add3A_3 = arith.constant 3584 : i32
    %add3A_4 = arith.addi %add3A_3, %mul3A_2 : i32
    %iota3A = tpu.iota {dimensions = array<i32: 0>} : vector<16xi32>
    %broadcast_in_dim3A = arith.constant 0.000000e+00 : f32
    %broadcast_in_dim3A_5 = vector.broadcast %broadcast_in_dim3A : f32 to vector<16xf32>
    %scan3A = arith.constant 0 : i32
    %scan3A_6 = arith.constant 0 : i32
    %mul3A_7 = arith.constant 16 : i32
    %mul3A_8 = arith.muli %scan3A_6, %mul3A_7 : i32
    %add3A_9 = arith.addi %add3A_4, %mul3A_8 : i32
    %mul3A_10 = arith.constant 16 : i32
    %mul3A_11 = arith.muli %add3A_9, %mul3A_10 : i32
    "tpu.region"() ({
      %run_scoped3A = tpu.sem_alloc : memref<!tpu.dma_semaphore, #tpu.memory_space<semaphore_mem>>
      %dma_start3A = arith.constant 0 : i32
      %dma_start3A_28 = tpu.memref_slice %arg2[%mul3A_11, %dma_start3A] : memref<65536x128xf32, #tpu.memory_space<hbm>> -> memref<256x128xf32, #tpu.memory_space<hbm>>
      %dma_start3A_29 = arith.constant 0 : i32
      %dma_start3A_30 = tpu.memref_slice %arg2[%mul3A_11, %dma_start3A_29] : memref<65536x128xf32, #tpu.memory_space<hbm>> -> memref<256x128xf32, #tpu.memory_space<hbm>>
      tpu.enqueue_dma source(%dma_start3A_30 : memref<256x128xf32, #tpu.memory_space<hbm>>) target(%arg4 : memref<256x128xf32, #tpu.memory_space<vmem>>) target_semaphore(%run_scoped3A : memref<!tpu.dma_semaphore, #tpu.memory_space<semaphore_mem>>)
      %dma_wait3A = arith.constant 0 : i32
      %dma_wait3A_31 = tpu.memref_slice %arg2[%mul3A_11, %dma_wait3A] : memref<65536x128xf32, #tpu.memory_space<hbm>> -> memref<256x128xf32, #tpu.memory_space<hbm>>
      %dma_wait3A_32 = arith.constant 0 : i32
      %dma_wait3A_33 = tpu.memref_slice %arg2[%mul3A_11, %dma_wait3A_32] : memref<65536x128xf32, #tpu.memory_space<hbm>> -> memref<256x128xf32, #tpu.memory_space<hbm>>
      tpu.wait_dma2 semaphore(%run_scoped3A : memref<!tpu.dma_semaphore, #tpu.memory_space<semaphore_mem>>) src(%dma_wait3A_33 : memref<256x128xf32, #tpu.memory_space<hbm>>) dst(%arg4 : memref<256x128xf32, #tpu.memory_space<vmem>>)
      tpu.yield
    }) : () -> ()
    %broadcast_in_dim3A_12 = arith.constant 0.000000e+00 : f32
    %broadcast_in_dim3A_13 = vector.broadcast %broadcast_in_dim3A_12 : f32 to vector<16xf32>
    %scan3A_14 = arith.constant 0 : i32
    %scan3A_15 = arith.constant 16 : i32
    %scan3A_16 = arith.addi %scan3A_14, %scan3A_15 : i32
    %scan3A_17 = arith.constant 1 : i32
    %scan3A_18 = scf.for %scan3A_28 = %scan3A_14 to %scan3A_16 step %scan3A_17 iter_args(%scan3A_29 = %broadcast_in_dim3A_13) -> (vector<16xf32>)  : i32 {
      %add3A_30 = arith.addi %add3A_9, %scan3A_28 : i32
      %and3A = arith.constant 511 : i32
      %and3A_31 = arith.andi %add3A_30, %and3A : i32
      %sub3A = arith.constant 0 : i32
      %sub3A_32 = arith.subi %and3A_31, %sub3A : i32
      %lt3A = vector.broadcast %sub3A_32 : i32 to vector<16xi32>
      %lt3A_33 = arith.cmpi slt, %iota3A, %lt3A : vector<16xi32>
      %mul3A_34 = arith.constant 16 : i32
      %mul3A_35 = arith.muli %scan3A_28, %mul3A_34 : i32
      %add3A_36 = arith.constant 0 : i32
      %add3A_37 = arith.addi %mul3A_35, %add3A_36 : i32
      %add3A_38 = arith.constant 0 : i32
      %add3A_39 = arith.addi %add3A_37, %add3A_38 : i32
      %get3A = arith.index_cast %add3A_39 : i32 to index
      %get3A_40 = arith.constant 0 : index
      %get3A_41 = tpu.vector_load %arg4[%get3A, %get3A_40] {strides = array<i32>} : memref<256x128xf32, #tpu.memory_space<vmem>>, vector<1x16xf32>,
      %get3A_42 = vector.shape_cast %get3A_41 : vector<1x16xf32> to vector<16xf32>
      %add3A_43 = arith.constant 1 : i32
      %add3A_44 = arith.addi %add3A_37, %add3A_43 : i32
      %get3A_45 = arith.index_cast %add3A_44 : i32 to index
      %get3A_46 = arith.constant 0 : index
      %get3A_47 = tpu.vector_load %arg4[%get3A_45, %get3A_46] {strides = array<i32>} : memref<256x128xf32, #tpu.memory_space<vmem>>, vector<1x16xf32>,
      %get3A_48 = vector.shape_cast %get3A_47 : vector<1x16xf32> to vector<16xf32>
      %add3A_49 = arith.constant 2 : i32
      %add3A_50 = arith.addi %add3A_37, %add3A_49 : i32
      %get3A_51 = arith.index_cast %add3A_50 : i32 to index
      %get3A_52 = arith.constant 0 : index
      %get3A_53 = tpu.vector_load %arg4[%get3A_51, %get3A_52] {strides = array<i32>} : memref<256x128xf32, #tpu.memory_space<vmem>>, vector<1x16xf32>,
      %get3A_54 = vector.shape_cast %get3A_53 : vector<1x16xf32> to vector<16xf32>
      %add3A_55 = arith.constant 3 : i32
      %add3A_56 = arith.addi %add3A_37, %add3A_55 : i32
      %get3A_57 = arith.index_cast %add3A_56 : i32 to index
      %get3A_58 = arith.constant 0 : index
      %get3A_59 = tpu.vector_load %arg4[%get3A_57, %get3A_58] {strides = array<i32>} : memref<256x128xf32, #tpu.memory_space<vmem>>, vector<1x16xf32>,
      %get3A_60 = vector.shape_cast %get3A_59 : vector<1x16xf32> to vector<16xf32>
      %max3A = arith.maximumf %get3A_42, %get3A_48 : vector<16xf32>
      %jit3A = arith.constant 0.000000e+00 : f32
      %broadcast_in_dim3A_61 = vector.broadcast %jit3A : f32 to vector<16xf32>
      %select_n3A = arith.select %lt3A_33, %max3A, %broadcast_in_dim3A_61 : vector<16xi1>, vector<16xf32>
      %max3A_62 = arith.maximumf %broadcast_in_dim3A_5, %select_n3A : vector<16xf32>
      %max3A_63 = arith.maximumf %get3A_54, %get3A_60 : vector<16xf32>
      %jit3A_64 = arith.constant 0.000000e+00 : f32
      %broadcast_in_dim3A_65 = vector.broadcast %jit3A_64 : f32 to vector<16xf32>
      %select_n3A_66 = arith.select %lt3A_33, %max3A_63, %broadcast_in_dim3A_65 : vector<16xi1>, vector<16xf32>
      %max3A_67 = arith.maximumf %broadcast_in_dim3A_5, %select_n3A_66 : vector<16xf32>
      %sub3A_68 = arith.constant 16 : i32
      %sub3A_69 = arith.subi %and3A_31, %sub3A_68 : i32
      %lt3A_70 = vector.broadcast %sub3A_69 : i32 to vector<16xi32>
      %lt3A_71 = arith.cmpi slt, %iota3A, %lt3A_70 : vector<16xi32>
      %mul3A_72 = arith.constant 16 : i32
      %mul3A_73 = arith.muli %scan3A_28, %mul3A_72 : i32
      %add3A_74 = arith.constant 0 : i32
      %add3A_75 = arith.addi %mul3A_73, %add3A_74 : i32
      %add3A_76 = arith.constant 0 : i32
      %add3A_77 = arith.addi %add3A_75, %add3A_76 : i32
      %get3A_78 = arith.index_cast %add3A_77 : i32 to index
      %get3A_79 = arith.constant 16 : index
      %get3A_80 = tpu.vector_load %arg4[%get3A_78, %get3A_79] {strides = array<i32>} : memref<256x128xf32, #tpu.memory_space<vmem>>, vector<1x16xf32>,
      %get3A_81 = vector.shape_cast %get3A_80 : vector<1x16xf32> to vector<16xf32>
      %add3A_82 = arith.constant 1 : i32
      %add3A_83 = arith.addi %add3A_75, %add3A_82 : i32
      %get3A_84 = arith.index_cast %add3A_83 : i32 to index
      %get3A_85 = arith.constant 16 : index
      %get3A_86 = tpu.vector_load %arg4[%get3A_84, %get3A_85] {strides = array<i32>} : memref<256x128xf32, #tpu.memory_space<vmem>>, vector<1x16xf32>,
      %get3A_87 = vector.shape_cast %get3A_86 : vector<1x16xf32> to vector<16xf32>
      %add3A_88 = arith.constant 2 : i32
      %add3A_89 = arith.addi %add3A_75, %add3A_88 : i32
      %get3A_90 = arith.index_cast %add3A_89 : i32 to index
      %get3A_91 = arith.constant 16 : index
      %get3A_92 = tpu.vector_load %arg4[%get3A_90, %get3A_91] {strides = array<i32>} : memref<256x128xf32, #tpu.memory_space<vmem>>, vector<1x16xf32>,
      %get3A_93 = vector.shape_cast %get3A_92 : vector<1x16xf32> to vector<16xf32>
      %add3A_94 = arith.constant 3 : i32
      %add3A_95 = arith.addi %add3A_75, %add3A_94 : i32
      %get3A_96 = arith.index_cast %add3A_95 : i32 to index
      %get3A_97 = arith.constant 16 : index
      %get3A_98 = tpu.vector_load %arg4[%get3A_96, %get3A_97] {strides = array<i32>} : memref<256x128xf32, #tpu.memory_space<vmem>>, vector<1x16xf32>,
      %get3A_99 = vector.shape_cast %get3A_98 : vector<1x16xf32> to vector<16xf32>
      %max3A_100 = arith.maximumf %get3A_81, %get3A_87 : vector<16xf32>
      %jit3A_101 = arith.constant 0.000000e+00 : f32
      %broadcast_in_dim3A_102 = vector.broadcast %jit3A_101 : f32 to vector<16xf32>
      %select_n3A_103 = arith.select %lt3A_71, %max3A_100, %broadcast_in_dim3A_102 : vector<16xi1>, vector<16xf32>
      %max3A_104 = arith.maximumf %max3A_62, %select_n3A_103 : vector<16xf32>
      %max3A_105 = arith.maximumf %get3A_93, %get3A_99 : vector<16xf32>
      %jit3A_106 = arith.constant 0.000000e+00 : f32
      %broadcast_in_dim3A_107 = vector.broadcast %jit3A_106 : f32 to vector<16xf32>
      %select_n3A_108 = arith.select %lt3A_71, %max3A_105, %broadcast_in_dim3A_107 : vector<16xi1>, vector<16xf32>
      %max3A_109 = arith.maximumf %max3A_67, %select_n3A_108 : vector<16xf32>
      %sub3A_110 = arith.constant 32 : i32
      %sub3A_111 = arith.subi %and3A_31, %sub3A_110 : i32
      %lt3A_112 = vector.broadcast %sub3A_111 : i32 to vector<16xi32>
      %lt3A_113 = arith.cmpi slt, %iota3A, %lt3A_112 : vector<16xi32>
      %mul3A_114 = arith.constant 16 : i32
      %mul3A_115 = arith.muli %scan3A_28, %mul3A_114 : i32
      %add3A_116 = arith.constant 0 : i32
      %add3A_117 = arith.addi %mul3A_115, %add3A_116 : i32
      %add3A_118 = arith.constant 0 : i32
      %add3A_119 = arith.addi %add3A_117, %add3A_118 : i32
      %get3A_120 = arith.index_cast %add3A_119 : i32 to index
      %get3A_121 = arith.constant 32 : index
      %get3A_122 = tpu.vector_load %arg4[%get3A_120, %get3A_121] {strides = array<i32>} : memref<256x128xf32, #tpu.memory_space<vmem>>, vector<1x16xf32>,
      %get3A_123 = vector.shape_cast %get3A_122 : vector<1x16xf32> to vector<16xf32>
      %add3A_124 = arith.constant 1 : i32
      %add3A_125 = arith.addi %add3A_117, %add3A_124 : i32
      %get3A_126 = arith.index_cast %add3A_125 : i32 to index
      %get3A_127 = arith.constant 32 : index
      %get3A_128 = tpu.vector_load %arg4[%get3A_126, %get3A_127] {strides = array<i32>} : memref<256x128xf32, #tpu.memory_space<vmem>>, vector<1x16xf32>,
      %get3A_129 = vector.shape_cast %get3A_128 : vector<1x16xf32> to vector<16xf32>
      %add3A_130 = arith.constant 2 : i32
      %add3A_131 = arith.addi %add3A_117, %add3A_130 : i32
      %get3A_132 = arith.index_cast %add3A_131 : i32 to index
      %get3A_133 = arith.constant 32 : index
      %get3A_134 = tpu.vector_load %arg4[%get3A_132, %get3A_133] {strides = array<i32>} : memref<256x128xf32, #tpu.memory_space<vmem>>, vector<1x16xf32>,
      %get3A_135 = vector.shape_cast %get3A_134 : vector<1x16xf32> to vector<16xf32>
      %add3A_136 = arith.constant 3 : i32
      %add3A_137 = arith.addi %add3A_117, %add3A_136 : i32
      %get3A_138 = arith.index_cast %add3A_137 : i32 to index
      %get3A_139 = arith.constant 32 : index
      %get3A_140 = tpu.vector_load %arg4[%get3A_138, %get3A_139] {strides = array<i32>} : memref<256x128xf32, #tpu.memory_space<vmem>>, vector<1x16xf32>,
      %get3A_141 = vector.shape_cast %get3A_140 : vector<1x16xf32> to vector<16xf32>
      %max3A_142 = arith.maximumf %get3A_123, %get3A_129 : vector<16xf32>
      %jit3A_143 = arith.constant 0.000000e+00 : f32
      %broadcast_in_dim3A_144 = vector.broadcast %jit3A_143 : f32 to vector<16xf32>
      %select_n3A_145 = arith.select %lt3A_113, %max3A_142, %broadcast_in_dim3A_144 : vector<16xi1>, vector<16xf32>
      %max3A_146 = arith.maximumf %max3A_104, %select_n3A_145 : vector<16xf32>
      %max3A_147 = arith.maximumf %get3A_135, %get3A_141 : vector<16xf32>
      %jit3A_148 = arith.constant 0.000000e+00 : f32
      %broadcast_in_dim3A_149 = vector.broadcast %jit3A_148 : f32 to vector<16xf32>
      %select_n3A_150 = arith.select %lt3A_113, %max3A_147, %broadcast_in_dim3A_149 : vector<16xi1>, vector<16xf32>
      %max3A_151 = arith.maximumf %max3A_109, %select_n3A_150 : vector<16xf32>
      %sub3A_152 = arith.constant 48 : i32
      %sub3A_153 = arith.subi %and3A_31, %sub3A_152 : i32
      %lt3A_154 = vector.broadcast %sub3A_153 : i32 to vector<16xi32>
      %lt3A_155 = arith.cmpi slt, %iota3A, %lt3A_154 : vector<16xi32>
      %mul3A_156 = arith.constant 16 : i32
      %mul3A_157 = arith.muli %scan3A_28, %mul3A_156 : i32
      %add3A_158 = arith.constant 0 : i32
      %add3A_159 = arith.addi %mul3A_157, %add3A_158 : i32
      %add3A_160 = arith.constant 0 : i32
      %add3A_161 = arith.addi %add3A_159, %add3A_160 : i32
      %get3A_162 = arith.index_cast %add3A_161 : i32 to index
      %get3A_163 = arith.constant 48 : index
      %get3A_164 = tpu.vector_load %arg4[%get3A_162, %get3A_163] {strides = array<i32>} : memref<256x128xf32, #tpu.memory_space<vmem>>, vector<1x16xf32>,
      %get3A_165 = vector.shape_cast %get3A_164 : vector<1x16xf32> to vector<16xf32>
      %add3A_166 = arith.constant 1 : i32
      %add3A_167 = arith.addi %add3A_159, %add3A_166 : i32
      %get3A_168 = arith.index_cast %add3A_167 : i32 to index
      %get3A_169 = arith.constant 48 : index
      %get3A_170 = tpu.vector_load %arg4[%get3A_168, %get3A_169] {strides = array<i32>} : memref<256x128xf32, #tpu.memory_space<vmem>>, vector<1x16xf32>,
      %get3A_171 = vector.shape_cast %get3A_170 : vector<1x16xf32> to vector<16xf32>
      %add3A_172 = arith.constant 2 : i32
      %add3A_173 = arith.addi %add3A_159, %add3A_172 : i32
      %get3A_174 = arith.index_cast %add3A_173 : i32 to index
      %get3A_175 = arith.constant 48 : index
      %get3A_176 = tpu.vector_load %arg4[%get3A_174, %get3A_175] {strides = array<i32>} : memref<256x128xf32, #tpu.memory_space<vmem>>, vector<1x16xf32>,
      %get3A_177 = vector.shape_cast %get3A_176 : vector<1x16xf32> to vector<16xf32>
      %add3A_178 = arith.constant 3 : i32
      %add3A_179 = arith.addi %add3A_159, %add3A_178 : i32
      %get3A_180 = arith.index_cast %add3A_179 : i32 to index
      %get3A_181 = arith.constant 48 : index
      %get3A_182 = tpu.vector_load %arg4[%get3A_180, %get3A_181] {strides = array<i32>} : memref<256x128xf32, #tpu.memory_space<vmem>>, vector<1x16xf32>,
      %get3A_183 = vector.shape_cast %get3A_182 : vector<1x16xf32> to vector<16xf32>
      %max3A_184 = arith.maximumf %get3A_165, %get3A_171 : vector<16xf32>
      %jit3A_185 = arith.constant 0.000000e+00 : f32
      %broadcast_in_dim3A_186 = vector.broadcast %jit3A_185 : f32 to vector<16xf32>
      %select_n3A_187 = arith.select %lt3A_155, %max3A_184, %broadcast_in_dim3A_186 : vector<16xi1>, vector<16xf32>
      %max3A_188 = arith.maximumf %max3A_146, %select_n3A_187 : vector<16xf32>
      %max3A_189 = arith.maximumf %get3A_177, %get3A_183 : vector<16xf32>
      %jit3A_190 = arith.constant 0.000000e+00 : f32
      %broadcast_in_dim3A_191 = vector.broadcast %jit3A_190 : f32 to vector<16xf32>
      %select_n3A_192 = arith.select %lt3A_155, %max3A_189, %broadcast_in_dim3A_191 : vector<16xi1>, vector<16xf32>
      %max3A_193 = arith.maximumf %max3A_151, %select_n3A_192 : vector<16xf32>
      %sub3A_194 = arith.constant 64 : i32
      %sub3A_195 = arith.subi %and3A_31, %sub3A_194 : i32
      %lt3A_196 = vector.broadcast %sub3A_195 : i32 to vector<16xi32>
      %lt3A_197 = arith.cmpi slt, %iota3A, %lt3A_196 : vector<16xi32>
      %mul3A_198 = arith.constant 16 : i32
      %mul3A_199 = arith.muli %scan3A_28, %mul3A_198 : i32
      %add3A_200 = arith.constant 0 : i32
      %add3A_201 = arith.addi %mul3A_199, %add3A_200 : i32
      %add3A_202 = arith.constant 0 : i32
      %add3A_203 = arith.addi %add3A_201, %add3A_202 : i32
      %get3A_204 = arith.index_cast %add3A_203 : i32 to index
      %get3A_205 = arith.constant 64 : index
      %get3A_206 = tpu.vector_load %arg4[%get3A_204, %get3A_205] {strides = array<i32>} : memref<256x128xf32, #tpu.memory_space<vmem>>, vector<1x16xf32>,
      %get3A_207 = vector.shape_cast %get3A_206 : vector<1x16xf32> to vector<16xf32>
      %add3A_208 = arith.constant 1 : i32
      %add3A_209 = arith.addi %add3A_201, %add3A_208 : i32
      %get3A_210 = arith.index_cast %add3A_209 : i32 to index
      %get3A_211 = arith.constant 64 : index
      %get3A_212 = tpu.vector_load %arg4[%get3A_210, %get3A_211] {strides = array<i32>} : memref<256x128xf32, #tpu.memory_space<vmem>>, vector<1x16xf32>,
      %get3A_213 = vector.shape_cast %get3A_212 : vector<1x16xf32> to vector<16xf32>
      %add3A_214 = arith.constant 2 : i32
      %add3A_215 = arith.addi %add3A_201, %add3A_214 : i32
      %get3A_216 = arith.index_cast %add3A_215 : i32 to index
      %get3A_217 = arith.constant 64 : index
      %get3A_218 = tpu.vector_load %arg4[%get3A_216, %get3A_217] {strides = array<i32>} : memref<256x128xf32, #tpu.memory_space<vmem>>, vector<1x16xf32>,
      %get3A_219 = vector.shape_cast %get3A_218 : vector<1x16xf32> to vector<16xf32>
      %add3A_220 = arith.constant 3 : i32
      %add3A_221 = arith.addi %add3A_201, %add3A_220 : i32
      %get3A_222 = arith.index_cast %add3A_221 : i32 to index
      %get3A_223 = arith.constant 64 : index
      %get3A_224 = tpu.vector_load %arg4[%get3A_222, %get3A_223] {strides = array<i32>} : memref<256x128xf32, #tpu.memory_space<vmem>>, vector<1x16xf32>,
      %get3A_225 = vector.shape_cast %get3A_224 : vector<1x16xf32> to vector<16xf32>
      %max3A_226 = arith.maximumf %get3A_207, %get3A_213 : vector<16xf32>
      %jit3A_227 = arith.constant 0.000000e+00 : f32
      %broadcast_in_dim3A_228 = vector.broadcast %jit3A_227 : f32 to vector<16xf32>
      %select_n3A_229 = arith.select %lt3A_197, %max3A_226, %broadcast_in_dim3A_228 : vector<16xi1>, vector<16xf32>
      %max3A_230 = arith.maximumf %max3A_188, %select_n3A_229 : vector<16xf32>
      %max3A_231 = arith.maximumf %get3A_219, %get3A_225 : vector<16xf32>
      %jit3A_232 = arith.constant 0.000000e+00 : f32
      %broadcast_in_dim3A_233 = vector.broadcast %jit3A_232 : f32 to vector<16xf32>
      %select_n3A_234 = arith.select %lt3A_197, %max3A_231, %broadcast_in_dim3A_233 : vector<16xi1>, vector<16xf32>
      %max3A_235 = arith.maximumf %max3A_193, %select_n3A_234 : vector<16xf32>
      %sub3A_236 = arith.constant 80 : i32
      %sub3A_237 = arith.subi %and3A_31, %sub3A_236 : i32
      %lt3A_238 = vector.broadcast %sub3A_237 : i32 to vector<16xi32>
      %lt3A_239 = arith.cmpi slt, %iota3A, %lt3A_238 : vector<16xi32>
      %mul3A_240 = arith.constant 16 : i32
      %mul3A_241 = arith.muli %scan3A_28, %mul3A_240 : i32
      %add3A_242 = arith.constant 0 : i32
      %add3A_243 = arith.addi %mul3A_241, %add3A_242 : i32
      %add3A_244 = arith.constant 0 : i32
      %add3A_245 = arith.addi %add3A_243, %add3A_244 : i32
      %get3A_246 = arith.index_cast %add3A_245 : i32 to index
      %get3A_247 = arith.constant 80 : index
      %get3A_248 = tpu.vector_load %arg4[%get3A_246, %get3A_247] {strides = array<i32>} : memref<256x128xf32, #tpu.memory_space<vmem>>, vector<1x16xf32>,
      %get3A_249 = vector.shape_cast %get3A_248 : vector<1x16xf32> to vector<16xf32>
      %add3A_250 = arith.constant 1 : i32
      %add3A_251 = arith.addi %add3A_243, %add3A_250 : i32
      %get3A_252 = arith.index_cast %add3A_251 : i32 to index
      %get3A_253 = arith.constant 80 : index
      %get3A_254 = tpu.vector_load %arg4[%get3A_252, %get3A_253] {strides = array<i32>} : memref<256x128xf32, #tpu.memory_space<vmem>>, vector<1x16xf32>,
      %get3A_255 = vector.shape_cast %get3A_254 : vector<1x16xf32> to vector<16xf32>
      %add3A_256 = arith.constant 2 : i32
      %add3A_257 = arith.addi %add3A_243, %add3A_256 : i32
      %get3A_258 = arith.index_cast %add3A_257 : i32 to index
      %get3A_259 = arith.constant 80 : index
      %get3A_260 = tpu.vector_load %arg4[%get3A_258, %get3A_259] {strides = array<i32>} : memref<256x128xf32, #tpu.memory_space<vmem>>, vector<1x16xf32>,
      %get3A_261 = vector.shape_cast %get3A_260 : vector<1x16xf32> to vector<16xf32>
      %add3A_262 = arith.constant 3 : i32
      %add3A_263 = arith.addi %add3A_243, %add3A_262 : i32
      %get3A_264 = arith.index_cast %add3A_263 : i32 to index
      %get3A_265 = arith.constant 80 : index
      %get3A_266 = tpu.vector_load %arg4[%get3A_264, %get3A_265] {strides = array<i32>} : memref<256x128xf32, #tpu.memory_space<vmem>>, vector<1x16xf32>,
      %get3A_267 = vector.shape_cast %get3A_266 : vector<1x16xf32> to vector<16xf32>
      %max3A_268 = arith.maximumf %get3A_249, %get3A_255 : vector<16xf32>
      %jit3A_269 = arith.constant 0.000000e+00 : f32
      %broadcast_in_dim3A_270 = vector.broadcast %jit3A_269 : f32 to vector<16xf32>
      %select_n3A_271 = arith.select %lt3A_239, %max3A_268, %broadcast_in_dim3A_270 : vector<16xi1>, vector<16xf32>
      %max3A_272 = arith.maximumf %max3A_230, %select_n3A_271 : vector<16xf32>
      %max3A_273 = arith.maximumf %get3A_261, %get3A_267 : vector<16xf32>
      %jit3A_274 = arith.constant 0.000000e+00 : f32
      %broadcast_in_dim3A_275 = vector.broadcast %jit3A_274 : f32 to vector<16xf32>
      %select_n3A_276 = arith.select %lt3A_239, %max3A_273, %broadcast_in_dim3A_275 : vector<16xi1>, vector<16xf32>
      %max3A_277 = arith.maximumf %max3A_235, %select_n3A_276 : vector<16xf32>
      %sub3A_278 = arith.constant 96 : i32
      %sub3A_279 = arith.subi %and3A_31, %sub3A_278 : i32
      %lt3A_280 = vector.broadcast %sub3A_279 : i32 to vector<16xi32>
      %lt3A_281 = arith.cmpi slt, %iota3A, %lt3A_280 : vector<16xi32>
      %mul3A_282 = arith.constant 16 : i32
      %mul3A_283 = arith.muli %scan3A_28, %mul3A_282 : i32
      %add3A_284 = arith.constant 0 : i32
      %add3A_285 = arith.addi %mul3A_283, %add3A_284 : i32
      %add3A_286 = arith.constant 0 : i32
      %add3A_287 = arith.addi %add3A_285, %add3A_286 : i32
      %get3A_288 = arith.index_cast %add3A_287 : i32 to index
      %get3A_289 = arith.constant 96 : index
      %get3A_290 = tpu.vector_load %arg4[%get3A_288, %get3A_289] {strides = array<i32>} : memref<256x128xf32, #tpu.memory_space<vmem>>, vector<1x16xf32>,
      %get3A_291 = vector.shape_cast %get3A_290 : vector<1x16xf32> to vector<16xf32>
      %add3A_292 = arith.constant 1 : i32
      %add3A_293 = arith.addi %add3A_285, %add3A_292 : i32
      %get3A_294 = arith.index_cast %add3A_293 : i32 to index
      %get3A_295 = arith.constant 96 : index
      %get3A_296 = tpu.vector_load %arg4[%get3A_294, %get3A_295] {strides = array<i32>} : memref<256x128xf32, #tpu.memory_space<vmem>>, vector<1x16xf32>,
      %get3A_297 = vector.shape_cast %get3A_296 : vector<1x16xf32> to vector<16xf32>
      %add3A_298 = arith.constant 2 : i32
      %add3A_299 = arith.addi %add3A_285, %add3A_298 : i32
      %get3A_300 = arith.index_cast %add3A_299 : i32 to index
      %get3A_301 = arith.constant 96 : index
      %get3A_302 = tpu.vector_load %arg4[%get3A_300, %get3A_301] {strides = array<i32>} : memref<256x128xf32, #tpu.memory_space<vmem>>, vector<1x16xf32>,
      %get3A_303 = vector.shape_cast %get3A_302 : vector<1x16xf32> to vector<16xf32>
      %add3A_304 = arith.constant 3 : i32
      %add3A_305 = arith.addi %add3A_285, %add3A_304 : i32
      %get3A_306 = arith.index_cast %add3A_305 : i32 to index
      %get3A_307 = arith.constant 96 : index
      %get3A_308 = tpu.vector_load %arg4[%get3A_306, %get3A_307] {strides = array<i32>} : memref<256x128xf32, #tpu.memory_space<vmem>>, vector<1x16xf32>,
      %get3A_309 = vector.shape_cast %get3A_308 : vector<1x16xf32> to vector<16xf32>
      %max3A_310 = arith.maximumf %get3A_291, %get3A_297 : vector<16xf32>
      %jit3A_311 = arith.constant 0.000000e+00 : f32
      %broadcast_in_dim3A_312 = vector.broadcast %jit3A_311 : f32 to vector<16xf32>
      %select_n3A_313 = arith.select %lt3A_281, %max3A_310, %broadcast_in_dim3A_312 : vector<16xi1>, vector<16xf32>
      %max3A_314 = arith.maximumf %max3A_272, %select_n3A_313 : vector<16xf32>
      %max3A_315 = arith.maximumf %get3A_303, %get3A_309 : vector<16xf32>
      %jit3A_316 = arith.constant 0.000000e+00 : f32
      %broadcast_in_dim3A_317 = vector.broadcast %jit3A_316 : f32 to vector<16xf32>
      %select_n3A_318 = arith.select %lt3A_281, %max3A_315, %broadcast_in_dim3A_317 : vector<16xi1>, vector<16xf32>
      %max3A_319 = arith.maximumf %max3A_277, %select_n3A_318 : vector<16xf32>
      %sub3A_320 = arith.constant 112 : i32
      %sub3A_321 = arith.subi %and3A_31, %sub3A_320 : i32
      %lt3A_322 = vector.broadcast %sub3A_321 : i32 to vector<16xi32>
      %lt3A_323 = arith.cmpi slt, %iota3A, %lt3A_322 : vector<16xi32>
      %mul3A_324 = arith.constant 16 : i32
      %mul3A_325 = arith.muli %scan3A_28, %mul3A_324 : i32
      %add3A_326 = arith.constant 0 : i32
      %add3A_327 = arith.addi %mul3A_325, %add3A_326 : i32
      %add3A_328 = arith.constant 0 : i32
      %add3A_329 = arith.addi %add3A_327, %add3A_328 : i32
      %get3A_330 = arith.index_cast %add3A_329 : i32 to index
      %get3A_331 = arith.constant 112 : index
      %get3A_332 = tpu.vector_load %arg4[%get3A_330, %get3A_331] {strides = array<i32>} : memref<256x128xf32, #tpu.memory_space<vmem>>, vector<1x16xf32>,
      %get3A_333 = vector.shape_cast %get3A_332 : vector<1x16xf32> to vector<16xf32>
      %add3A_334 = arith.constant 1 : i32
      %add3A_335 = arith.addi %add3A_327, %add3A_334 : i32
      %get3A_336 = arith.index_cast %add3A_335 : i32 to index
      %get3A_337 = arith.constant 112 : index
      %get3A_338 = tpu.vector_load %arg4[%get3A_336, %get3A_337] {strides = array<i32>} : memref<256x128xf32, #tpu.memory_space<vmem>>, vector<1x16xf32>,
      %get3A_339 = vector.shape_cast %get3A_338 : vector<1x16xf32> to vector<16xf32>
      %add3A_340 = arith.constant 2 : i32
      %add3A_341 = arith.addi %add3A_327, %add3A_340 : i32
      %get3A_342 = arith.index_cast %add3A_341 : i32 to index
      %get3A_343 = arith.constant 112 : index
      %get3A_344 = tpu.vector_load %arg4[%get3A_342, %get3A_343] {strides = array<i32>} : memref<256x128xf32, #tpu.memory_space<vmem>>, vector<1x16xf32>,
      %get3A_345 = vector.shape_cast %get3A_344 : vector<1x16xf32> to vector<16xf32>
      %add3A_346 = arith.constant 3 : i32
      %add3A_347 = arith.addi %add3A_327, %add3A_346 : i32
      %get3A_348 = arith.index_cast %add3A_347 : i32 to index
      %get3A_349 = arith.constant 112 : index
      %get3A_350 = tpu.vector_load %arg4[%get3A_348, %get3A_349] {strides = array<i32>} : memref<256x128xf32, #tpu.memory_space<vmem>>, vector<1x16xf32>,
      %get3A_351 = vector.shape_cast %get3A_350 : vector<1x16xf32> to vector<16xf32>
      %max3A_352 = arith.maximumf %get3A_333, %get3A_339 : vector<16xf32>
      %jit3A_353 = arith.constant 0.000000e+00 : f32
      %broadcast_in_dim3A_354 = vector.broadcast %jit3A_353 : f32 to vector<16xf32>
      %select_n3A_355 = arith.select %lt3A_323, %max3A_352, %broadcast_in_dim3A_354 : vector<16xi1>, vector<16xf32>
      %max3A_356 = arith.maximumf %max3A_314, %select_n3A_355 : vector<16xf32>
      %max3A_357 = arith.maximumf %get3A_345, %get3A_351 : vector<16xf32>
      %jit3A_358 = arith.constant 0.000000e+00 : f32
      %broadcast_in_dim3A_359 = vector.broadcast %jit3A_358 : f32 to vector<16xf32>
      %select_n3A_360 = arith.select %lt3A_323, %max3A_357, %broadcast_in_dim3A_359 : vector<16xi1>, vector<16xf32>
      %max3A_361 = arith.maximumf %max3A_319, %select_n3A_360 : vector<16xf32>
      %sub3A_362 = arith.constant 128 : i32
      %sub3A_363 = arith.subi %and3A_31, %sub3A_362 : i32
      %lt3A_364 = vector.broadcast %sub3A_363 : i32 to vector<16xi32>
      %lt3A_365 = arith.cmpi slt, %iota3A, %lt3A_364 : vector<16xi32>
      %mul3A_366 = arith.constant 16 : i32
      %mul3A_367 = arith.muli %scan3A_28, %mul3A_366 : i32
      %add3A_368 = arith.constant 4 : i32
      %add3A_369 = arith.addi %mul3A_367, %add3A_368 : i32
      %add3A_370 = arith.constant 0 : i32
      %add3A_371 = arith.addi %add3A_369, %add3A_370 : i32
      %get3A_372 = arith.index_cast %add3A_371 : i32 to index
      %get3A_373 = arith.constant 0 : index
      %get3A_374 = tpu.vector_load %arg4[%get3A_372, %get3A_373] {strides = array<i32>} : memref<256x128xf32, #tpu.memory_space<vmem>>, vector<1x16xf32>,
      %get3A_375 = vector.shape_cast %get3A_374 : vector<1x16xf32> to vector<16xf32>
      %add3A_376 = arith.constant 1 : i32
      %add3A_377 = arith.addi %add3A_369, %add3A_376 : i32
      %get3A_378 = arith.index_cast %add3A_377 : i32 to index
      %get3A_379 = arith.constant 0 : index
      %get3A_380 = tpu.vector_load %arg4[%get3A_378, %get3A_379] {strides = array<i32>} : memref<256x128xf32, #tpu.memory_space<vmem>>, vector<1x16xf32>,
      %get3A_381 = vector.shape_cast %get3A_380 : vector<1x16xf32> to vector<16xf32>
      %add3A_382 = arith.constant 2 : i32
      %add3A_383 = arith.addi %add3A_369, %add3A_382 : i32
      %get3A_384 = arith.index_cast %add3A_383 : i32 to index
      %get3A_385 = arith.constant 0 : index
      %get3A_386 = tpu.vector_load %arg4[%get3A_384, %get3A_385] {strides = array<i32>} : memref<256x128xf32, #tpu.memory_space<vmem>>, vector<1x16xf32>,
      %get3A_387 = vector.shape_cast %get3A_386 : vector<1x16xf32> to vector<16xf32>
      %add3A_388 = arith.constant 3 : i32
      %add3A_389 = arith.addi %add3A_369, %add3A_388 : i32
      %get3A_390 = arith.index_cast %add3A_389 : i32 to index
      %get3A_391 = arith.constant 0 : index
      %get3A_392 = tpu.vector_load %arg4[%get3A_390, %get3A_391] {strides = array<i32>} : memref<256x128xf32, #tpu.memory_space<vmem>>, vector<1x16xf32>,
      %get3A_393 = vector.shape_cast %get3A_392 : vector<1x16xf32> to vector<16xf32>
      %max3A_394 = arith.maximumf %get3A_375, %get3A_381 : vector<16xf32>
      %jit3A_395 = arith.constant 0.000000e+00 : f32
      %broadcast_in_dim3A_396 = vector.broadcast %jit3A_395 : f32 to vector<16xf32>
      %select_n3A_397 = arith.select %lt3A_365, %max3A_394, %broadcast_in_dim3A_396 : vector<16xi1>, vector<16xf32>
      %max3A_398 = arith.maximumf %max3A_356, %select_n3A_397 : vector<16xf32>
      %max3A_399 = arith.maximumf %get3A_387, %get3A_393 : vector<16xf32>
      %jit3A_400 = arith.constant 0.000000e+00 : f32
      %broadcast_in_dim3A_401 = vector.broadcast %jit3A_400 : f32 to vector<16xf32>
      %select_n3A_402 = arith.select %lt3A_365, %max3A_399, %broadcast_in_dim3A_401 : vector<16xi1>, vector<16xf32>
      %max3A_403 = arith.maximumf %max3A_361, %select_n3A_402 : vector<16xf32>
      %sub3A_404 = arith.constant 144 : i32
      %sub3A_405 = arith.subi %and3A_31, %sub3A_404 : i32
      %lt3A_406 = vector.broadcast %sub3A_405 : i32 to vector<16xi32>
      %lt3A_407 = arith.cmpi slt, %iota3A, %lt3A_406 : vector<16xi32>
      %mul3A_408 = arith.constant 16 : i32
      %mul3A_409 = arith.muli %scan3A_28, %mul3A_408 : i32
      %add3A_410 = arith.constant 4 : i32
      %add3A_411 = arith.addi %mul3A_409, %add3A_410 : i32
      %add3A_412 = arith.constant 0 : i32
      %add3A_413 = arith.addi %add3A_411, %add3A_412 : i32
      %get3A_414 = arith.index_cast %add3A_413 : i32 to index
      %get3A_415 = arith.constant 16 : index
      %get3A_416 = tpu.vector_load %arg4[%get3A_414, %get3A_415] {strides = array<i32>} : memref<256x128xf32, #tpu.memory_space<vmem>>, vector<1x16xf32>,
      %get3A_417 = vector.shape_cast %get3A_416 : vector<1x16xf32> to vector<16xf32>
      %add3A_418 = arith.constant 1 : i32
      %add3A_419 = arith.addi %add3A_411, %add3A_418 : i32
      %get3A_420 = arith.index_cast %add3A_419 : i32 to index
      %get3A_421 = arith.constant 16 : index
      %get3A_422 = tpu.vector_load %arg4[%get3A_420, %get3A_421] {strides = array<i32>} : memref<256x128xf32, #tpu.memory_space<vmem>>, vector<1x16xf32>,
      %get3A_423 = vector.shape_cast %get3A_422 : vector<1x16xf32> to vector<16xf32>
      %add3A_424 = arith.constant 2 : i32
      %add3A_425 = arith.addi %add3A_411, %add3A_424 : i32
      %get3A_426 = arith.index_cast %add3A_425 : i32 to index
      %get3A_427 = arith.constant 16 : index
      %get3A_428 = tpu.vector_load %arg4[%get3A_426, %get3A_427] {strides = array<i32>} : memref<256x128xf32, #tpu.memory_space<vmem>>, vector<1x16xf32>,
      %get3A_429 = vector.shape_cast %get3A_428 : vector<1x16xf32> to vector<16xf32>
      %add3A_430 = arith.constant 3 : i32
      %add3A_431 = arith.addi %add3A_411, %add3A_430 : i32
      %get3A_432 = arith.index_cast %add3A_431 : i32 to index
      %get3A_433 = arith.constant 16 : index
      %get3A_434 = tpu.vector_load %arg4[%get3A_432, %get3A_433] {strides = array<i32>} : memref<256x128xf32, #tpu.memory_space<vmem>>, vector<1x16xf32>,
      %get3A_435 = vector.shape_cast %get3A_434 : vector<1x16xf32> to vector<16xf32>
      %max3A_436 = arith.maximumf %get3A_417, %get3A_423 : vector<16xf32>
      %jit3A_437 = arith.constant 0.000000e+00 : f32
      %broadcast_in_dim3A_438 = vector.broadcast %jit3A_437 : f32 to vector<16xf32>
      %select_n3A_439 = arith.select %lt3A_407, %max3A_436, %broadcast_in_dim3A_438 : vector<16xi1>, vector<16xf32>
      %max3A_440 = arith.maximumf %max3A_398, %select_n3A_439 : vector<16xf32>
      %max3A_441 = arith.maximumf %get3A_429, %get3A_435 : vector<16xf32>
      %jit3A_442 = arith.constant 0.000000e+00 : f32
      %broadcast_in_dim3A_443 = vector.broadcast %jit3A_442 : f32 to vector<16xf32>
      %select_n3A_444 = arith.select %lt3A_407, %max3A_441, %broadcast_in_dim3A_443 : vector<16xi1>, vector<16xf32>
      %max3A_445 = arith.maximumf %max3A_403, %select_n3A_444 : vector<16xf32>
      %sub3A_446 = arith.constant 160 : i32
      %sub3A_447 = arith.subi %and3A_31, %sub3A_446 : i32
      %lt3A_448 = vector.broadcast %sub3A_447 : i32 to vector<16xi32>
      %lt3A_449 = arith.cmpi slt, %iota3A, %lt3A_448 : vector<16xi32>
      %mul3A_450 = arith.constant 16 : i32
      %mul3A_451 = arith.muli %scan3A_28, %mul3A_450 : i32
      %add3A_452 = arith.constant 4 : i32
      %add3A_453 = arith.addi %mul3A_451, %add3A_452 : i32
      %add3A_454 = arith.constant 0 : i32
      %add3A_455 = arith.addi %add3A_453, %add3A_454 : i32
      %get3A_456 = arith.index_cast %add3A_455 : i32 to index
      %get3A_457 = arith.constant 32 : index
      %get3A_458 = tpu.vector_load %arg4[%get3A_456, %get3A_457] {strides = array<i32>} : memref<256x128xf32, #tpu.memory_space<vmem>>, vector<1x16xf32>,
      %get3A_459 = vector.shape_cast %get3A_458 : vector<1x16xf32> to vector<16xf32>
      %add3A_460 = arith.constant 1 : i32
      %add3A_461 = arith.addi %add3A_453, %add3A_460 : i32
      %get3A_462 = arith.index_cast %add3A_461 : i32 to index
      %get3A_463 = arith.constant 32 : index
      %get3A_464 = tpu.vector_load %arg4[%get3A_462, %get3A_463] {strides = array<i32>} : memref<256x128xf32, #tpu.memory_space<vmem>>, vector<1x16xf32>,
      %get3A_465 = vector.shape_cast %get3A_464 : vector<1x16xf32> to vector<16xf32>
      %add3A_466 = arith.constant 2 : i32
      %add3A_467 = arith.addi %add3A_453, %add3A_466 : i32
      %get3A_468 = arith.index_cast %add3A_467 : i32 to index
      %get3A_469 = arith.constant 32 : index
      %get3A_470 = tpu.vector_load %arg4[%get3A_468, %get3A_469] {strides = array<i32>} : memref<256x128xf32, #tpu.memory_space<vmem>>, vector<1x16xf32>,
      %get3A_471 = vector.shape_cast %get3A_470 : vector<1x16xf32> to vector<16xf32>
      %add3A_472 = arith.constant 3 : i32
      %add3A_473 = arith.addi %add3A_453, %add3A_472 : i32
      %get3A_474 = arith.index_cast %add3A_473 : i32 to index
      %get3A_475 = arith.constant 32 : index
      %get3A_476 = tpu.vector_load %arg4[%get3A_474, %get3A_475] {strides = array<i32>} : memref<256x128xf32, #tpu.memory_space<vmem>>, vector<1x16xf32>,
      %get3A_477 = vector.shape_cast %get3A_476 : vector<1x16xf32> to vector<16xf32>
      %max3A_478 = arith.maximumf %get3A_459, %get3A_465 : vector<16xf32>
      %jit3A_479 = arith.constant 0.000000e+00 : f32
      %broadcast_in_dim3A_480 = vector.broadcast %jit3A_479 : f32 to vector<16xf32>
      %select_n3A_481 = arith.select %lt3A_449, %max3A_478, %broadcast_in_dim3A_480 : vector<16xi1>, vector<16xf32>
      %max3A_482 = arith.maximumf %max3A_440, %select_n3A_481 : vector<16xf32>
      %max3A_483 = arith.maximumf %get3A_471, %get3A_477 : vector<16xf32>
      %jit3A_484 = arith.constant 0.000000e+00 : f32
      %broadcast_in_dim3A_485 = vector.broadcast %jit3A_484 : f32 to vector<16xf32>
      %select_n3A_486 = arith.select %lt3A_449, %max3A_483, %broadcast_in_dim3A_485 : vector<16xi1>, vector<16xf32>
      %max3A_487 = arith.maximumf %max3A_445, %select_n3A_486 : vector<16xf32>
      %sub3A_488 = arith.constant 176 : i32
      %sub3A_489 = arith.subi %and3A_31, %sub3A_488 : i32
      %lt3A_490 = vector.broadcast %sub3A_489 : i32 to vector<16xi32>
      %lt3A_491 = arith.cmpi slt, %iota3A, %lt3A_490 : vector<16xi32>
      %mul3A_492 = arith.constant 16 : i32
      %mul3A_493 = arith.muli %scan3A_28, %mul3A_492 : i32
      %add3A_494 = arith.constant 4 : i32
      %add3A_495 = arith.addi %mul3A_493, %add3A_494 : i32
      %add3A_496 = arith.constant 0 : i32
      %add3A_497 = arith.addi %add3A_495, %add3A_496 : i32
      %get3A_498 = arith.index_cast %add3A_497 : i32 to index
      %get3A_499 = arith.constant 48 : index
      %get3A_500 = tpu.vector_load %arg4[%get3A_498, %get3A_499] {strides = array<i32>} : memref<256x128xf32, #tpu.memory_space<vmem>>, vector<1x16xf32>,
      %get3A_501 = vector.shape_cast %get3A_500 : vector<1x16xf32> to vector<16xf32>
      %add3A_502 = arith.constant 1 : i32
      %add3A_503 = arith.addi %add3A_495, %add3A_502 : i32
      %get3A_504 = arith.index_cast %add3A_503 : i32 to index
      %get3A_505 = arith.constant 48 : index
      %get3A_506 = tpu.vector_load %arg4[%get3A_504, %get3A_505] {strides = array<i32>} : memref<256x128xf32, #tpu.memory_space<vmem>>, vector<1x16xf32>,
      %get3A_507 = vector.shape_cast %get3A_506 : vector<1x16xf32> to vector<16xf32>
      %add3A_508 = arith.constant 2 : i32
      %add3A_509 = arith.addi %add3A_495, %add3A_508 : i32
      %get3A_510 = arith.index_cast %add3A_509 : i32 to index
      %get3A_511 = arith.constant 48 : index
      %get3A_512 = tpu.vector_load %arg4[%get3A_510, %get3A_511] {strides = array<i32>} : memref<256x128xf32, #tpu.memory_space<vmem>>, vector<1x16xf32>,
      %get3A_513 = vector.shape_cast %get3A_512 : vector<1x16xf32> to vector<16xf32>
      %add3A_514 = arith.constant 3 : i32
      %add3A_515 = arith.addi %add3A_495, %add3A_514 : i32
      %get3A_516 = arith.index_cast %add3A_515 : i32 to index
      %get3A_517 = arith.constant 48 : index
      %get3A_518 = tpu.vector_load %arg4[%get3A_516, %get3A_517] {strides = array<i32>} : memref<256x128xf32, #tpu.memory_space<vmem>>, vector<1x16xf32>,
      %get3A_519 = vector.shape_cast %get3A_518 : vector<1x16xf32> to vector<16xf32>
      %max3A_520 = arith.maximumf %get3A_501, %get3A_507 : vector<16xf32>
      %jit3A_521 = arith.constant 0.000000e+00 : f32
      %broadcast_in_dim3A_522 = vector.broadcast %jit3A_521 : f32 to vector<16xf32>
      %select_n3A_523 = arith.select %lt3A_491, %max3A_520, %broadcast_in_dim3A_522 : vector<16xi1>, vector<16xf32>
      %max3A_524 = arith.maximumf %max3A_482, %select_n3A_523 : vector<16xf32>
      %max3A_525 = arith.maximumf %get3A_513, %get3A_519 : vector<16xf32>
      %jit3A_526 = arith.constant 0.000000e+00 : f32
      %broadcast_in_dim3A_527 = vector.broadcast %jit3A_526 : f32 to vector<16xf32>
      %select_n3A_528 = arith.select %lt3A_491, %max3A_525, %broadcast_in_dim3A_527 : vector<16xi1>, vector<16xf32>
      %max3A_529 = arith.maximumf %max3A_487, %select_n3A_528 : vector<16xf32>
      %sub3A_530 = arith.constant 192 : i32
      %sub3A_531 = arith.subi %and3A_31, %sub3A_530 : i32
      %lt3A_532 = vector.broadcast %sub3A_531 : i32 to vector<16xi32>
      %lt3A_533 = arith.cmpi slt, %iota3A, %lt3A_532 : vector<16xi32>
      %mul3A_534 = arith.constant 16 : i32
      %mul3A_535 = arith.muli %scan3A_28, %mul3A_534 : i32
      %add3A_536 = arith.constant 4 : i32
      %add3A_537 = arith.addi %mul3A_535, %add3A_536 : i32
      %add3A_538 = arith.constant 0 : i32
      %add3A_539 = arith.addi %add3A_537, %add3A_538 : i32
      %get3A_540 = arith.index_cast %add3A_539 : i32 to index
      %get3A_541 = arith.constant 64 : index
      %get3A_542 = tpu.vector_load %arg4[%get3A_540, %get3A_541] {strides = array<i32>} : memref<256x128xf32, #tpu.memory_space<vmem>>, vector<1x16xf32>,
      %get3A_543 = vector.shape_cast %get3A_542 : vector<1x16xf32> to vector<16xf32>
      %add3A_544 = arith.constant 1 : i32
      %add3A_545 = arith.addi %add3A_537, %add3A_544 : i32
      %get3A_546 = arith.index_cast %add3A_545 : i32 to index
      %get3A_547 = arith.constant 64 : index
      %get3A_548 = tpu.vector_load %arg4[%get3A_546, %get3A_547] {strides = array<i32>} : memref<256x128xf32, #tpu.memory_space<vmem>>, vector<1x16xf32>,
      %get3A_549 = vector.shape_cast %get3A_548 : vector<1x16xf32> to vector<16xf32>
      %add3A_550 = arith.constant 2 : i32
      %add3A_551 = arith.addi %add3A_537, %add3A_550 : i32
      %get3A_552 = arith.index_cast %add3A_551 : i32 to index
      %get3A_553 = arith.constant 64 : index
      %get3A_554 = tpu.vector_load %arg4[%get3A_552, %get3A_553] {strides = array<i32>} : memref<256x128xf32, #tpu.memory_space<vmem>>, vector<1x16xf32>,
      %get3A_555 = vector.shape_cast %get3A_554 : vector<1x16xf32> to vector<16xf32>
      %add3A_556 = arith.constant 3 : i32
      %add3A_557 = arith.addi %add3A_537, %add3A_556 : i32
      %get3A_558 = arith.index_cast %add3A_557 : i32 to index
      %get3A_559 = arith.constant 64 : index
      %get3A_560 = tpu.vector_load %arg4[%get3A_558, %get3A_559] {strides = array<i32>} : memref<256x128xf32, #tpu.memory_space<vmem>>, vector<1x16xf32>,
      %get3A_561 = vector.shape_cast %get3A_560 : vector<1x16xf32> to vector<16xf32>
      %max3A_562 = arith.maximumf %get3A_543, %get3A_549 : vector<16xf32>
      %jit3A_563 = arith.constant 0.000000e+00 : f32
      %broadcast_in_dim3A_564 = vector.broadcast %jit3A_563 : f32 to vector<16xf32>
      %select_n3A_565 = arith.select %lt3A_533, %max3A_562, %broadcast_in_dim3A_564 : vector<16xi1>, vector<16xf32>
      %max3A_566 = arith.maximumf %max3A_524, %select_n3A_565 : vector<16xf32>
      %max3A_567 = arith.maximumf %get3A_555, %get3A_561 : vector<16xf32>
      %jit3A_568 = arith.constant 0.000000e+00 : f32
      %broadcast_in_dim3A_569 = vector.broadcast %jit3A_568 : f32 to vector<16xf32>
      %select_n3A_570 = arith.select %lt3A_533, %max3A_567, %broadcast_in_dim3A_569 : vector<16xi1>, vector<16xf32>
      %max3A_571 = arith.maximumf %max3A_529, %select_n3A_570 : vector<16xf32>
      %sub3A_572 = arith.constant 208 : i32
      %sub3A_573 = arith.subi %and3A_31, %sub3A_572 : i32
      %lt3A_574 = vector.broadcast %sub3A_573 : i32 to vector<16xi32>
      %lt3A_575 = arith.cmpi slt, %iota3A, %lt3A_574 : vector<16xi32>
      %mul3A_576 = arith.constant 16 : i32
      %mul3A_577 = arith.muli %scan3A_28, %mul3A_576 : i32
      %add3A_578 = arith.constant 4 : i32
      %add3A_579 = arith.addi %mul3A_577, %add3A_578 : i32
      %add3A_580 = arith.constant 0 : i32
      %add3A_581 = arith.addi %add3A_579, %add3A_580 : i32
      %get3A_582 = arith.index_cast %add3A_581 : i32 to index
      %get3A_583 = arith.constant 80 : index
      %get3A_584 = tpu.vector_load %arg4[%get3A_582, %get3A_583] {strides = array<i32>} : memref<256x128xf32, #tpu.memory_space<vmem>>, vector<1x16xf32>,
      %get3A_585 = vector.shape_cast %get3A_584 : vector<1x16xf32> to vector<16xf32>
      %add3A_586 = arith.constant 1 : i32
      %add3A_587 = arith.addi %add3A_579, %add3A_586 : i32
      %get3A_588 = arith.index_cast %add3A_587 : i32 to index
      %get3A_589 = arith.constant 80 : index
      %get3A_590 = tpu.vector_load %arg4[%get3A_588, %get3A_589] {strides = array<i32>} : memref<256x128xf32, #tpu.memory_space<vmem>>, vector<1x16xf32>,
      %get3A_591 = vector.shape_cast %get3A_590 : vector<1x16xf32> to vector<16xf32>
      %add3A_592 = arith.constant 2 : i32
      %add3A_593 = arith.addi %add3A_579, %add3A_592 : i32
      %get3A_594 = arith.index_cast %add3A_593 : i32 to index
      %get3A_595 = arith.constant 80 : index
      %get3A_596 = tpu.vector_load %arg4[%get3A_594, %get3A_595] {strides = array<i32>} : memref<256x128xf32, #tpu.memory_space<vmem>>, vector<1x16xf32>,
      %get3A_597 = vector.shape_cast %get3A_596 : vector<1x16xf32> to vector<16xf32>
      %add3A_598 = arith.constant 3 : i32
      %add3A_599 = arith.addi %add3A_579, %add3A_598 : i32
      %get3A_600 = arith.index_cast %add3A_599 : i32 to index
      %get3A_601 = arith.constant 80 : index
      %get3A_602 = tpu.vector_load %arg4[%get3A_600, %get3A_601] {strides = array<i32>} : memref<256x128xf32, #tpu.memory_space<vmem>>, vector<1x16xf32>,
      %get3A_603 = vector.shape_cast %get3A_602 : vector<1x16xf32> to vector<16xf32>
      %max3A_604 = arith.maximumf %get3A_585, %get3A_591 : vector<16xf32>
      %jit3A_605 = arith.constant 0.000000e+00 : f32
      %broadcast_in_dim3A_606 = vector.broadcast %jit3A_605 : f32 to vector<16xf32>
      %select_n3A_607 = arith.select %lt3A_575, %max3A_604, %broadcast_in_dim3A_606 : vector<16xi1>, vector<16xf32>
      %max3A_608 = arith.maximumf %max3A_566, %select_n3A_607 : vector<16xf32>
      %max3A_609 = arith.maximumf %get3A_597, %get3A_603 : vector<16xf32>
      %jit3A_610 = arith.constant 0.000000e+00 : f32
      %broadcast_in_dim3A_611 = vector.broadcast %jit3A_610 : f32 to vector<16xf32>
      %select_n3A_612 = arith.select %lt3A_575, %max3A_609, %broadcast_in_dim3A_611 : vector<16xi1>, vector<16xf32>
      %max3A_613 = arith.maximumf %max3A_571, %select_n3A_612 : vector<16xf32>
      %sub3A_614 = arith.constant 224 : i32
      %sub3A_615 = arith.subi %and3A_31, %sub3A_614 : i32
      %lt3A_616 = vector.broadcast %sub3A_615 : i32 to vector<16xi32>
      %lt3A_617 = arith.cmpi slt, %iota3A, %lt3A_616 : vector<16xi32>
      %mul3A_618 = arith.constant 16 : i32
      %mul3A_619 = arith.muli %scan3A_28, %mul3A_618 : i32
      %add3A_620 = arith.constant 4 : i32
      %add3A_621 = arith.addi %mul3A_619, %add3A_620 : i32
      %add3A_622 = arith.constant 0 : i32
      %add3A_623 = arith.addi %add3A_621, %add3A_622 : i32
      %get3A_624 = arith.index_cast %add3A_623 : i32 to index
      %get3A_625 = arith.constant 96 : index
      %get3A_626 = tpu.vector_load %arg4[%get3A_624, %get3A_625] {strides = array<i32>} : memref<256x128xf32, #tpu.memory_space<vmem>>, vector<1x16xf32>,
      %get3A_627 = vector.shape_cast %get3A_626 : vector<1x16xf32> to vector<16xf32>
      %add3A_628 = arith.constant 1 : i32
      %add3A_629 = arith.addi %add3A_621, %add3A_628 : i32
      %get3A_630 = arith.index_cast %add3A_629 : i32 to index
      %get3A_631 = arith.constant 96 : index
      %get3A_632 = tpu.vector_load %arg4[%get3A_630, %get3A_631] {strides = array<i32>} : memref<256x128xf32, #tpu.memory_space<vmem>>, vector<1x16xf32>,
      %get3A_633 = vector.shape_cast %get3A_632 : vector<1x16xf32> to vector<16xf32>
      %add3A_634 = arith.constant 2 : i32
      %add3A_635 = arith.addi %add3A_621, %add3A_634 : i32
      %get3A_636 = arith.index_cast %add3A_635 : i32 to index
      %get3A_637 = arith.constant 96 : index
      %get3A_638 = tpu.vector_load %arg4[%get3A_636, %get3A_637] {strides = array<i32>} : memref<256x128xf32, #tpu.memory_space<vmem>>, vector<1x16xf32>,
      %get3A_639 = vector.shape_cast %get3A_638 : vector<1x16xf32> to vector<16xf32>
      %add3A_640 = arith.constant 3 : i32
      %add3A_641 = arith.addi %add3A_621, %add3A_640 : i32
      %get3A_642 = arith.index_cast %add3A_641 : i32 to index
      %get3A_643 = arith.constant 96 : index
      %get3A_644 = tpu.vector_load %arg4[%get3A_642, %get3A_643] {strides = array<i32>} : memref<256x128xf32, #tpu.memory_space<vmem>>, vector<1x16xf32>,
      %get3A_645 = vector.shape_cast %get3A_644 : vector<1x16xf32> to vector<16xf32>
      %max3A_646 = arith.maximumf %get3A_627, %get3A_633 : vector<16xf32>
      %jit3A_647 = arith.constant 0.000000e+00 : f32
      %broadcast_in_dim3A_648 = vector.broadcast %jit3A_647 : f32 to vector<16xf32>
      %select_n3A_649 = arith.select %lt3A_617, %max3A_646, %broadcast_in_dim3A_648 : vector<16xi1>, vector<16xf32>
      %max3A_650 = arith.maximumf %max3A_608, %select_n3A_649 : vector<16xf32>
      %max3A_651 = arith.maximumf %get3A_639, %get3A_645 : vector<16xf32>
      %jit3A_652 = arith.constant 0.000000e+00 : f32
      %broadcast_in_dim3A_653 = vector.broadcast %jit3A_652 : f32 to vector<16xf32>
      %select_n3A_654 = arith.select %lt3A_617, %max3A_651, %broadcast_in_dim3A_653 : vector<16xi1>, vector<16xf32>
      %max3A_655 = arith.maximumf %max3A_613, %select_n3A_654 : vector<16xf32>
      %sub3A_656 = arith.constant 240 : i32
      %sub3A_657 = arith.subi %and3A_31, %sub3A_656 : i32
      %lt3A_658 = vector.broadcast %sub3A_657 : i32 to vector<16xi32>
      %lt3A_659 = arith.cmpi slt, %iota3A, %lt3A_658 : vector<16xi32>
      %mul3A_660 = arith.constant 16 : i32
      %mul3A_661 = arith.muli %scan3A_28, %mul3A_660 : i32
      %add3A_662 = arith.constant 4 : i32
      %add3A_663 = arith.addi %mul3A_661, %add3A_662 : i32
      %add3A_664 = arith.constant 0 : i32
      %add3A_665 = arith.addi %add3A_663, %add3A_664 : i32
      %get3A_666 = arith.index_cast %add3A_665 : i32 to index
      %get3A_667 = arith.constant 112 : index
      %get3A_668 = tpu.vector_load %arg4[%get3A_666, %get3A_667] {strides = array<i32>} : memref<256x128xf32, #tpu.memory_space<vmem>>, vector<1x16xf32>,
      %get3A_669 = vector.shape_cast %get3A_668 : vector<1x16xf32> to vector<16xf32>
      %add3A_670 = arith.constant 1 : i32
      %add3A_671 = arith.addi %add3A_663, %add3A_670 : i32
      %get3A_672 = arith.index_cast %add3A_671 : i32 to index
      %get3A_673 = arith.constant 112 : index
      %get3A_674 = tpu.vector_load %arg4[%get3A_672, %get3A_673] {strides = array<i32>} : memref<256x128xf32, #tpu.memory_space<vmem>>, vector<1x16xf32>,
      %get3A_675 = vector.shape_cast %get3A_674 : vector<1x16xf32> to vector<16xf32>
      %add3A_676 = arith.constant 2 : i32
      %add3A_677 = arith.addi %add3A_663, %add3A_676 : i32
      %get3A_678 = arith.index_cast %add3A_677 : i32 to index
      %get3A_679 = arith.constant 112 : index
      %get3A_680 = tpu.vector_load %arg4[%get3A_678, %get3A_679] {strides = array<i32>} : memref<256x128xf32, #tpu.memory_space<vmem>>, vector<1x16xf32>,
      %get3A_681 = vector.shape_cast %get3A_680 : vector<1x16xf32> to vector<16xf32>
      %add3A_682 = arith.constant 3 : i32
      %add3A_683 = arith.addi %add3A_663, %add3A_682 : i32
      %get3A_684 = arith.index_cast %add3A_683 : i32 to index
      %get3A_685 = arith.constant 112 : index
      %get3A_686 = tpu.vector_load %arg4[%get3A_684, %get3A_685] {strides = array<i32>} : memref<256x128xf32, #tpu.memory_space<vmem>>, vector<1x16xf32>,
      %get3A_687 = vector.shape_cast %get3A_686 : vector<1x16xf32> to vector<16xf32>
      %max3A_688 = arith.maximumf %get3A_669, %get3A_675 : vector<16xf32>
      %jit3A_689 = arith.constant 0.000000e+00 : f32
      %broadcast_in_dim3A_690 = vector.broadcast %jit3A_689 : f32 to vector<16xf32>
      %select_n3A_691 = arith.select %lt3A_659, %max3A_688, %broadcast_in_dim3A_690 : vector<16xi1>, vector<16xf32>
      %max3A_692 = arith.maximumf %max3A_650, %select_n3A_691 : vector<16xf32>
      %max3A_693 = arith.maximumf %get3A_681, %get3A_687 : vector<16xf32>
      %jit3A_694 = arith.constant 0.000000e+00 : f32
      %broadcast_in_dim3A_695 = vector.broadcast %jit3A_694 : f32 to vector<16xf32>
      %select_n3A_696 = arith.select %lt3A_659, %max3A_693, %broadcast_in_dim3A_695 : vector<16xi1>, vector<16xf32>
      %max3A_697 = arith.maximumf %max3A_655, %select_n3A_696 : vector<16xf32>
      %sub3A_698 = arith.constant 256 : i32
      %sub3A_699 = arith.subi %and3A_31, %sub3A_698 : i32
      %lt3A_700 = vector.broadcast %sub3A_699 : i32 to vector<16xi32>
      %lt3A_701 = arith.cmpi slt, %iota3A, %lt3A_700 : vector<16xi32>
      %mul3A_702 = arith.constant 16 : i32
      %mul3A_703 = arith.muli %scan3A_28, %mul3A_702 : i32
      %add3A_704 = arith.constant 8 : i32
      %add3A_705 = arith.addi %mul3A_703, %add3A_704 : i32
      %add3A_706 = arith.constant 0 : i32
      %add3A_707 = arith.addi %add3A_705, %add3A_706 : i32
      %get3A_708 = arith.index_cast %add3A_707 : i32 to index
      %get3A_709 = arith.constant 0 : index
      %get3A_710 = tpu.vector_load %arg4[%get3A_708, %get3A_709] {strides = array<i32>} : memref<256x128xf32, #tpu.memory_space<vmem>>, vector<1x16xf32>,
      %get3A_711 = vector.shape_cast %get3A_710 : vector<1x16xf32> to vector<16xf32>
      %add3A_712 = arith.constant 1 : i32
      %add3A_713 = arith.addi %add3A_705, %add3A_712 : i32
      %get3A_714 = arith.index_cast %add3A_713 : i32 to index
      %get3A_715 = arith.constant 0 : index
      %get3A_716 = tpu.vector_load %arg4[%get3A_714, %get3A_715] {strides = array<i32>} : memref<256x128xf32, #tpu.memory_space<vmem>>, vector<1x16xf32>,
      %get3A_717 = vector.shape_cast %get3A_716 : vector<1x16xf32> to vector<16xf32>
      %add3A_718 = arith.constant 2 : i32
      %add3A_719 = arith.addi %add3A_705, %add3A_718 : i32
      %get3A_720 = arith.index_cast %add3A_719 : i32 to index
      %get3A_721 = arith.constant 0 : index
      %get3A_722 = tpu.vector_load %arg4[%get3A_720, %get3A_721] {strides = array<i32>} : memref<256x128xf32, #tpu.memory_space<vmem>>, vector<1x16xf32>,
      %get3A_723 = vector.shape_cast %get3A_722 : vector<1x16xf32> to vector<16xf32>
      %add3A_724 = arith.constant 3 : i32
      %add3A_725 = arith.addi %add3A_705, %add3A_724 : i32
      %get3A_726 = arith.index_cast %add3A_725 : i32 to index
      %get3A_727 = arith.constant 0 : index
      %get3A_728 = tpu.vector_load %arg4[%get3A_726, %get3A_727] {strides = array<i32>} : memref<256x128xf32, #tpu.memory_space<vmem>>, vector<1x16xf32>,
      %get3A_729 = vector.shape_cast %get3A_728 : vector<1x16xf32> to vector<16xf32>
      %max3A_730 = arith.maximumf %get3A_711, %get3A_717 : vector<16xf32>
      %jit3A_731 = arith.constant 0.000000e+00 : f32
      %broadcast_in_dim3A_732 = vector.broadcast %jit3A_731 : f32 to vector<16xf32>
      %select_n3A_733 = arith.select %lt3A_701, %max3A_730, %broadcast_in_dim3A_732 : vector<16xi1>, vector<16xf32>
      %max3A_734 = arith.maximumf %max3A_692, %select_n3A_733 : vector<16xf32>
      %max3A_735 = arith.maximumf %get3A_723, %get3A_729 : vector<16xf32>
      %jit3A_736 = arith.constant 0.000000e+00 : f32
      %broadcast_in_dim3A_737 = vector.broadcast %jit3A_736 : f32 to vector<16xf32>
      %select_n3A_738 = arith.select %lt3A_701, %max3A_735, %broadcast_in_dim3A_737 : vector<16xi1>, vector<16xf32>
      %max3A_739 = arith.maximumf %max3A_697, %select_n3A_738 : vector<16xf32>
      %sub3A_740 = arith.constant 272 : i32
      %sub3A_741 = arith.subi %and3A_31, %sub3A_740 : i32
      %lt3A_742 = vector.broadcast %sub3A_741 : i32 to vector<16xi32>
      %lt3A_743 = arith.cmpi slt, %iota3A, %lt3A_742 : vector<16xi32>
      %mul3A_744 = arith.constant 16 : i32
      %mul3A_745 = arith.muli %scan3A_28, %mul3A_744 : i32
      %add3A_746 = arith.constant 8 : i32
      %add3A_747 = arith.addi %mul3A_745, %add3A_746 : i32
      %add3A_748 = arith.constant 0 : i32
      %add3A_749 = arith.addi %add3A_747, %add3A_748 : i32
      %get3A_750 = arith.index_cast %add3A_749 : i32 to index
      %get3A_751 = arith.constant 16 : index
      %get3A_752 = tpu.vector_load %arg4[%get3A_750, %get3A_751] {strides = array<i32>} : memref<256x128xf32, #tpu.memory_space<vmem>>, vector<1x16xf32>,
      %get3A_753 = vector.shape_cast %get3A_752 : vector<1x16xf32> to vector<16xf32>
      %add3A_754 = arith.constant 1 : i32
      %add3A_755 = arith.addi %add3A_747, %add3A_754 : i32
      %get3A_756 = arith.index_cast %add3A_755 : i32 to index
      %get3A_757 = arith.constant 16 : index
      %get3A_758 = tpu.vector_load %arg4[%get3A_756, %get3A_757] {strides = array<i32>} : memref<256x128xf32, #tpu.memory_space<vmem>>, vector<1x16xf32>,
      %get3A_759 = vector.shape_cast %get3A_758 : vector<1x16xf32> to vector<16xf32>
      %add3A_760 = arith.constant 2 : i32
      %add3A_761 = arith.addi %add3A_747, %add3A_760 : i32
      %get3A_762 = arith.index_cast %add3A_761 : i32 to index
      %get3A_763 = arith.constant 16 : index
      %get3A_764 = tpu.vector_load %arg4[%get3A_762, %get3A_763] {strides = array<i32>} : memref<256x128xf32, #tpu.memory_space<vmem>>, vector<1x16xf32>,
      %get3A_765 = vector.shape_cast %get3A_764 : vector<1x16xf32> to vector<16xf32>
      %add3A_766 = arith.constant 3 : i32
      %add3A_767 = arith.addi %add3A_747, %add3A_766 : i32
      %get3A_768 = arith.index_cast %add3A_767 : i32 to index
      %get3A_769 = arith.constant 16 : index
      %get3A_770 = tpu.vector_load %arg4[%get3A_768, %get3A_769] {strides = array<i32>} : memref<256x128xf32, #tpu.memory_space<vmem>>, vector<1x16xf32>,
      %get3A_771 = vector.shape_cast %get3A_770 : vector<1x16xf32> to vector<16xf32>
      %max3A_772 = arith.maximumf %get3A_753, %get3A_759 : vector<16xf32>
      %jit3A_773 = arith.constant 0.000000e+00 : f32
      %broadcast_in_dim3A_774 = vector.broadcast %jit3A_773 : f32 to vector<16xf32>
      %select_n3A_775 = arith.select %lt3A_743, %max3A_772, %broadcast_in_dim3A_774 : vector<16xi1>, vector<16xf32>
      %max3A_776 = arith.maximumf %max3A_734, %select_n3A_775 : vector<16xf32>
      %max3A_777 = arith.maximumf %get3A_765, %get3A_771 : vector<16xf32>
      %jit3A_778 = arith.constant 0.000000e+00 : f32
      %broadcast_in_dim3A_779 = vector.broadcast %jit3A_778 : f32 to vector<16xf32>
      %select_n3A_780 = arith.select %lt3A_743, %max3A_777, %broadcast_in_dim3A_779 : vector<16xi1>, vector<16xf32>
      %max3A_781 = arith.maximumf %max3A_739, %select_n3A_780 : vector<16xf32>
      %sub3A_782 = arith.constant 288 : i32
      %sub3A_783 = arith.subi %and3A_31, %sub3A_782 : i32
      %lt3A_784 = vector.broadcast %sub3A_783 : i32 to vector<16xi32>
      %lt3A_785 = arith.cmpi slt, %iota3A, %lt3A_784 : vector<16xi32>
      %mul3A_786 = arith.constant 16 : i32
      %mul3A_787 = arith.muli %scan3A_28, %mul3A_786 : i32
      %add3A_788 = arith.constant 8 : i32
      %add3A_789 = arith.addi %mul3A_787, %add3A_788 : i32
      %add3A_790 = arith.constant 0 : i32
      %add3A_791 = arith.addi %add3A_789, %add3A_790 : i32
      %get3A_792 = arith.index_cast %add3A_791 : i32 to index
      %get3A_793 = arith.constant 32 : index
      %get3A_794 = tpu.vector_load %arg4[%get3A_792, %get3A_793] {strides = array<i32>} : memref<256x128xf32, #tpu.memory_space<vmem>>, vector<1x16xf32>,
      %get3A_795 = vector.shape_cast %get3A_794 : vector<1x16xf32> to vector<16xf32>
      %add3A_796 = arith.constant 1 : i32
      %add3A_797 = arith.addi %add3A_789, %add3A_796 : i32
      %get3A_798 = arith.index_cast %add3A_797 : i32 to index
      %get3A_799 = arith.constant 32 : index
      %get3A_800 = tpu.vector_load %arg4[%get3A_798, %get3A_799] {strides = array<i32>} : memref<256x128xf32, #tpu.memory_space<vmem>>, vector<1x16xf32>,
      %get3A_801 = vector.shape_cast %get3A_800 : vector<1x16xf32> to vector<16xf32>
      %add3A_802 = arith.constant 2 : i32
      %add3A_803 = arith.addi %add3A_789, %add3A_802 : i32
      %get3A_804 = arith.index_cast %add3A_803 : i32 to index
      %get3A_805 = arith.constant 32 : index
      %get3A_806 = tpu.vector_load %arg4[%get3A_804, %get3A_805] {strides = array<i32>} : memref<256x128xf32, #tpu.memory_space<vmem>>, vector<1x16xf32>,
      %get3A_807 = vector.shape_cast %get3A_806 : vector<1x16xf32> to vector<16xf32>
      %add3A_808 = arith.constant 3 : i32
      %add3A_809 = arith.addi %add3A_789, %add3A_808 : i32
      %get3A_810 = arith.index_cast %add3A_809 : i32 to index
      %get3A_811 = arith.constant 32 : index
      %get3A_812 = tpu.vector_load %arg4[%get3A_810, %get3A_811] {strides = array<i32>} : memref<256x128xf32, #tpu.memory_space<vmem>>, vector<1x16xf32>,
      %get3A_813 = vector.shape_cast %get3A_812 : vector<1x16xf32> to vector<16xf32>
      %max3A_814 = arith.maximumf %get3A_795, %get3A_801 : vector<16xf32>
      %jit3A_815 = arith.constant 0.000000e+00 : f32
      %broadcast_in_dim3A_816 = vector.broadcast %jit3A_815 : f32 to vector<16xf32>
      %select_n3A_817 = arith.select %lt3A_785, %max3A_814, %broadcast_in_dim3A_816 : vector<16xi1>, vector<16xf32>
      %max3A_818 = arith.maximumf %max3A_776, %select_n3A_817 : vector<16xf32>
      %max3A_819 = arith.maximumf %get3A_807, %get3A_813 : vector<16xf32>
      %jit3A_820 = arith.constant 0.000000e+00 : f32
      %broadcast_in_dim3A_821 = vector.broadcast %jit3A_820 : f32 to vector<16xf32>
      %select_n3A_822 = arith.select %lt3A_785, %max3A_819, %broadcast_in_dim3A_821 : vector<16xi1>, vector<16xf32>
      %max3A_823 = arith.maximumf %max3A_781, %select_n3A_822 : vector<16xf32>
      %sub3A_824 = arith.constant 304 : i32
      %sub3A_825 = arith.subi %and3A_31, %sub3A_824 : i32
      %lt3A_826 = vector.broadcast %sub3A_825 : i32 to vector<16xi32>
      %lt3A_827 = arith.cmpi slt, %iota3A, %lt3A_826 : vector<16xi32>
      %mul3A_828 = arith.constant 16 : i32
      %mul3A_829 = arith.muli %scan3A_28, %mul3A_828 : i32
      %add3A_830 = arith.constant 8 : i32
      %add3A_831 = arith.addi %mul3A_829, %add3A_830 : i32
      %add3A_832 = arith.constant 0 : i32
      %add3A_833 = arith.addi %add3A_831, %add3A_832 : i32
      %get3A_834 = arith.index_cast %add3A_833 : i32 to index
      %get3A_835 = arith.constant 48 : index
      %get3A_836 = tpu.vector_load %arg4[%get3A_834, %get3A_835] {strides = array<i32>} : memref<256x128xf32, #tpu.memory_space<vmem>>, vector<1x16xf32>,
      %get3A_837 = vector.shape_cast %get3A_836 : vector<1x16xf32> to vector<16xf32>
      %add3A_838 = arith.constant 1 : i32
      %add3A_839 = arith.addi %add3A_831, %add3A_838 : i32
      %get3A_840 = arith.index_cast %add3A_839 : i32 to index
      %get3A_841 = arith.constant 48 : index
      %get3A_842 = tpu.vector_load %arg4[%get3A_840, %get3A_841] {strides = array<i32>} : memref<256x128xf32, #tpu.memory_space<vmem>>, vector<1x16xf32>,
      %get3A_843 = vector.shape_cast %get3A_842 : vector<1x16xf32> to vector<16xf32>
      %add3A_844 = arith.constant 2 : i32
      %add3A_845 = arith.addi %add3A_831, %add3A_844 : i32
      %get3A_846 = arith.index_cast %add3A_845 : i32 to index
      %get3A_847 = arith.constant 48 : index
      %get3A_848 = tpu.vector_load %arg4[%get3A_846, %get3A_847] {strides = array<i32>} : memref<256x128xf32, #tpu.memory_space<vmem>>, vector<1x16xf32>,
      %get3A_849 = vector.shape_cast %get3A_848 : vector<1x16xf32> to vector<16xf32>
      %add3A_850 = arith.constant 3 : i32
      %add3A_851 = arith.addi %add3A_831, %add3A_850 : i32
      %get3A_852 = arith.index_cast %add3A_851 : i32 to index
      %get3A_853 = arith.constant 48 : index
      %get3A_854 = tpu.vector_load %arg4[%get3A_852, %get3A_853] {strides = array<i32>} : memref<256x128xf32, #tpu.memory_space<vmem>>, vector<1x16xf32>,
      %get3A_855 = vector.shape_cast %get3A_854 : vector<1x16xf32> to vector<16xf32>
      %max3A_856 = arith.maximumf %get3A_837, %get3A_843 : vector<16xf32>
      %jit3A_857 = arith.constant 0.000000e+00 : f32
      %broadcast_in_dim3A_858 = vector.broadcast %jit3A_857 : f32 to vector<16xf32>
      %select_n3A_859 = arith.select %lt3A_827, %max3A_856, %broadcast_in_dim3A_858 : vector<16xi1>, vector<16xf32>
      %max3A_860 = arith.maximumf %max3A_818, %select_n3A_859 : vector<16xf32>
      %max3A_861 = arith.maximumf %get3A_849, %get3A_855 : vector<16xf32>
      %jit3A_862 = arith.constant 0.000000e+00 : f32
      %broadcast_in_dim3A_863 = vector.broadcast %jit3A_862 : f32 to vector<16xf32>
      %select_n3A_864 = arith.select %lt3A_827, %max3A_861, %broadcast_in_dim3A_863 : vector<16xi1>, vector<16xf32>
      %max3A_865 = arith.maximumf %max3A_823, %select_n3A_864 : vector<16xf32>
      %sub3A_866 = arith.constant 320 : i32
      %sub3A_867 = arith.subi %and3A_31, %sub3A_866 : i32
      %lt3A_868 = vector.broadcast %sub3A_867 : i32 to vector<16xi32>
      %lt3A_869 = arith.cmpi slt, %iota3A, %lt3A_868 : vector<16xi32>
      %mul3A_870 = arith.constant 16 : i32
      %mul3A_871 = arith.muli %scan3A_28, %mul3A_870 : i32
      %add3A_872 = arith.constant 8 : i32
      %add3A_873 = arith.addi %mul3A_871, %add3A_872 : i32
      %add3A_874 = arith.constant 0 : i32
      %add3A_875 = arith.addi %add3A_873, %add3A_874 : i32
      %get3A_876 = arith.index_cast %add3A_875 : i32 to index
      %get3A_877 = arith.constant 64 : index
      %get3A_878 = tpu.vector_load %arg4[%get3A_876, %get3A_877] {strides = array<i32>} : memref<256x128xf32, #tpu.memory_space<vmem>>, vector<1x16xf32>,
      %get3A_879 = vector.shape_cast %get3A_878 : vector<1x16xf32> to vector<16xf32>
      %add3A_880 = arith.constant 1 : i32
      %add3A_881 = arith.addi %add3A_873, %add3A_880 : i32
      %get3A_882 = arith.index_cast %add3A_881 : i32 to index
      %get3A_883 = arith.constant 64 : index
      %get3A_884 = tpu.vector_load %arg4[%get3A_882, %get3A_883] {strides = array<i32>} : memref<256x128xf32, #tpu.memory_space<vmem>>, vector<1x16xf32>,
      %get3A_885 = vector.shape_cast %get3A_884 : vector<1x16xf32> to vector<16xf32>
      %add3A_886 = arith.constant 2 : i32
      %add3A_887 = arith.addi %add3A_873, %add3A_886 : i32
      %get3A_888 = arith.index_cast %add3A_887 : i32 to index
      %get3A_889 = arith.constant 64 : index
      %get3A_890 = tpu.vector_load %arg4[%get3A_888, %get3A_889] {strides = array<i32>} : memref<256x128xf32, #tpu.memory_space<vmem>>, vector<1x16xf32>,
      %get3A_891 = vector.shape_cast %get3A_890 : vector<1x16xf32> to vector<16xf32>
      %add3A_892 = arith.constant 3 : i32
      %add3A_893 = arith.addi %add3A_873, %add3A_892 : i32
      %get3A_894 = arith.index_cast %add3A_893 : i32 to index
      %get3A_895 = arith.constant 64 : index
      %get3A_896 = tpu.vector_load %arg4[%get3A_894, %get3A_895] {strides = array<i32>} : memref<256x128xf32, #tpu.memory_space<vmem>>, vector<1x16xf32>,
      %get3A_897 = vector.shape_cast %get3A_896 : vector<1x16xf32> to vector<16xf32>
      %max3A_898 = arith.maximumf %get3A_879, %get3A_885 : vector<16xf32>
      %jit3A_899 = arith.constant 0.000000e+00 : f32
      %broadcast_in_dim3A_900 = vector.broadcast %jit3A_899 : f32 to vector<16xf32>
      %select_n3A_901 = arith.select %lt3A_869, %max3A_898, %broadcast_in_dim3A_900 : vector<16xi1>, vector<16xf32>
      %max3A_902 = arith.maximumf %max3A_860, %select_n3A_901 : vector<16xf32>
      %max3A_903 = arith.maximumf %get3A_891, %get3A_897 : vector<16xf32>
      %jit3A_904 = arith.constant 0.000000e+00 : f32
      %broadcast_in_dim3A_905 = vector.broadcast %jit3A_904 : f32 to vector<16xf32>
      %select_n3A_906 = arith.select %lt3A_869, %max3A_903, %broadcast_in_dim3A_905 : vector<16xi1>, vector<16xf32>
      %max3A_907 = arith.maximumf %max3A_865, %select_n3A_906 : vector<16xf32>
      %sub3A_908 = arith.constant 336 : i32
      %sub3A_909 = arith.subi %and3A_31, %sub3A_908 : i32
      %lt3A_910 = vector.broadcast %sub3A_909 : i32 to vector<16xi32>
      %lt3A_911 = arith.cmpi slt, %iota3A, %lt3A_910 : vector<16xi32>
      %mul3A_912 = arith.constant 16 : i32
      %mul3A_913 = arith.muli %scan3A_28, %mul3A_912 : i32
      %add3A_914 = arith.constant 8 : i32
      %add3A_915 = arith.addi %mul3A_913, %add3A_914 : i32
      %add3A_916 = arith.constant 0 : i32
      %add3A_917 = arith.addi %add3A_915, %add3A_916 : i32
      %get3A_918 = arith.index_cast %add3A_917 : i32 to index
      %get3A_919 = arith.constant 80 : index
      %get3A_920 = tpu.vector_load %arg4[%get3A_918, %get3A_919] {strides = array<i32>} : memref<256x128xf32, #tpu.memory_space<vmem>>, vector<1x16xf32>,
      %get3A_921 = vector.shape_cast %get3A_920 : vector<1x16xf32> to vector<16xf32>
      %add3A_922 = arith.constant 1 : i32
      %add3A_923 = arith.addi %add3A_915, %add3A_922 : i32
      %get3A_924 = arith.index_cast %add3A_923 : i32 to index
      %get3A_925 = arith.constant 80 : index
      %get3A_926 = tpu.vector_load %arg4[%get3A_924, %get3A_925] {strides = array<i32>} : memref<256x128xf32, #tpu.memory_space<vmem>>, vector<1x16xf32>,
      %get3A_927 = vector.shape_cast %get3A_926 : vector<1x16xf32> to vector<16xf32>
      %add3A_928 = arith.constant 2 : i32
      %add3A_929 = arith.addi %add3A_915, %add3A_928 : i32
      %get3A_930 = arith.index_cast %add3A_929 : i32 to index
      %get3A_931 = arith.constant 80 : index
      %get3A_932 = tpu.vector_load %arg4[%get3A_930, %get3A_931] {strides = array<i32>} : memref<256x128xf32, #tpu.memory_space<vmem>>, vector<1x16xf32>,
      %get3A_933 = vector.shape_cast %get3A_932 : vector<1x16xf32> to vector<16xf32>
      %add3A_934 = arith.constant 3 : i32
      %add3A_935 = arith.addi %add3A_915, %add3A_934 : i32
      %get3A_936 = arith.index_cast %add3A_935 : i32 to index
      %get3A_937 = arith.constant 80 : index
      %get3A_938 = tpu.vector_load %arg4[%get3A_936, %get3A_937] {strides = array<i32>} : memref<256x128xf32, #tpu.memory_space<vmem>>, vector<1x16xf32>,
      %get3A_939 = vector.shape_cast %get3A_938 : vector<1x16xf32> to vector<16xf32>
      %max3A_940 = arith.maximumf %get3A_921, %get3A_927 : vector<16xf32>
      %jit3A_941 = arith.constant 0.000000e+00 : f32
      %broadcast_in_dim3A_942 = vector.broadcast %jit3A_941 : f32 to vector<16xf32>
      %select_n3A_943 = arith.select %lt3A_911, %max3A_940, %broadcast_in_dim3A_942 : vector<16xi1>, vector<16xf32>
      %max3A_944 = arith.maximumf %max3A_902, %select_n3A_943 : vector<16xf32>
      %max3A_945 = arith.maximumf %get3A_933, %get3A_939 : vector<16xf32>
      %jit3A_946 = arith.constant 0.000000e+00 : f32
      %broadcast_in_dim3A_947 = vector.broadcast %jit3A_946 : f32 to vector<16xf32>
      %select_n3A_948 = arith.select %lt3A_911, %max3A_945, %broadcast_in_dim3A_947 : vector<16xi1>, vector<16xf32>
      %max3A_949 = arith.maximumf %max3A_907, %select_n3A_948 : vector<16xf32>
      %sub3A_950 = arith.constant 352 : i32
      %sub3A_951 = arith.subi %and3A_31, %sub3A_950 : i32
      %lt3A_952 = vector.broadcast %sub3A_951 : i32 to vector<16xi32>
      %lt3A_953 = arith.cmpi slt, %iota3A, %lt3A_952 : vector<16xi32>
      %mul3A_954 = arith.constant 16 : i32
      %mul3A_955 = arith.muli %scan3A_28, %mul3A_954 : i32
      %add3A_956 = arith.constant 8 : i32
      %add3A_957 = arith.addi %mul3A_955, %add3A_956 : i32
      %add3A_958 = arith.constant 0 : i32
      %add3A_959 = arith.addi %add3A_957, %add3A_958 : i32
      %get3A_960 = arith.index_cast %add3A_959 : i32 to index
      %get3A_961 = arith.constant 96 : index
      %get3A_962 = tpu.vector_load %arg4[%get3A_960, %get3A_961] {strides = array<i32>} : memref<256x128xf32, #tpu.memory_space<vmem>>, vector<1x16xf32>,
      %get3A_963 = vector.shape_cast %get3A_962 : vector<1x16xf32> to vector<16xf32>
      %add3A_964 = arith.constant 1 : i32
      %add3A_965 = arith.addi %add3A_957, %add3A_964 : i32
      %get3A_966 = arith.index_cast %add3A_965 : i32 to index
      %get3A_967 = arith.constant 96 : index
      %get3A_968 = tpu.vector_load %arg4[%get3A_966, %get3A_967] {strides = array<i32>} : memref<256x128xf32, #tpu.memory_space<vmem>>, vector<1x16xf32>,
      %get3A_969 = vector.shape_cast %get3A_968 : vector<1x16xf32> to vector<16xf32>
      %add3A_970 = arith.constant 2 : i32
      %add3A_971 = arith.addi %add3A_957, %add3A_970 : i32
      %get3A_972 = arith.index_cast %add3A_971 : i32 to index
      %get3A_973 = arith.constant 96 : index
      %get3A_974 = tpu.vector_load %arg4[%get3A_972, %get3A_973] {strides = array<i32>} : memref<256x128xf32, #tpu.memory_space<vmem>>, vector<1x16xf32>,
      %get3A_975 = vector.shape_cast %get3A_974 : vector<1x16xf32> to vector<16xf32>
      %add3A_976 = arith.constant 3 : i32
      %add3A_977 = arith.addi %add3A_957, %add3A_976 : i32
      %get3A_978 = arith.index_cast %add3A_977 : i32 to index
      %get3A_979 = arith.constant 96 : index
      %get3A_980 = tpu.vector_load %arg4[%get3A_978, %get3A_979] {strides = array<i32>} : memref<256x128xf32, #tpu.memory_space<vmem>>, vector<1x16xf32>,
      %get3A_981 = vector.shape_cast %get3A_980 : vector<1x16xf32> to vector<16xf32>
      %max3A_982 = arith.maximumf %get3A_963, %get3A_969 : vector<16xf32>
      %jit3A_983 = arith.constant 0.000000e+00 : f32
      %broadcast_in_dim3A_984 = vector.broadcast %jit3A_983 : f32 to vector<16xf32>
      %select_n3A_985 = arith.select %lt3A_953, %max3A_982, %broadcast_in_dim3A_984 : vector<16xi1>, vector<16xf32>
      %max3A_986 = arith.maximumf %max3A_944, %select_n3A_985 : vector<16xf32>
      %max3A_987 = arith.maximumf %get3A_975, %get3A_981 : vector<16xf32>
      %jit3A_988 = arith.constant 0.000000e+00 : f32
      %broadcast_in_dim3A_989 = vector.broadcast %jit3A_988 : f32 to vector<16xf32>
      %select_n3A_990 = arith.select %lt3A_953, %max3A_987, %broadcast_in_dim3A_989 : vector<16xi1>, vector<16xf32>
      %max3A_991 = arith.maximumf %max3A_949, %select_n3A_990 : vector<16xf32>
      %sub3A_992 = arith.constant 368 : i32
      %sub3A_993 = arith.subi %and3A_31, %sub3A_992 : i32
      %lt3A_994 = vector.broadcast %sub3A_993 : i32 to vector<16xi32>
      %lt3A_995 = arith.cmpi slt, %iota3A, %lt3A_994 : vector<16xi32>
      %mul3A_996 = arith.constant 16 : i32
      %mul3A_997 = arith.muli %scan3A_28, %mul3A_996 : i32
      %add3A_998 = arith.constant 8 : i32
      %add3A_999 = arith.addi %mul3A_997, %add3A_998 : i32
      %add3A_1000 = arith.constant 0 : i32
      %add3A_1001 = arith.addi %add3A_999, %add3A_1000 : i32
      %get3A_1002 = arith.index_cast %add3A_1001 : i32 to index
      %get3A_1003 = arith.constant 112 : index
      %get3A_1004 = tpu.vector_load %arg4[%get3A_1002, %get3A_1003] {strides = array<i32>} : memref<256x128xf32, #tpu.memory_space<vmem>>, vector<1x16xf32>,
      %get3A_1005 = vector.shape_cast %get3A_1004 : vector<1x16xf32> to vector<16xf32>
      %add3A_1006 = arith.constant 1 : i32
      %add3A_1007 = arith.addi %add3A_999, %add3A_1006 : i32
      %get3A_1008 = arith.index_cast %add3A_1007 : i32 to index
      %get3A_1009 = arith.constant 112 : index
      %get3A_1010 = tpu.vector_load %arg4[%get3A_1008, %get3A_1009] {strides = array<i32>} : memref<256x128xf32, #tpu.memory_space<vmem>>, vector<1x16xf32>,
      %get3A_1011 = vector.shape_cast %get3A_1010 : vector<1x16xf32> to vector<16xf32>
      %add3A_1012 = arith.constant 2 : i32
      %add3A_1013 = arith.addi %add3A_999, %add3A_1012 : i32
      %get3A_1014 = arith.index_cast %add3A_1013 : i32 to index
      %get3A_1015 = arith.constant 112 : index
      %get3A_1016 = tpu.vector_load %arg4[%get3A_1014, %get3A_1015] {strides = array<i32>} : memref<256x128xf32, #tpu.memory_space<vmem>>, vector<1x16xf32>,
      %get3A_1017 = vector.shape_cast %get3A_1016 : vector<1x16xf32> to vector<16xf32>
      %add3A_1018 = arith.constant 3 : i32
      %add3A_1019 = arith.addi %add3A_999, %add3A_1018 : i32
      %get3A_1020 = arith.index_cast %add3A_1019 : i32 to index
      %get3A_1021 = arith.constant 112 : index
      %get3A_1022 = tpu.vector_load %arg4[%get3A_1020, %get3A_1021] {strides = array<i32>} : memref<256x128xf32, #tpu.memory_space<vmem>>, vector<1x16xf32>,
      %get3A_1023 = vector.shape_cast %get3A_1022 : vector<1x16xf32> to vector<16xf32>
      %max3A_1024 = arith.maximumf %get3A_1005, %get3A_1011 : vector<16xf32>
      %jit3A_1025 = arith.constant 0.000000e+00 : f32
      %broadcast_in_dim3A_1026 = vector.broadcast %jit3A_1025 : f32 to vector<16xf32>
      %select_n3A_1027 = arith.select %lt3A_995, %max3A_1024, %broadcast_in_dim3A_1026 : vector<16xi1>, vector<16xf32>
      %max3A_1028 = arith.maximumf %max3A_986, %select_n3A_1027 : vector<16xf32>
      %max3A_1029 = arith.maximumf %get3A_1017, %get3A_1023 : vector<16xf32>
      %jit3A_1030 = arith.constant 0.000000e+00 : f32
      %broadcast_in_dim3A_1031 = vector.broadcast %jit3A_1030 : f32 to vector<16xf32>
      %select_n3A_1032 = arith.select %lt3A_995, %max3A_1029, %broadcast_in_dim3A_1031 : vector<16xi1>, vector<16xf32>
      %max3A_1033 = arith.maximumf %max3A_991, %select_n3A_1032 : vector<16xf32>
      %sub3A_1034 = arith.constant 384 : i32
      %sub3A_1035 = arith.subi %and3A_31, %sub3A_1034 : i32
      %lt3A_1036 = vector.broadcast %sub3A_1035 : i32 to vector<16xi32>
      %lt3A_1037 = arith.cmpi slt, %iota3A, %lt3A_1036 : vector<16xi32>
      %mul3A_1038 = arith.constant 16 : i32
      %mul3A_1039 = arith.muli %scan3A_28, %mul3A_1038 : i32
      %add3A_1040 = arith.constant 12 : i32
      %add3A_1041 = arith.addi %mul3A_1039, %add3A_1040 : i32
      %add3A_1042 = arith.constant 0 : i32
      %add3A_1043 = arith.addi %add3A_1041, %add3A_1042 : i32
      %get3A_1044 = arith.index_cast %add3A_1043 : i32 to index
      %get3A_1045 = arith.constant 0 : index
      %get3A_1046 = tpu.vector_load %arg4[%get3A_1044, %get3A_1045] {strides = array<i32>} : memref<256x128xf32, #tpu.memory_space<vmem>>, vector<1x16xf32>,
      %get3A_1047 = vector.shape_cast %get3A_1046 : vector<1x16xf32> to vector<16xf32>
      %add3A_1048 = arith.constant 1 : i32
      %add3A_1049 = arith.addi %add3A_1041, %add3A_1048 : i32
      %get3A_1050 = arith.index_cast %add3A_1049 : i32 to index
      %get3A_1051 = arith.constant 0 : index
      %get3A_1052 = tpu.vector_load %arg4[%get3A_1050, %get3A_1051] {strides = array<i32>} : memref<256x128xf32, #tpu.memory_space<vmem>>, vector<1x16xf32>,
      %get3A_1053 = vector.shape_cast %get3A_1052 : vector<1x16xf32> to vector<16xf32>
      %add3A_1054 = arith.constant 2 : i32
      %add3A_1055 = arith.addi %add3A_1041, %add3A_1054 : i32
      %get3A_1056 = arith.index_cast %add3A_1055 : i32 to index
      %get3A_1057 = arith.constant 0 : index
      %get3A_1058 = tpu.vector_load %arg4[%get3A_1056, %get3A_1057] {strides = array<i32>} : memref<256x128xf32, #tpu.memory_space<vmem>>, vector<1x16xf32>,
      %get3A_1059 = vector.shape_cast %get3A_1058 : vector<1x16xf32> to vector<16xf32>
      %add3A_1060 = arith.constant 3 : i32
      %add3A_1061 = arith.addi %add3A_1041, %add3A_1060 : i32
      %get3A_1062 = arith.index_cast %add3A_1061 : i32 to index
      %get3A_1063 = arith.constant 0 : index
      %get3A_1064 = tpu.vector_load %arg4[%get3A_1062, %get3A_1063] {strides = array<i32>} : memref<256x128xf32, #tpu.memory_space<vmem>>, vector<1x16xf32>,
      %get3A_1065 = vector.shape_cast %get3A_1064 : vector<1x16xf32> to vector<16xf32>
      %max3A_1066 = arith.maximumf %get3A_1047, %get3A_1053 : vector<16xf32>
      %jit3A_1067 = arith.constant 0.000000e+00 : f32
      %broadcast_in_dim3A_1068 = vector.broadcast %jit3A_1067 : f32 to vector<16xf32>
      %select_n3A_1069 = arith.select %lt3A_1037, %max3A_1066, %broadcast_in_dim3A_1068 : vector<16xi1>, vector<16xf32>
      %max3A_1070 = arith.maximumf %max3A_1028, %select_n3A_1069 : vector<16xf32>
      %max3A_1071 = arith.maximumf %get3A_1059, %get3A_1065 : vector<16xf32>
      %jit3A_1072 = arith.constant 0.000000e+00 : f32
      %broadcast_in_dim3A_1073 = vector.broadcast %jit3A_1072 : f32 to vector<16xf32>
      %select_n3A_1074 = arith.select %lt3A_1037, %max3A_1071, %broadcast_in_dim3A_1073 : vector<16xi1>, vector<16xf32>
      %max3A_1075 = arith.maximumf %max3A_1033, %select_n3A_1074 : vector<16xf32>
      %sub3A_1076 = arith.constant 400 : i32
      %sub3A_1077 = arith.subi %and3A_31, %sub3A_1076 : i32
      %lt3A_1078 = vector.broadcast %sub3A_1077 : i32 to vector<16xi32>
      %lt3A_1079 = arith.cmpi slt, %iota3A, %lt3A_1078 : vector<16xi32>
      %mul3A_1080 = arith.constant 16 : i32
      %mul3A_1081 = arith.muli %scan3A_28, %mul3A_1080 : i32
      %add3A_1082 = arith.constant 12 : i32
      %add3A_1083 = arith.addi %mul3A_1081, %add3A_1082 : i32
      %add3A_1084 = arith.constant 0 : i32
      %add3A_1085 = arith.addi %add3A_1083, %add3A_1084 : i32
      %get3A_1086 = arith.index_cast %add3A_1085 : i32 to index
      %get3A_1087 = arith.constant 16 : index
      %get3A_1088 = tpu.vector_load %arg4[%get3A_1086, %get3A_1087] {strides = array<i32>} : memref<256x128xf32, #tpu.memory_space<vmem>>, vector<1x16xf32>,
      %get3A_1089 = vector.shape_cast %get3A_1088 : vector<1x16xf32> to vector<16xf32>
      %add3A_1090 = arith.constant 1 : i32
      %add3A_1091 = arith.addi %add3A_1083, %add3A_1090 : i32
      %get3A_1092 = arith.index_cast %add3A_1091 : i32 to index
      %get3A_1093 = arith.constant 16 : index
      %get3A_1094 = tpu.vector_load %arg4[%get3A_1092, %get3A_1093] {strides = array<i32>} : memref<256x128xf32, #tpu.memory_space<vmem>>, vector<1x16xf32>,
      %get3A_1095 = vector.shape_cast %get3A_1094 : vector<1x16xf32> to vector<16xf32>
      %add3A_1096 = arith.constant 2 : i32
      %add3A_1097 = arith.addi %add3A_1083, %add3A_1096 : i32
      %get3A_1098 = arith.index_cast %add3A_1097 : i32 to index
      %get3A_1099 = arith.constant 16 : index
      %get3A_1100 = tpu.vector_load %arg4[%get3A_1098, %get3A_1099] {strides = array<i32>} : memref<256x128xf32, #tpu.memory_space<vmem>>, vector<1x16xf32>,
      %get3A_1101 = vector.shape_cast %get3A_1100 : vector<1x16xf32> to vector<16xf32>
      %add3A_1102 = arith.constant 3 : i32
      %add3A_1103 = arith.addi %add3A_1083, %add3A_1102 : i32
      %get3A_1104 = arith.index_cast %add3A_1103 : i32 to index
      %get3A_1105 = arith.constant 16 : index
      %get3A_1106 = tpu.vector_load %arg4[%get3A_1104, %get3A_1105] {strides = array<i32>} : memref<256x128xf32, #tpu.memory_space<vmem>>, vector<1x16xf32>,
      %get3A_1107 = vector.shape_cast %get3A_1106 : vector<1x16xf32> to vector<16xf32>
      %max3A_1108 = arith.maximumf %get3A_1089, %get3A_1095 : vector<16xf32>
      %jit3A_1109 = arith.constant 0.000000e+00 : f32
      %broadcast_in_dim3A_1110 = vector.broadcast %jit3A_1109 : f32 to vector<16xf32>
      %select_n3A_1111 = arith.select %lt3A_1079, %max3A_1108, %broadcast_in_dim3A_1110 : vector<16xi1>, vector<16xf32>
      %max3A_1112 = arith.maximumf %max3A_1070, %select_n3A_1111 : vector<16xf32>
      %max3A_1113 = arith.maximumf %get3A_1101, %get3A_1107 : vector<16xf32>
      %jit3A_1114 = arith.constant 0.000000e+00 : f32
      %broadcast_in_dim3A_1115 = vector.broadcast %jit3A_1114 : f32 to vector<16xf32>
      %select_n3A_1116 = arith.select %lt3A_1079, %max3A_1113, %broadcast_in_dim3A_1115 : vector<16xi1>, vector<16xf32>
      %max3A_1117 = arith.maximumf %max3A_1075, %select_n3A_1116 : vector<16xf32>
      %sub3A_1118 = arith.constant 416 : i32
      %sub3A_1119 = arith.subi %and3A_31, %sub3A_1118 : i32
      %lt3A_1120 = vector.broadcast %sub3A_1119 : i32 to vector<16xi32>
      %lt3A_1121 = arith.cmpi slt, %iota3A, %lt3A_1120 : vector<16xi32>
      %mul3A_1122 = arith.constant 16 : i32
      %mul3A_1123 = arith.muli %scan3A_28, %mul3A_1122 : i32
      %add3A_1124 = arith.constant 12 : i32
      %add3A_1125 = arith.addi %mul3A_1123, %add3A_1124 : i32
      %add3A_1126 = arith.constant 0 : i32
      %add3A_1127 = arith.addi %add3A_1125, %add3A_1126 : i32
      %get3A_1128 = arith.index_cast %add3A_1127 : i32 to index
      %get3A_1129 = arith.constant 32 : index
      %get3A_1130 = tpu.vector_load %arg4[%get3A_1128, %get3A_1129] {strides = array<i32>} : memref<256x128xf32, #tpu.memory_space<vmem>>, vector<1x16xf32>,
      %get3A_1131 = vector.shape_cast %get3A_1130 : vector<1x16xf32> to vector<16xf32>
      %add3A_1132 = arith.constant 1 : i32
      %add3A_1133 = arith.addi %add3A_1125, %add3A_1132 : i32
      %get3A_1134 = arith.index_cast %add3A_1133 : i32 to index
      %get3A_1135 = arith.constant 32 : index
      %get3A_1136 = tpu.vector_load %arg4[%get3A_1134, %get3A_1135] {strides = array<i32>} : memref<256x128xf32, #tpu.memory_space<vmem>>, vector<1x16xf32>,
      %get3A_1137 = vector.shape_cast %get3A_1136 : vector<1x16xf32> to vector<16xf32>
      %add3A_1138 = arith.constant 2 : i32
      %add3A_1139 = arith.addi %add3A_1125, %add3A_1138 : i32
      %get3A_1140 = arith.index_cast %add3A_1139 : i32 to index
      %get3A_1141 = arith.constant 32 : index
      %get3A_1142 = tpu.vector_load %arg4[%get3A_1140, %get3A_1141] {strides = array<i32>} : memref<256x128xf32, #tpu.memory_space<vmem>>, vector<1x16xf32>,
      %get3A_1143 = vector.shape_cast %get3A_1142 : vector<1x16xf32> to vector<16xf32>
      %add3A_1144 = arith.constant 3 : i32
      %add3A_1145 = arith.addi %add3A_1125, %add3A_1144 : i32
      %get3A_1146 = arith.index_cast %add3A_1145 : i32 to index
      %get3A_1147 = arith.constant 32 : index
      %get3A_1148 = tpu.vector_load %arg4[%get3A_1146, %get3A_1147] {strides = array<i32>} : memref<256x128xf32, #tpu.memory_space<vmem>>, vector<1x16xf32>,
      %get3A_1149 = vector.shape_cast %get3A_1148 : vector<1x16xf32> to vector<16xf32>
      %max3A_1150 = arith.maximumf %get3A_1131, %get3A_1137 : vector<16xf32>
      %jit3A_1151 = arith.constant 0.000000e+00 : f32
      %broadcast_in_dim3A_1152 = vector.broadcast %jit3A_1151 : f32 to vector<16xf32>
      %select_n3A_1153 = arith.select %lt3A_1121, %max3A_1150, %broadcast_in_dim3A_1152 : vector<16xi1>, vector<16xf32>
      %max3A_1154 = arith.maximumf %max3A_1112, %select_n3A_1153 : vector<16xf32>
      %max3A_1155 = arith.maximumf %get3A_1143, %get3A_1149 : vector<16xf32>
      %jit3A_1156 = arith.constant 0.000000e+00 : f32
      %broadcast_in_dim3A_1157 = vector.broadcast %jit3A_1156 : f32 to vector<16xf32>
      %select_n3A_1158 = arith.select %lt3A_1121, %max3A_1155, %broadcast_in_dim3A_1157 : vector<16xi1>, vector<16xf32>
      %max3A_1159 = arith.maximumf %max3A_1117, %select_n3A_1158 : vector<16xf32>
      %sub3A_1160 = arith.constant 432 : i32
      %sub3A_1161 = arith.subi %and3A_31, %sub3A_1160 : i32
      %lt3A_1162 = vector.broadcast %sub3A_1161 : i32 to vector<16xi32>
      %lt3A_1163 = arith.cmpi slt, %iota3A, %lt3A_1162 : vector<16xi32>
      %mul3A_1164 = arith.constant 16 : i32
      %mul3A_1165 = arith.muli %scan3A_28, %mul3A_1164 : i32
      %add3A_1166 = arith.constant 12 : i32
      %add3A_1167 = arith.addi %mul3A_1165, %add3A_1166 : i32
      %add3A_1168 = arith.constant 0 : i32
      %add3A_1169 = arith.addi %add3A_1167, %add3A_1168 : i32
      %get3A_1170 = arith.index_cast %add3A_1169 : i32 to index
      %get3A_1171 = arith.constant 48 : index
      %get3A_1172 = tpu.vector_load %arg4[%get3A_1170, %get3A_1171] {strides = array<i32>} : memref<256x128xf32, #tpu.memory_space<vmem>>, vector<1x16xf32>,
      %get3A_1173 = vector.shape_cast %get3A_1172 : vector<1x16xf32> to vector<16xf32>
      %add3A_1174 = arith.constant 1 : i32
      %add3A_1175 = arith.addi %add3A_1167, %add3A_1174 : i32
      %get3A_1176 = arith.index_cast %add3A_1175 : i32 to index
      %get3A_1177 = arith.constant 48 : index
      %get3A_1178 = tpu.vector_load %arg4[%get3A_1176, %get3A_1177] {strides = array<i32>} : memref<256x128xf32, #tpu.memory_space<vmem>>, vector<1x16xf32>,
      %get3A_1179 = vector.shape_cast %get3A_1178 : vector<1x16xf32> to vector<16xf32>
      %add3A_1180 = arith.constant 2 : i32
      %add3A_1181 = arith.addi %add3A_1167, %add3A_1180 : i32
      %get3A_1182 = arith.index_cast %add3A_1181 : i32 to index
      %get3A_1183 = arith.constant 48 : index
      %get3A_1184 = tpu.vector_load %arg4[%get3A_1182, %get3A_1183] {strides = array<i32>} : memref<256x128xf32, #tpu.memory_space<vmem>>, vector<1x16xf32>,
      %get3A_1185 = vector.shape_cast %get3A_1184 : vector<1x16xf32> to vector<16xf32>
      %add3A_1186 = arith.constant 3 : i32
      %add3A_1187 = arith.addi %add3A_1167, %add3A_1186 : i32
      %get3A_1188 = arith.index_cast %add3A_1187 : i32 to index
      %get3A_1189 = arith.constant 48 : index
      %get3A_1190 = tpu.vector_load %arg4[%get3A_1188, %get3A_1189] {strides = array<i32>} : memref<256x128xf32, #tpu.memory_space<vmem>>, vector<1x16xf32>,
      %get3A_1191 = vector.shape_cast %get3A_1190 : vector<1x16xf32> to vector<16xf32>
      %max3A_1192 = arith.maximumf %get3A_1173, %get3A_1179 : vector<16xf32>
      %jit3A_1193 = arith.constant 0.000000e+00 : f32
      %broadcast_in_dim3A_1194 = vector.broadcast %jit3A_1193 : f32 to vector<16xf32>
      %select_n3A_1195 = arith.select %lt3A_1163, %max3A_1192, %broadcast_in_dim3A_1194 : vector<16xi1>, vector<16xf32>
      %max3A_1196 = arith.maximumf %max3A_1154, %select_n3A_1195 : vector<16xf32>
      %max3A_1197 = arith.maximumf %get3A_1185, %get3A_1191 : vector<16xf32>
      %jit3A_1198 = arith.constant 0.000000e+00 : f32
      %broadcast_in_dim3A_1199 = vector.broadcast %jit3A_1198 : f32 to vector<16xf32>
      %select_n3A_1200 = arith.select %lt3A_1163, %max3A_1197, %broadcast_in_dim3A_1199 : vector<16xi1>, vector<16xf32>
      %max3A_1201 = arith.maximumf %max3A_1159, %select_n3A_1200 : vector<16xf32>
      %sub3A_1202 = arith.constant 448 : i32
      %sub3A_1203 = arith.subi %and3A_31, %sub3A_1202 : i32
      %lt3A_1204 = vector.broadcast %sub3A_1203 : i32 to vector<16xi32>
      %lt3A_1205 = arith.cmpi slt, %iota3A, %lt3A_1204 : vector<16xi32>
      %mul3A_1206 = arith.constant 16 : i32
      %mul3A_1207 = arith.muli %scan3A_28, %mul3A_1206 : i32
      %add3A_1208 = arith.constant 12 : i32
      %add3A_1209 = arith.addi %mul3A_1207, %add3A_1208 : i32
      %add3A_1210 = arith.constant 0 : i32
      %add3A_1211 = arith.addi %add3A_1209, %add3A_1210 : i32
      %get3A_1212 = arith.index_cast %add3A_1211 : i32 to index
      %get3A_1213 = arith.constant 64 : index
      %get3A_1214 = tpu.vector_load %arg4[%get3A_1212, %get3A_1213] {strides = array<i32>} : memref<256x128xf32, #tpu.memory_space<vmem>>, vector<1x16xf32>,
      %get3A_1215 = vector.shape_cast %get3A_1214 : vector<1x16xf32> to vector<16xf32>
      %add3A_1216 = arith.constant 1 : i32
      %add3A_1217 = arith.addi %add3A_1209, %add3A_1216 : i32
      %get3A_1218 = arith.index_cast %add3A_1217 : i32 to index
      %get3A_1219 = arith.constant 64 : index
      %get3A_1220 = tpu.vector_load %arg4[%get3A_1218, %get3A_1219] {strides = array<i32>} : memref<256x128xf32, #tpu.memory_space<vmem>>, vector<1x16xf32>,
      %get3A_1221 = vector.shape_cast %get3A_1220 : vector<1x16xf32> to vector<16xf32>
      %add3A_1222 = arith.constant 2 : i32
      %add3A_1223 = arith.addi %add3A_1209, %add3A_1222 : i32
      %get3A_1224 = arith.index_cast %add3A_1223 : i32 to index
      %get3A_1225 = arith.constant 64 : index
      %get3A_1226 = tpu.vector_load %arg4[%get3A_1224, %get3A_1225] {strides = array<i32>} : memref<256x128xf32, #tpu.memory_space<vmem>>, vector<1x16xf32>,
      %get3A_1227 = vector.shape_cast %get3A_1226 : vector<1x16xf32> to vector<16xf32>
      %add3A_1228 = arith.constant 3 : i32
      %add3A_1229 = arith.addi %add3A_1209, %add3A_1228 : i32
      %get3A_1230 = arith.index_cast %add3A_1229 : i32 to index
      %get3A_1231 = arith.constant 64 : index
      %get3A_1232 = tpu.vector_load %arg4[%get3A_1230, %get3A_1231] {strides = array<i32>} : memref<256x128xf32, #tpu.memory_space<vmem>>, vector<1x16xf32>,
      %get3A_1233 = vector.shape_cast %get3A_1232 : vector<1x16xf32> to vector<16xf32>
      %max3A_1234 = arith.maximumf %get3A_1215, %get3A_1221 : vector<16xf32>
      %jit3A_1235 = arith.constant 0.000000e+00 : f32
      %broadcast_in_dim3A_1236 = vector.broadcast %jit3A_1235 : f32 to vector<16xf32>
      %select_n3A_1237 = arith.select %lt3A_1205, %max3A_1234, %broadcast_in_dim3A_1236 : vector<16xi1>, vector<16xf32>
      %max3A_1238 = arith.maximumf %max3A_1196, %select_n3A_1237 : vector<16xf32>
      %max3A_1239 = arith.maximumf %get3A_1227, %get3A_1233 : vector<16xf32>
      %jit3A_1240 = arith.constant 0.000000e+00 : f32
      %broadcast_in_dim3A_1241 = vector.broadcast %jit3A_1240 : f32 to vector<16xf32>
      %select_n3A_1242 = arith.select %lt3A_1205, %max3A_1239, %broadcast_in_dim3A_1241 : vector<16xi1>, vector<16xf32>
      %max3A_1243 = arith.maximumf %max3A_1201, %select_n3A_1242 : vector<16xf32>
      %sub3A_1244 = arith.constant 464 : i32
      %sub3A_1245 = arith.subi %and3A_31, %sub3A_1244 : i32
      %lt3A_1246 = vector.broadcast %sub3A_1245 : i32 to vector<16xi32>
      %lt3A_1247 = arith.cmpi slt, %iota3A, %lt3A_1246 : vector<16xi32>
      %mul3A_1248 = arith.constant 16 : i32
      %mul3A_1249 = arith.muli %scan3A_28, %mul3A_1248 : i32
      %add3A_1250 = arith.constant 12 : i32
      %add3A_1251 = arith.addi %mul3A_1249, %add3A_1250 : i32
      %add3A_1252 = arith.constant 0 : i32
      %add3A_1253 = arith.addi %add3A_1251, %add3A_1252 : i32
      %get3A_1254 = arith.index_cast %add3A_1253 : i32 to index
      %get3A_1255 = arith.constant 80 : index
      %get3A_1256 = tpu.vector_load %arg4[%get3A_1254, %get3A_1255] {strides = array<i32>} : memref<256x128xf32, #tpu.memory_space<vmem>>, vector<1x16xf32>,
      %get3A_1257 = vector.shape_cast %get3A_1256 : vector<1x16xf32> to vector<16xf32>
      %add3A_1258 = arith.constant 1 : i32
      %add3A_1259 = arith.addi %add3A_1251, %add3A_1258 : i32
      %get3A_1260 = arith.index_cast %add3A_1259 : i32 to index
      %get3A_1261 = arith.constant 80 : index
      %get3A_1262 = tpu.vector_load %arg4[%get3A_1260, %get3A_1261] {strides = array<i32>} : memref<256x128xf32, #tpu.memory_space<vmem>>, vector<1x16xf32>,
      %get3A_1263 = vector.shape_cast %get3A_1262 : vector<1x16xf32> to vector<16xf32>
      %add3A_1264 = arith.constant 2 : i32
      %add3A_1265 = arith.addi %add3A_1251, %add3A_1264 : i32
      %get3A_1266 = arith.index_cast %add3A_1265 : i32 to index
      %get3A_1267 = arith.constant 80 : index
      %get3A_1268 = tpu.vector_load %arg4[%get3A_1266, %get3A_1267] {strides = array<i32>} : memref<256x128xf32, #tpu.memory_space<vmem>>, vector<1x16xf32>,
      %get3A_1269 = vector.shape_cast %get3A_1268 : vector<1x16xf32> to vector<16xf32>
      %add3A_1270 = arith.constant 3 : i32
      %add3A_1271 = arith.addi %add3A_1251, %add3A_1270 : i32
      %get3A_1272 = arith.index_cast %add3A_1271 : i32 to index
      %get3A_1273 = arith.constant 80 : index
      %get3A_1274 = tpu.vector_load %arg4[%get3A_1272, %get3A_1273] {strides = array<i32>} : memref<256x128xf32, #tpu.memory_space<vmem>>, vector<1x16xf32>,
      %get3A_1275 = vector.shape_cast %get3A_1274 : vector<1x16xf32> to vector<16xf32>
      %max3A_1276 = arith.maximumf %get3A_1257, %get3A_1263 : vector<16xf32>
      %jit3A_1277 = arith.constant 0.000000e+00 : f32
      %broadcast_in_dim3A_1278 = vector.broadcast %jit3A_1277 : f32 to vector<16xf32>
      %select_n3A_1279 = arith.select %lt3A_1247, %max3A_1276, %broadcast_in_dim3A_1278 : vector<16xi1>, vector<16xf32>
      %max3A_1280 = arith.maximumf %max3A_1238, %select_n3A_1279 : vector<16xf32>
      %max3A_1281 = arith.maximumf %get3A_1269, %get3A_1275 : vector<16xf32>
      %jit3A_1282 = arith.constant 0.000000e+00 : f32
      %broadcast_in_dim3A_1283 = vector.broadcast %jit3A_1282 : f32 to vector<16xf32>
      %select_n3A_1284 = arith.select %lt3A_1247, %max3A_1281, %broadcast_in_dim3A_1283 : vector<16xi1>, vector<16xf32>
      %max3A_1285 = arith.maximumf %max3A_1243, %select_n3A_1284 : vector<16xf32>
      %sub3A_1286 = arith.constant 480 : i32
      %sub3A_1287 = arith.subi %and3A_31, %sub3A_1286 : i32
      %lt3A_1288 = vector.broadcast %sub3A_1287 : i32 to vector<16xi32>
      %lt3A_1289 = arith.cmpi slt, %iota3A, %lt3A_1288 : vector<16xi32>
      %mul3A_1290 = arith.constant 16 : i32
      %mul3A_1291 = arith.muli %scan3A_28, %mul3A_1290 : i32
      %add3A_1292 = arith.constant 12 : i32
      %add3A_1293 = arith.addi %mul3A_1291, %add3A_1292 : i32
      %add3A_1294 = arith.constant 0 : i32
      %add3A_1295 = arith.addi %add3A_1293, %add3A_1294 : i32
      %get3A_1296 = arith.index_cast %add3A_1295 : i32 to index
      %get3A_1297 = arith.constant 96 : index
      %get3A_1298 = tpu.vector_load %arg4[%get3A_1296, %get3A_1297] {strides = array<i32>} : memref<256x128xf32, #tpu.memory_space<vmem>>, vector<1x16xf32>,
      %get3A_1299 = vector.shape_cast %get3A_1298 : vector<1x16xf32> to vector<16xf32>
      %add3A_1300 = arith.constant 1 : i32
      %add3A_1301 = arith.addi %add3A_1293, %add3A_1300 : i32
      %get3A_1302 = arith.index_cast %add3A_1301 : i32 to index
      %get3A_1303 = arith.constant 96 : index
      %get3A_1304 = tpu.vector_load %arg4[%get3A_1302, %get3A_1303] {strides = array<i32>} : memref<256x128xf32, #tpu.memory_space<vmem>>, vector<1x16xf32>,
      %get3A_1305 = vector.shape_cast %get3A_1304 : vector<1x16xf32> to vector<16xf32>
      %add3A_1306 = arith.constant 2 : i32
      %add3A_1307 = arith.addi %add3A_1293, %add3A_1306 : i32
      %get3A_1308 = arith.index_cast %add3A_1307 : i32 to index
      %get3A_1309 = arith.constant 96 : index
      %get3A_1310 = tpu.vector_load %arg4[%get3A_1308, %get3A_1309] {strides = array<i32>} : memref<256x128xf32, #tpu.memory_space<vmem>>, vector<1x16xf32>,
      %get3A_1311 = vector.shape_cast %get3A_1310 : vector<1x16xf32> to vector<16xf32>
      %add3A_1312 = arith.constant 3 : i32
      %add3A_1313 = arith.addi %add3A_1293, %add3A_1312 : i32
      %get3A_1314 = arith.index_cast %add3A_1313 : i32 to index
      %get3A_1315 = arith.constant 96 : index
      %get3A_1316 = tpu.vector_load %arg4[%get3A_1314, %get3A_1315] {strides = array<i32>} : memref<256x128xf32, #tpu.memory_space<vmem>>, vector<1x16xf32>,
      %get3A_1317 = vector.shape_cast %get3A_1316 : vector<1x16xf32> to vector<16xf32>
      %max3A_1318 = arith.maximumf %get3A_1299, %get3A_1305 : vector<16xf32>
      %jit3A_1319 = arith.constant 0.000000e+00 : f32
      %broadcast_in_dim3A_1320 = vector.broadcast %jit3A_1319 : f32 to vector<16xf32>
      %select_n3A_1321 = arith.select %lt3A_1289, %max3A_1318, %broadcast_in_dim3A_1320 : vector<16xi1>, vector<16xf32>
      %max3A_1322 = arith.maximumf %max3A_1280, %select_n3A_1321 : vector<16xf32>
      %max3A_1323 = arith.maximumf %get3A_1311, %get3A_1317 : vector<16xf32>
      %jit3A_1324 = arith.constant 0.000000e+00 : f32
      %broadcast_in_dim3A_1325 = vector.broadcast %jit3A_1324 : f32 to vector<16xf32>
      %select_n3A_1326 = arith.select %lt3A_1289, %max3A_1323, %broadcast_in_dim3A_1325 : vector<16xi1>, vector<16xf32>
      %max3A_1327 = arith.maximumf %max3A_1285, %select_n3A_1326 : vector<16xf32>
      %sub3A_1328 = arith.constant 496 : i32
      %sub3A_1329 = arith.subi %and3A_31, %sub3A_1328 : i32
      %lt3A_1330 = vector.broadcast %sub3A_1329 : i32 to vector<16xi32>
      %lt3A_1331 = arith.cmpi slt, %iota3A, %lt3A_1330 : vector<16xi32>
      %mul3A_1332 = arith.constant 16 : i32
      %mul3A_1333 = arith.muli %scan3A_28, %mul3A_1332 : i32
      %add3A_1334 = arith.constant 12 : i32
      %add3A_1335 = arith.addi %mul3A_1333, %add3A_1334 : i32
      %add3A_1336 = arith.constant 0 : i32
      %add3A_1337 = arith.addi %add3A_1335, %add3A_1336 : i32
      %get3A_1338 = arith.index_cast %add3A_1337 : i32 to index
      %get3A_1339 = arith.constant 112 : index
      %get3A_1340 = tpu.vector_load %arg4[%get3A_1338, %get3A_1339] {strides = array<i32>} : memref<256x128xf32, #tpu.memory_space<vmem>>, vector<1x16xf32>,
      %get3A_1341 = vector.shape_cast %get3A_1340 : vector<1x16xf32> to vector<16xf32>
      %add3A_1342 = arith.constant 1 : i32
      %add3A_1343 = arith.addi %add3A_1335, %add3A_1342 : i32
      %get3A_1344 = arith.index_cast %add3A_1343 : i32 to index
      %get3A_1345 = arith.constant 112 : index
      %get3A_1346 = tpu.vector_load %arg4[%get3A_1344, %get3A_1345] {strides = array<i32>} : memref<256x128xf32, #tpu.memory_space<vmem>>, vector<1x16xf32>,
      %get3A_1347 = vector.shape_cast %get3A_1346 : vector<1x16xf32> to vector<16xf32>
      %add3A_1348 = arith.constant 2 : i32
      %add3A_1349 = arith.addi %add3A_1335, %add3A_1348 : i32
      %get3A_1350 = arith.index_cast %add3A_1349 : i32 to index
      %get3A_1351 = arith.constant 112 : index
      %get3A_1352 = tpu.vector_load %arg4[%get3A_1350, %get3A_1351] {strides = array<i32>} : memref<256x128xf32, #tpu.memory_space<vmem>>, vector<1x16xf32>,
      %get3A_1353 = vector.shape_cast %get3A_1352 : vector<1x16xf32> to vector<16xf32>
      %add3A_1354 = arith.constant 3 : i32
      %add3A_1355 = arith.addi %add3A_1335, %add3A_1354 : i32
      %get3A_1356 = arith.index_cast %add3A_1355 : i32 to index
      %get3A_1357 = arith.constant 112 : index
      %get3A_1358 = tpu.vector_load %arg4[%get3A_1356, %get3A_1357] {strides = array<i32>} : memref<256x128xf32, #tpu.memory_space<vmem>>, vector<1x16xf32>,
      %get3A_1359 = vector.shape_cast %get3A_1358 : vector<1x16xf32> to vector<16xf32>
      %max3A_1360 = arith.maximumf %get3A_1341, %get3A_1347 : vector<16xf32>
      %jit3A_1361 = arith.constant 0.000000e+00 : f32
      %broadcast_in_dim3A_1362 = vector.broadcast %jit3A_1361 : f32 to vector<16xf32>
      %select_n3A_1363 = arith.select %lt3A_1331, %max3A_1360, %broadcast_in_dim3A_1362 : vector<16xi1>, vector<16xf32>
      %max3A_1364 = arith.maximumf %max3A_1322, %select_n3A_1363 : vector<16xf32>
      %max3A_1365 = arith.maximumf %get3A_1353, %get3A_1359 : vector<16xf32>
      %jit3A_1366 = arith.constant 0.000000e+00 : f32
      %broadcast_in_dim3A_1367 = vector.broadcast %jit3A_1366 : f32 to vector<16xf32>
      %select_n3A_1368 = arith.select %lt3A_1331, %max3A_1365, %broadcast_in_dim3A_1367 : vector<16xi1>, vector<16xf32>
      %max3A_1369 = arith.maximumf %max3A_1327, %select_n3A_1368 : vector<16xf32>
      %max3A_1370 = arith.maximumf %max3A_1364, %max3A_1369 : vector<16xf32>
      %xor3A = arith.constant 8 : i32
      %xor3A_1371 = vector.broadcast %xor3A : i32 to vector<16xi32>
      %xor3A_1372 = arith.xori %iota3A, %xor3A_1371 : vector<16xi32>
      %broadcast_in_dim3A_1373 = vector.shape_cast %xor3A_1372 : vector<16xi32> to vector<16x1xi32>
      %gather3A = vector.shape_cast %broadcast_in_dim3A_1373 : vector<16x1xi32> to vector<16xi32>
      %gather3A_1374 = tpu.dynamic_gather %max3A_1370[%gather3A] in [0] : vector<16xf32>, vector<16xi32> -> vector<16xf32>
      %max3A_1375 = arith.maximumf %max3A_1370, %gather3A_1374 : vector<16xf32>
      %xor3A_1376 = arith.constant 4 : i32
      %xor3A_1377 = vector.broadcast %xor3A_1376 : i32 to vector<16xi32>
      %xor3A_1378 = arith.xori %iota3A, %xor3A_1377 : vector<16xi32>
      %broadcast_in_dim3A_1379 = vector.shape_cast %xor3A_1378 : vector<16xi32> to vector<16x1xi32>
      %gather3A_1380 = vector.shape_cast %broadcast_in_dim3A_1379 : vector<16x1xi32> to vector<16xi32>
      %gather3A_1381 = tpu.dynamic_gather %max3A_1375[%gather3A_1380] in [0] : vector<16xf32>, vector<16xi32> -> vector<16xf32>
      %max3A_1382 = arith.maximumf %max3A_1375, %gather3A_1381 : vector<16xf32>
      %xor3A_1383 = arith.constant 2 : i32
      %xor3A_1384 = vector.broadcast %xor3A_1383 : i32 to vector<16xi32>
      %xor3A_1385 = arith.xori %iota3A, %xor3A_1384 : vector<16xi32>
      %broadcast_in_dim3A_1386 = vector.shape_cast %xor3A_1385 : vector<16xi32> to vector<16x1xi32>
      %gather3A_1387 = vector.shape_cast %broadcast_in_dim3A_1386 : vector<16x1xi32> to vector<16xi32>
      %gather3A_1388 = tpu.dynamic_gather %max3A_1382[%gather3A_1387] in [0] : vector<16xf32>, vector<16xi32> -> vector<16xf32>
      %max3A_1389 = arith.maximumf %max3A_1382, %gather3A_1388 : vector<16xf32>
      %xor3A_1390 = arith.constant 1 : i32
      %xor3A_1391 = vector.broadcast %xor3A_1390 : i32 to vector<16xi32>
      %xor3A_1392 = arith.xori %iota3A, %xor3A_1391 : vector<16xi32>
      %broadcast_in_dim3A_1393 = vector.shape_cast %xor3A_1392 : vector<16xi32> to vector<16x1xi32>
      %gather3A_1394 = vector.shape_cast %broadcast_in_dim3A_1393 : vector<16x1xi32> to vector<16xi32>
      %gather3A_1395 = tpu.dynamic_gather %max3A_1389[%gather3A_1394] in [0] : vector<16xf32>, vector<16xi32> -> vector<16xf32>
      %max3A_1396 = arith.maximumf %max3A_1389, %gather3A_1395 : vector<16xf32>
      %eq3A = vector.broadcast %scan3A_28 : i32 to vector<16xi32>
      %eq3A_1397 = arith.cmpi eq, %iota3A, %eq3A : vector<16xi32>
      %gt3A = arith.constant 5.000000e-01 : f32
      %gt3A_1398 = vector.broadcast %gt3A : f32 to vector<16xf32>
      %gt3A_1399 = arith.cmpf ogt, %max3A_1396, %gt3A_1398 : vector<16xf32>
      %and3A_1400 = arith.andi %eq3A_1397, %gt3A_1399 : vector<16xi1>
      %jit3A_1401 = arith.constant 1.000000e+00 : f32
      %broadcast_in_dim3A_1402 = vector.broadcast %jit3A_1401 : f32 to vector<16xf32>
      %select_n3A_1403 = arith.select %and3A_1400, %broadcast_in_dim3A_1402, %scan3A_29 : vector<16xi1>, vector<16xf32>
      scf.yield %select_n3A_1403 : vector<16xf32>
    }
    %scan3A_19 = arith.constant 16 : i32
    %mul3A_20 = arith.constant 16 : i32
    %mul3A_21 = arith.muli %scan3A_6, %mul3A_20 : i32
    %swap3A = arith.index_cast %mul3A_21 : i32 to index
    %swap3A_22 = tpu.vector_load %arg5[%swap3A] {strides = array<i32>} : memref<16xf32, #tpu.memory_space<vmem>>, vector<16xf32>,
    %swap3A_23 = vector.shape_cast %swap3A_22 : vector<16xf32> to vector<16xf32>
    %swap3A_24 = vector.shape_cast %scan3A_18 : vector<16xf32> to vector<16xf32>
    tpu.vector_store %arg5[%swap3A], %swap3A_24 {strides = array<i32>} : memref<16xf32, #tpu.memory_space<vmem>>, vector<16xf32>,
    %scan3A_25 = arith.constant 1 : i32
    %mul3A_26 = arith.constant 16 : i32
    %mul3A_27 = arith.muli %add3A, %mul3A_26 : i32
    "tpu.region"() ({
      %run_scoped3A = tpu.sem_alloc : memref<!tpu.dma_semaphore, #tpu.memory_space<semaphore_mem>>
      %dma_start3A = tpu.memref_slice %arg3[%mul3A_27] : memref<512xf32, #tpu.memory_space<hbm>> -> memref<16xf32, #tpu.memory_space<hbm>>
      %dma_start3A_28 = tpu.memref_slice %arg3[%mul3A_27] : memref<512xf32, #tpu.memory_space<hbm>> -> memref<16xf32, #tpu.memory_space<hbm>>
      tpu.enqueue_dma source(%arg5 : memref<16xf32, #tpu.memory_space<vmem>>) target(%dma_start3A_28 : memref<16xf32, #tpu.memory_space<hbm>>) target_semaphore(%run_scoped3A : memref<!tpu.dma_semaphore, #tpu.memory_space<semaphore_mem>>)
      %dma_wait3A = tpu.memref_slice %arg3[%mul3A_27] : memref<512xf32, #tpu.memory_space<hbm>> -> memref<16xf32, #tpu.memory_space<hbm>>
      %dma_wait3A_29 = tpu.memref_slice %arg3[%mul3A_27] : memref<512xf32, #tpu.memory_space<hbm>> -> memref<16xf32, #tpu.memory_space<hbm>>
      tpu.wait_dma2 semaphore(%run_scoped3A : memref<!tpu.dma_semaphore, #tpu.memory_space<semaphore_mem>>) src(%arg5 : memref<16xf32, #tpu.memory_space<vmem>>) dst(%dma_wait3A_29 : memref<16xf32, #tpu.memory_space<hbm>>)
      tpu.yield
    }) : () -> ()
    return
  }
}

module attributes {stable_mosaic.version = 14 : i64} {
  func.func @_tc_caus_body(%arg0: i32, %arg1: memref<1x512x16x128xf32, #tpu.memory_space<vmem>>, %arg2: memref<1x512x1xf32, #tpu.memory_space<vmem>>) attributes {dimension_semantics = [#tpu.dimension_semantics<arbitrary>], iteration_bounds = array<i64: 7>, scalar_prefetch = 0 : i64, scratch_operands = 0 : i64, tpu.core_type = #tpu.core_type<tc>, window_params = [{transform_indices = @transform_0, window_bounds = array<i64: 1, 512, 16, 128>}, {transform_indices = @transform_1, window_bounds = array<i64: 1, 512, 1>}]} {
    %get3A = arith.constant 0 : index
    %get3A_0 = arith.constant 0 : index
    %get3A_1 = arith.constant 0 : index
    %get3A_2 = arith.constant 0 : index
    %get3A_3 = vector.load %arg1[%get3A, %get3A_0, %get3A_1, %get3A_2] : memref<1x512x16x128xf32, #tpu.memory_space<vmem>>, vector<1x512x16x128xf32>
    %get3A_4 = vector.shape_cast %get3A_3 : vector<1x512x16x128xf32> to vector<512x16x128xf32>
    %iota3A = tpu.iota {dimensions = array<i32: 0>} : vector<512x16x128xi32>
    %iota3A_5 = tpu.iota {dimensions = array<i32: 1>} : vector<512x16x128xi32>
    %iota3A_6 = tpu.iota {dimensions = array<i32: 2>} : vector<512x16x128xi32>
    %shift_right_arithmetic3A = arith.constant 2 : i32
    %shift_right_arithmetic3A_7 = vector.broadcast %shift_right_arithmetic3A : i32 to vector<512x16x128xi32>
    %shift_right_arithmetic3A_8 = arith.shrsi %iota3A_5, %shift_right_arithmetic3A_7 : vector<512x16x128xi32>
    %shift_left3A = arith.constant 7 : i32
    %shift_left3A_9 = vector.broadcast %shift_left3A : i32 to vector<512x16x128xi32>
    %shift_left3A_10 = arith.shli %shift_right_arithmetic3A_8, %shift_left3A_9 : vector<512x16x128xi32>
    %add3A = arith.addi %shift_left3A_10, %iota3A_6 : vector<512x16x128xi32>
    %gt3A = arith.constant 5.000000e-01 : f32
    %gt3A_11 = vector.broadcast %gt3A : f32 to vector<512x16x128xf32>
    %gt3A_12 = arith.cmpf ogt, %get3A_4, %gt3A_11 : vector<512x16x128xf32>
    %lt3A = arith.cmpi slt, %add3A, %iota3A : vector<512x16x128xi32>
    %and3A = arith.andi %gt3A_12, %lt3A : vector<512x16x128xi1>
    %reduce_or3A = arith.constant 1.000000e+00 : f32
    %reduce_or3A_13 = arith.constant 0.000000e+00 : f32
    %reduce_or3A_14 = vector.broadcast %reduce_or3A : f32 to vector<512x16x128xf32>
    %reduce_or3A_15 = vector.broadcast %reduce_or3A_13 : f32 to vector<512x16x128xf32>
    %reduce_or3A_16 = arith.select %and3A, %reduce_or3A_14, %reduce_or3A_15 : vector<512x16x128xi1>, vector<512x16x128xf32>
    %reduce_or3A_17 = arith.constant dense<0xFF800000> : vector<512xf32>
    %reduce_or3A_18 = vector.multi_reduction <maximumf>, %reduce_or3A_16, %reduce_or3A_17 [1, 2] : vector<512x16x128xf32> to vector<512xf32>
    %reduce_or3A_19 = arith.constant 0.000000e+00 : f32
    %reduce_or3A_20 = vector.broadcast %reduce_or3A_19 : f32 to vector<512xf32>
    %reduce_or3A_21 = arith.cmpf ogt, %reduce_or3A_18, %reduce_or3A_20 : vector<512xf32>
    %convert_element_type3A = arith.extui %reduce_or3A_21 : vector<512xi1> to vector<512xi32>
    %convert_element_type3A_22 = arith.sitofp %convert_element_type3A : vector<512xi32> to vector<512xf32>
    %broadcast_in_dim3A = vector.shape_cast %convert_element_type3A_22 : vector<512xf32> to vector<512x1xf32>
    %swap3A = arith.constant 0 : index
    %swap3A_23 = arith.constant 0 : index
    %swap3A_24 = arith.constant 0 : index
    %swap3A_25 = vector.load %arg2[%swap3A, %swap3A_23, %swap3A_24] : memref<1x512x1xf32, #tpu.memory_space<vmem>>, vector<1x512x1xf32>
    %swap3A_26 = vector.shape_cast %swap3A_25 : vector<1x512x1xf32> to vector<512x1xf32>
    %swap3A_27 = vector.shape_cast %broadcast_in_dim3A : vector<512x1xf32> to vector<1x512x1xf32>
    tpu.vector_store %arg2[%swap3A, %swap3A_23, %swap3A_24], %swap3A_27 {strides = array<i32>} : memref<1x512x1xf32, #tpu.memory_space<vmem>>, vector<1x512x1xf32>,
    return
  }
  func.func @transform_0(%arg0: i32) -> (i32, i32, i32, i32) {
    %c0_i32 = arith.constant 0 : i32
    %c0_i32_0 = arith.constant 0 : i32
    %c0_i32_1 = arith.constant 0 : i32
    %c0_i32_2 = arith.constant 0 : i32
    return %arg0, %c0_i32, %c0_i32_0, %c0_i32_1 : i32, i32, i32, i32
  }
  func.func @transform_1(%arg0: i32) -> (i32, i32, i32) {
    %c0_i32 = arith.constant 0 : i32
    %c0_i32_0 = arith.constant 0 : i32
    %c0_i32_1 = arith.constant 0 : i32
    return %arg0, %c0_i32, %c0_i32_0 : i32, i32, i32
  }
}

module attributes {stable_mosaic.version = 14 : i64} {
  func.func @_main_body(%arg0: memref<8x16x128xf32, #tpu.memory_space<vmem>>, %arg1: memref<8x16x128xf32, #tpu.memory_space<vmem>>, %arg2: memref<8x512xi32, #tpu.memory_space<vmem>>, %arg3: memref<8x512xi32, #tpu.memory_space<vmem>>, %arg4: memref<7x512x1xf32, #tpu.memory_space<vmem>>, %arg5: memref<1x512xf32, #tpu.memory_space<vmem>>, %arg6: memref<32x8xf32, #tpu.memory_space<vmem>>, %arg7: memref<32x1xf32, #tpu.memory_space<vmem>>, %arg8: memref<16x32xf32, #tpu.memory_space<vmem>>, %arg9: memref<16x1xf32, #tpu.memory_space<vmem>>, %arg10: memref<1x16xf32, #tpu.memory_space<vmem>>, %arg11: memref<1x1xf32, #tpu.memory_space<vmem>>, %arg12: memref<8x16x128xf32, #tpu.memory_space<vmem>>, %arg13: memref<8x16x128xf32, #tpu.memory_space<vmem>>) attributes {dimension_semantics = [], scalar_prefetch = 0 : i64, scratch_operands = 0 : i64, tpu.core_type = #tpu.core_type<tc>} {
    %get3A = arith.constant 0 : index
    %get3A_0 = arith.constant 0 : index
    %get3A_1 = arith.constant 0 : index
    %get3A_2 = vector.load %arg0[%get3A, %get3A_0, %get3A_1] : memref<8x16x128xf32, #tpu.memory_space<vmem>>, vector<8x16x128xf32>
    %slice3A = vector.extract_strided_slice %get3A_2 {offsets = [0, 0, 0], sizes = [8, 1, 128], strides = [1, 1, 1]} : vector<8x16x128xf32> to vector<8x1x128xf32>
    %squeeze3A = vector.shape_cast %slice3A : vector<8x1x128xf32> to vector<8x128xf32>
    %slice3A_3 = vector.extract_strided_slice %get3A_2 {offsets = [0, 4, 0], sizes = [8, 1, 128], strides = [1, 1, 1]} : vector<8x16x128xf32> to vector<8x1x128xf32>
    %squeeze3A_4 = vector.shape_cast %slice3A_3 : vector<8x1x128xf32> to vector<8x128xf32>
    %slice3A_5 = vector.extract_strided_slice %get3A_2 {offsets = [0, 8, 0], sizes = [8, 1, 128], strides = [1, 1, 1]} : vector<8x16x128xf32> to vector<8x1x128xf32>
    %squeeze3A_6 = vector.shape_cast %slice3A_5 : vector<8x1x128xf32> to vector<8x128xf32>
    %slice3A_7 = vector.extract_strided_slice %get3A_2 {offsets = [0, 12, 0], sizes = [8, 1, 128], strides = [1, 1, 1]} : vector<8x16x128xf32> to vector<8x1x128xf32>
    %squeeze3A_8 = vector.shape_cast %slice3A_7 : vector<8x1x128xf32> to vector<8x128xf32>
    %concatenate3A = tpu.concatenate %squeeze3A, %squeeze3A_4, %squeeze3A_6, %squeeze3A_8 in 1 : vector<8x128xf32>, vector<8x128xf32>, vector<8x128xf32>, vector<8x128xf32> -> vector<8x512xf32>
    %slice3A_9 = vector.extract_strided_slice %get3A_2 {offsets = [0, 1, 0], sizes = [8, 1, 128], strides = [1, 1, 1]} : vector<8x16x128xf32> to vector<8x1x128xf32>
    %squeeze3A_10 = vector.shape_cast %slice3A_9 : vector<8x1x128xf32> to vector<8x128xf32>
    %slice3A_11 = vector.extract_strided_slice %get3A_2 {offsets = [0, 5, 0], sizes = [8, 1, 128], strides = [1, 1, 1]} : vector<8x16x128xf32> to vector<8x1x128xf32>
    %squeeze3A_12 = vector.shape_cast %slice3A_11 : vector<8x1x128xf32> to vector<8x128xf32>
    %slice3A_13 = vector.extract_strided_slice %get3A_2 {offsets = [0, 9, 0], sizes = [8, 1, 128], strides = [1, 1, 1]} : vector<8x16x128xf32> to vector<8x1x128xf32>
    %squeeze3A_14 = vector.shape_cast %slice3A_13 : vector<8x1x128xf32> to vector<8x128xf32>
    %slice3A_15 = vector.extract_strided_slice %get3A_2 {offsets = [0, 13, 0], sizes = [8, 1, 128], strides = [1, 1, 1]} : vector<8x16x128xf32> to vector<8x1x128xf32>
    %squeeze3A_16 = vector.shape_cast %slice3A_15 : vector<8x1x128xf32> to vector<8x128xf32>
    %concatenate3A_17 = tpu.concatenate %squeeze3A_10, %squeeze3A_12, %squeeze3A_14, %squeeze3A_16 in 1 : vector<8x128xf32>, vector<8x128xf32>, vector<8x128xf32>, vector<8x128xf32> -> vector<8x512xf32>
    %slice3A_18 = vector.extract_strided_slice %get3A_2 {offsets = [0, 2, 0], sizes = [8, 1, 128], strides = [1, 1, 1]} : vector<8x16x128xf32> to vector<8x1x128xf32>
    %squeeze3A_19 = vector.shape_cast %slice3A_18 : vector<8x1x128xf32> to vector<8x128xf32>
    %slice3A_20 = vector.extract_strided_slice %get3A_2 {offsets = [0, 6, 0], sizes = [8, 1, 128], strides = [1, 1, 1]} : vector<8x16x128xf32> to vector<8x1x128xf32>
    %squeeze3A_21 = vector.shape_cast %slice3A_20 : vector<8x1x128xf32> to vector<8x128xf32>
    %slice3A_22 = vector.extract_strided_slice %get3A_2 {offsets = [0, 10, 0], sizes = [8, 1, 128], strides = [1, 1, 1]} : vector<8x16x128xf32> to vector<8x1x128xf32>
    %squeeze3A_23 = vector.shape_cast %slice3A_22 : vector<8x1x128xf32> to vector<8x128xf32>
    %slice3A_24 = vector.extract_strided_slice %get3A_2 {offsets = [0, 14, 0], sizes = [8, 1, 128], strides = [1, 1, 1]} : vector<8x16x128xf32> to vector<8x1x128xf32>
    %squeeze3A_25 = vector.shape_cast %slice3A_24 : vector<8x1x128xf32> to vector<8x128xf32>
    %concatenate3A_26 = tpu.concatenate %squeeze3A_19, %squeeze3A_21, %squeeze3A_23, %squeeze3A_25 in 1 : vector<8x128xf32>, vector<8x128xf32>, vector<8x128xf32>, vector<8x128xf32> -> vector<8x512xf32>
    %slice3A_27 = vector.extract_strided_slice %get3A_2 {offsets = [0, 3, 0], sizes = [8, 1, 128], strides = [1, 1, 1]} : vector<8x16x128xf32> to vector<8x1x128xf32>
    %squeeze3A_28 = vector.shape_cast %slice3A_27 : vector<8x1x128xf32> to vector<8x128xf32>
    %slice3A_29 = vector.extract_strided_slice %get3A_2 {offsets = [0, 7, 0], sizes = [8, 1, 128], strides = [1, 1, 1]} : vector<8x16x128xf32> to vector<8x1x128xf32>
    %squeeze3A_30 = vector.shape_cast %slice3A_29 : vector<8x1x128xf32> to vector<8x128xf32>
    %slice3A_31 = vector.extract_strided_slice %get3A_2 {offsets = [0, 11, 0], sizes = [8, 1, 128], strides = [1, 1, 1]} : vector<8x16x128xf32> to vector<8x1x128xf32>
    %squeeze3A_32 = vector.shape_cast %slice3A_31 : vector<8x1x128xf32> to vector<8x128xf32>
    %slice3A_33 = vector.extract_strided_slice %get3A_2 {offsets = [0, 15, 0], sizes = [8, 1, 128], strides = [1, 1, 1]} : vector<8x16x128xf32> to vector<8x1x128xf32>
    %squeeze3A_34 = vector.shape_cast %slice3A_33 : vector<8x1x128xf32> to vector<8x128xf32>
    %concatenate3A_35 = tpu.concatenate %squeeze3A_28, %squeeze3A_30, %squeeze3A_32, %squeeze3A_34 in 1 : vector<8x128xf32>, vector<8x128xf32>, vector<8x128xf32>, vector<8x128xf32> -> vector<8x512xf32>
    %get3A_36 = arith.constant 0 : index
    %get3A_37 = arith.constant 0 : index
    %get3A_38 = arith.constant 0 : index
    %get3A_39 = vector.load %arg1[%get3A_36, %get3A_37, %get3A_38] : memref<8x16x128xf32, #tpu.memory_space<vmem>>, vector<8x16x128xf32>
    %slice3A_40 = vector.extract_strided_slice %get3A_39 {offsets = [0, 0, 0], sizes = [8, 1, 128], strides = [1, 1, 1]} : vector<8x16x128xf32> to vector<8x1x128xf32>
    %squeeze3A_41 = vector.shape_cast %slice3A_40 : vector<8x1x128xf32> to vector<8x128xf32>
    %slice3A_42 = vector.extract_strided_slice %get3A_39 {offsets = [0, 4, 0], sizes = [8, 1, 128], strides = [1, 1, 1]} : vector<8x16x128xf32> to vector<8x1x128xf32>
    %squeeze3A_43 = vector.shape_cast %slice3A_42 : vector<8x1x128xf32> to vector<8x128xf32>
    %slice3A_44 = vector.extract_strided_slice %get3A_39 {offsets = [0, 8, 0], sizes = [8, 1, 128], strides = [1, 1, 1]} : vector<8x16x128xf32> to vector<8x1x128xf32>
    %squeeze3A_45 = vector.shape_cast %slice3A_44 : vector<8x1x128xf32> to vector<8x128xf32>
    %slice3A_46 = vector.extract_strided_slice %get3A_39 {offsets = [0, 12, 0], sizes = [8, 1, 128], strides = [1, 1, 1]} : vector<8x16x128xf32> to vector<8x1x128xf32>
    %squeeze3A_47 = vector.shape_cast %slice3A_46 : vector<8x1x128xf32> to vector<8x128xf32>
    %concatenate3A_48 = tpu.concatenate %squeeze3A_41, %squeeze3A_43, %squeeze3A_45, %squeeze3A_47 in 1 : vector<8x128xf32>, vector<8x128xf32>, vector<8x128xf32>, vector<8x128xf32> -> vector<8x512xf32>
    %slice3A_49 = vector.extract_strided_slice %get3A_39 {offsets = [0, 1, 0], sizes = [8, 1, 128], strides = [1, 1, 1]} : vector<8x16x128xf32> to vector<8x1x128xf32>
    %squeeze3A_50 = vector.shape_cast %slice3A_49 : vector<8x1x128xf32> to vector<8x128xf32>
    %slice3A_51 = vector.extract_strided_slice %get3A_39 {offsets = [0, 5, 0], sizes = [8, 1, 128], strides = [1, 1, 1]} : vector<8x16x128xf32> to vector<8x1x128xf32>
    %squeeze3A_52 = vector.shape_cast %slice3A_51 : vector<8x1x128xf32> to vector<8x128xf32>
    %slice3A_53 = vector.extract_strided_slice %get3A_39 {offsets = [0, 9, 0], sizes = [8, 1, 128], strides = [1, 1, 1]} : vector<8x16x128xf32> to vector<8x1x128xf32>
    %squeeze3A_54 = vector.shape_cast %slice3A_53 : vector<8x1x128xf32> to vector<8x128xf32>
    %slice3A_55 = vector.extract_strided_slice %get3A_39 {offsets = [0, 13, 0], sizes = [8, 1, 128], strides = [1, 1, 1]} : vector<8x16x128xf32> to vector<8x1x128xf32>
    %squeeze3A_56 = vector.shape_cast %slice3A_55 : vector<8x1x128xf32> to vector<8x128xf32>
    %concatenate3A_57 = tpu.concatenate %squeeze3A_50, %squeeze3A_52, %squeeze3A_54, %squeeze3A_56 in 1 : vector<8x128xf32>, vector<8x128xf32>, vector<8x128xf32>, vector<8x128xf32> -> vector<8x512xf32>
    %slice3A_58 = vector.extract_strided_slice %get3A_39 {offsets = [0, 2, 0], sizes = [8, 1, 128], strides = [1, 1, 1]} : vector<8x16x128xf32> to vector<8x1x128xf32>
    %squeeze3A_59 = vector.shape_cast %slice3A_58 : vector<8x1x128xf32> to vector<8x128xf32>
    %slice3A_60 = vector.extract_strided_slice %get3A_39 {offsets = [0, 6, 0], sizes = [8, 1, 128], strides = [1, 1, 1]} : vector<8x16x128xf32> to vector<8x1x128xf32>
    %squeeze3A_61 = vector.shape_cast %slice3A_60 : vector<8x1x128xf32> to vector<8x128xf32>
    %slice3A_62 = vector.extract_strided_slice %get3A_39 {offsets = [0, 10, 0], sizes = [8, 1, 128], strides = [1, 1, 1]} : vector<8x16x128xf32> to vector<8x1x128xf32>
    %squeeze3A_63 = vector.shape_cast %slice3A_62 : vector<8x1x128xf32> to vector<8x128xf32>
    %slice3A_64 = vector.extract_strided_slice %get3A_39 {offsets = [0, 14, 0], sizes = [8, 1, 128], strides = [1, 1, 1]} : vector<8x16x128xf32> to vector<8x1x128xf32>
    %squeeze3A_65 = vector.shape_cast %slice3A_64 : vector<8x1x128xf32> to vector<8x128xf32>
    %concatenate3A_66 = tpu.concatenate %squeeze3A_59, %squeeze3A_61, %squeeze3A_63, %squeeze3A_65 in 1 : vector<8x128xf32>, vector<8x128xf32>, vector<8x128xf32>, vector<8x128xf32> -> vector<8x512xf32>
    %slice3A_67 = vector.extract_strided_slice %get3A_39 {offsets = [0, 3, 0], sizes = [8, 1, 128], strides = [1, 1, 1]} : vector<8x16x128xf32> to vector<8x1x128xf32>
    %squeeze3A_68 = vector.shape_cast %slice3A_67 : vector<8x1x128xf32> to vector<8x128xf32>
    %slice3A_69 = vector.extract_strided_slice %get3A_39 {offsets = [0, 7, 0], sizes = [8, 1, 128], strides = [1, 1, 1]} : vector<8x16x128xf32> to vector<8x1x128xf32>
    %squeeze3A_70 = vector.shape_cast %slice3A_69 : vector<8x1x128xf32> to vector<8x128xf32>
    %slice3A_71 = vector.extract_strided_slice %get3A_39 {offsets = [0, 11, 0], sizes = [8, 1, 128], strides = [1, 1, 1]} : vector<8x16x128xf32> to vector<8x1x128xf32>
    %squeeze3A_72 = vector.shape_cast %slice3A_71 : vector<8x1x128xf32> to vector<8x128xf32>
    %slice3A_73 = vector.extract_strided_slice %get3A_39 {offsets = [0, 15, 0], sizes = [8, 1, 128], strides = [1, 1, 1]} : vector<8x16x128xf32> to vector<8x1x128xf32>
    %squeeze3A_74 = vector.shape_cast %slice3A_73 : vector<8x1x128xf32> to vector<8x128xf32>
    %concatenate3A_75 = tpu.concatenate %squeeze3A_68, %squeeze3A_70, %squeeze3A_72, %squeeze3A_74 in 1 : vector<8x128xf32>, vector<8x128xf32>, vector<8x128xf32>, vector<8x128xf32> -> vector<8x512xf32>
    %reshape3A = vector.shape_cast %concatenate3A : vector<8x512xf32> to vector<1x4096xf32>
    %reshape3A_76 = vector.shape_cast %concatenate3A_17 : vector<8x512xf32> to vector<1x4096xf32>
    %reshape3A_77 = vector.shape_cast %concatenate3A_26 : vector<8x512xf32> to vector<1x4096xf32>
    %reshape3A_78 = vector.shape_cast %concatenate3A_35 : vector<8x512xf32> to vector<1x4096xf32>
    %reshape3A_79 = vector.shape_cast %concatenate3A_48 : vector<8x512xf32> to vector<1x4096xf32>
    %reshape3A_80 = vector.shape_cast %concatenate3A_57 : vector<8x512xf32> to vector<1x4096xf32>
    %reshape3A_81 = vector.shape_cast %concatenate3A_66 : vector<8x512xf32> to vector<1x4096xf32>
    %reshape3A_82 = vector.shape_cast %concatenate3A_75 : vector<8x512xf32> to vector<1x4096xf32>
    %concatenate3A_83 = tpu.concatenate %reshape3A, %reshape3A_76, %reshape3A_77, %reshape3A_78, %reshape3A_79, %reshape3A_80, %reshape3A_81, %reshape3A_82 in 0 : vector<1x4096xf32>, vector<1x4096xf32>, vector<1x4096xf32>, vector<1x4096xf32>, vector<1x4096xf32>, vector<1x4096xf32>, vector<1x4096xf32>, vector<1x4096xf32> -> vector<8x4096xf32>
    %get3A_84 = arith.constant 0 : index
    %get3A_85 = arith.constant 0 : index
    %get3A_86 = vector.load %arg6[%get3A_84, %get3A_85] : memref<32x8xf32, #tpu.memory_space<vmem>>, vector<32x8xf32>
    %dot_general3A = arith.constant dense<0.000000e+00> : vector<32x4096xf32>
    %dot_general3A_87 = tpu.matmul %get3A_86, %concatenate3A_83, %dot_general3A {dimension_numbers = #tpu.dot_dimension_numbers<[1], [0], [0], [1], [0, 0, 1, 1], [], []>, transpose_lhs_hint = false} : vector<32x8xf32>, vector<8x4096xf32>, vector<32x4096xf32> -> vector<32x4096xf32>
    %get3A_88 = arith.constant 0 : index
    %get3A_89 = arith.constant 0 : index
    %get3A_90 = vector.load %arg7[%get3A_88, %get3A_89] : memref<32x1xf32, #tpu.memory_space<vmem>>, vector<32x1xf32>
    %add3A = vector.broadcast %get3A_90 : vector<32x1xf32> to vector<32x4096xf32>
    %add3A_91 = arith.addf %dot_general3A_87, %add3A : vector<32x4096xf32>
    %max3A = arith.constant 0.000000e+00 : f32
    %max3A_92 = vector.broadcast %max3A : f32 to vector<32x4096xf32>
    %max3A_93 = arith.maximumf %add3A_91, %max3A_92 : vector<32x4096xf32>
    %get3A_94 = arith.constant 0 : index
    %get3A_95 = arith.constant 0 : index
    %get3A_96 = vector.load %arg8[%get3A_94, %get3A_95] : memref<16x32xf32, #tpu.memory_space<vmem>>, vector<16x32xf32>
    %dot_general3A_97 = arith.constant dense<0.000000e+00> : vector<16x4096xf32>
    %dot_general3A_98 = tpu.matmul %get3A_96, %max3A_93, %dot_general3A_97 {dimension_numbers = #tpu.dot_dimension_numbers<[1], [0], [0], [1], [0, 0, 1, 1], [], []>, transpose_lhs_hint = false} : vector<16x32xf32>, vector<32x4096xf32>, vector<16x4096xf32> -> vector<16x4096xf32>
    %get3A_99 = arith.constant 0 : index
    %get3A_100 = arith.constant 0 : index
    %get3A_101 = vector.load %arg9[%get3A_99, %get3A_100] : memref<16x1xf32, #tpu.memory_space<vmem>>, vector<16x1xf32>
    %add3A_102 = vector.broadcast %get3A_101 : vector<16x1xf32> to vector<16x4096xf32>
    %add3A_103 = arith.addf %dot_general3A_98, %add3A_102 : vector<16x4096xf32>
    %max3A_104 = arith.constant 0.000000e+00 : f32
    %max3A_105 = vector.broadcast %max3A_104 : f32 to vector<16x4096xf32>
    %max3A_106 = arith.maximumf %add3A_103, %max3A_105 : vector<16x4096xf32>
    %get3A_107 = arith.constant 0 : index
    %get3A_108 = arith.constant 0 : index
    %get3A_109 = vector.load %arg10[%get3A_107, %get3A_108] : memref<1x16xf32, #tpu.memory_space<vmem>>, vector<1x16xf32>
    %dot_general3A_110 = arith.constant dense<0.000000e+00> : vector<1x4096xf32>
    %dot_general3A_111 = tpu.matmul %get3A_109, %max3A_106, %dot_general3A_110 {dimension_numbers = #tpu.dot_dimension_numbers<[1], [0], [0], [1], [0, 0, 1, 1], [], []>, transpose_lhs_hint = false} : vector<1x16xf32>, vector<16x4096xf32>, vector<1x4096xf32> -> vector<1x4096xf32>
    %get3A_112 = arith.constant 0 : index
    %get3A_113 = arith.constant 0 : index
    %get3A_114 = vector.load %arg11[%get3A_112, %get3A_113] : memref<1x1xf32, #tpu.memory_space<vmem>>, vector<1x1xf32>
    %add3A_115 = vector.broadcast %get3A_114 : vector<1x1xf32> to vector<1x4096xf32>
    %add3A_116 = arith.addf %dot_general3A_111, %add3A_115 : vector<1x4096xf32>
    %reshape3A_117 = vector.shape_cast %add3A_116 : vector<1x4096xf32> to vector<8x512xf32>
    %logistic3A = arith.negf %reshape3A_117 : vector<8x512xf32>
    %logistic3A_118 = math.exp %logistic3A : vector<8x512xf32>
    %logistic3A_119 = arith.constant 1.000000e+00 : f32
    %logistic3A_120 = vector.broadcast %logistic3A_119 : f32 to vector<8x512xf32>
    %logistic3A_121 = arith.addf %logistic3A_120, %logistic3A_118 : vector<8x512xf32>
    %logistic3A_122 = arith.divf %logistic3A_120, %logistic3A_121 : vector<8x512xf32>
    %lt3A = arith.constant 5.000000e-01 : f32
    %lt3A_123 = vector.broadcast %lt3A : f32 to vector<8x512xf32>
    %lt3A_124 = arith.cmpf olt, %logistic3A_122, %lt3A_123 : vector<8x512xf32>
    %mul3A = arith.constant 2.000000e+00 : f32
    %mul3A_125 = vector.broadcast %mul3A : f32 to vector<8x512xf32>
    %mul3A_126 = arith.mulf %mul3A_125, %logistic3A_122 : vector<8x512xf32>
    %jit3A = arith.constant 1.000000e+00 : f32
    %broadcast_in_dim3A = vector.broadcast %jit3A : f32 to vector<8x512xf32>
    %select_n3A = arith.select %lt3A_124, %mul3A_126, %broadcast_in_dim3A : vector<8x512xi1>, vector<8x512xf32>
    %max3A_127 = arith.maximumf %concatenate3A, %concatenate3A_17 : vector<8x512xf32>
    %max3A_128 = arith.maximumf %concatenate3A_26, %concatenate3A_35 : vector<8x512xf32>
    %max3A_129 = arith.maximumf %max3A_127, %max3A_128 : vector<8x512xf32>
    %sub3A = arith.subf %concatenate3A, %max3A_129 : vector<8x512xf32>
    %exp3A = math.exp %sub3A : vector<8x512xf32>
    %sub3A_130 = arith.subf %concatenate3A_17, %max3A_129 : vector<8x512xf32>
    %exp3A_131 = math.exp %sub3A_130 : vector<8x512xf32>
    %sub3A_132 = arith.subf %concatenate3A_26, %max3A_129 : vector<8x512xf32>
    %exp3A_133 = math.exp %sub3A_132 : vector<8x512xf32>
    %sub3A_134 = arith.subf %concatenate3A_35, %max3A_129 : vector<8x512xf32>
    %exp3A_135 = math.exp %sub3A_134 : vector<8x512xf32>
    %add3A_136 = arith.addf %exp3A, %exp3A_131 : vector<8x512xf32>
    %add3A_137 = arith.addf %add3A_136, %exp3A_133 : vector<8x512xf32>
    %add3A_138 = arith.addf %add3A_137, %exp3A_135 : vector<8x512xf32>
    %div3A = arith.divf %exp3A, %add3A_138 : vector<8x512xf32>
    %div3A_139 = arith.divf %exp3A_131, %add3A_138 : vector<8x512xf32>
    %add3A_140 = arith.addf %div3A, %div3A_139 : vector<8x512xf32>
    %gt3A = arith.constant 5.000000e-01 : f32
    %gt3A_141 = vector.broadcast %gt3A : f32 to vector<8x512xf32>
    %gt3A_142 = arith.cmpf ogt, %add3A_140, %gt3A_141 : vector<8x512xf32>
    %max3A_143 = arith.maximumf %concatenate3A_48, %concatenate3A_57 : vector<8x512xf32>
    %max3A_144 = arith.maximumf %concatenate3A_66, %concatenate3A_75 : vector<8x512xf32>
    %max3A_145 = arith.maximumf %max3A_143, %max3A_144 : vector<8x512xf32>
    %sub3A_146 = arith.subf %concatenate3A_48, %max3A_145 : vector<8x512xf32>
    %exp3A_147 = math.exp %sub3A_146 : vector<8x512xf32>
    %sub3A_148 = arith.subf %concatenate3A_57, %max3A_145 : vector<8x512xf32>
    %exp3A_149 = math.exp %sub3A_148 : vector<8x512xf32>
    %sub3A_150 = arith.subf %concatenate3A_66, %max3A_145 : vector<8x512xf32>
    %exp3A_151 = math.exp %sub3A_150 : vector<8x512xf32>
    %sub3A_152 = arith.subf %concatenate3A_75, %max3A_145 : vector<8x512xf32>
    %exp3A_153 = math.exp %sub3A_152 : vector<8x512xf32>
    %add3A_154 = arith.addf %exp3A_147, %exp3A_149 : vector<8x512xf32>
    %add3A_155 = arith.addf %add3A_154, %exp3A_151 : vector<8x512xf32>
    %add3A_156 = arith.addf %add3A_155, %exp3A_153 : vector<8x512xf32>
    %div3A_157 = arith.divf %exp3A_147, %add3A_156 : vector<8x512xf32>
    %div3A_158 = arith.divf %exp3A_149, %add3A_156 : vector<8x512xf32>
    %add3A_159 = arith.addf %div3A_157, %div3A_158 : vector<8x512xf32>
    %gt3A_160 = arith.constant 5.000000e-01 : f32
    %gt3A_161 = vector.broadcast %gt3A_160 : f32 to vector<8x512xf32>
    %gt3A_162 = arith.cmpf ogt, %add3A_159, %gt3A_161 : vector<8x512xf32>
    %iota3A = tpu.iota {dimensions = array<i32: 0>} : vector<512x512xi32>
    %iota3A_163 = tpu.iota {dimensions = array<i32: 1>} : vector<512x512xi32>
    %sub3A_164 = arith.subi %iota3A, %iota3A_163 : vector<512x512xi32>
    %abs3A = math.absi %sub3A_164 : vector<512x512xi32>
    %le3A = arith.constant 3 : i32
    %le3A_165 = vector.broadcast %le3A : i32 to vector<512x512xi32>
    %le3A_166 = arith.cmpi sle, %abs3A, %le3A_165 : vector<512x512xi32>
    %convert_element_type3A = arith.extui %le3A_166 : vector<512x512xi1> to vector<512x512xi32>
    %convert_element_type3A_167 = arith.sitofp %convert_element_type3A : vector<512x512xi32> to vector<512x512xf32>
    %get3A_168 = arith.constant 0 : index
    %get3A_169 = arith.constant 0 : index
    %get3A_170 = vector.load %arg2[%get3A_168, %get3A_169] : memref<8x512xi32, #tpu.memory_space<vmem>>, vector<8x512xi32>
    %gt3A_171 = arith.constant 0 : i32
    %gt3A_172 = vector.broadcast %gt3A_171 : i32 to vector<8x512xi32>
    %gt3A_173 = arith.cmpi sgt, %get3A_170, %gt3A_172 : vector<8x512xi32>
    %convert_element_type3A_174 = arith.extui %gt3A_173 : vector<8x512xi1> to vector<8x512xi32>
    %convert_element_type3A_175 = arith.sitofp %convert_element_type3A_174 : vector<8x512xi32> to vector<8x512xf32>
    %get3A_176 = arith.constant 0 : index
    %get3A_177 = arith.constant 0 : index
    %get3A_178 = vector.load %arg3[%get3A_176, %get3A_177] : memref<8x512xi32, #tpu.memory_space<vmem>>, vector<8x512xi32>
    %gt3A_179 = arith.constant 0 : i32
    %gt3A_180 = vector.broadcast %gt3A_179 : i32 to vector<8x512xi32>
    %gt3A_181 = arith.cmpi sgt, %get3A_178, %gt3A_180 : vector<8x512xi32>
    %convert_element_type3A_182 = arith.extui %gt3A_181 : vector<8x512xi1> to vector<8x512xi32>
    %convert_element_type3A_183 = arith.sitofp %convert_element_type3A_182 : vector<8x512xi32> to vector<8x512xf32>
    %dot_general3A_184 = arith.constant dense<0.000000e+00> : vector<8x512xf32>
    %dot_general3A_185 = tpu.matmul %convert_element_type3A_183, %convert_element_type3A_167, %dot_general3A_184 {dimension_numbers = #tpu.dot_dimension_numbers<[1], [0], [0], [1], [0, 0, 1, 1], [], []>, transpose_lhs_hint = false} : vector<8x512xf32>, vector<512x512xf32>, vector<8x512xf32> -> vector<8x512xf32>
    %gt3A_186 = arith.constant 0.000000e+00 : f32
    %gt3A_187 = vector.broadcast %gt3A_186 : f32 to vector<8x512xf32>
    %gt3A_188 = arith.cmpf ogt, %dot_general3A_185, %gt3A_187 : vector<8x512xf32>
    %dot_general3A_189 = arith.constant dense<0.000000e+00> : vector<8x512xf32>
    %dot_general3A_190 = tpu.matmul %convert_element_type3A_175, %convert_element_type3A_167, %dot_general3A_189 {dimension_numbers = #tpu.dot_dimension_numbers<[1], [0], [0], [1], [0, 0, 1, 1], [], []>, transpose_lhs_hint = false} : vector<8x512xf32>, vector<512x512xf32>, vector<8x512xf32> -> vector<8x512xf32>
    %gt3A_191 = arith.constant 0.000000e+00 : f32
    %gt3A_192 = vector.broadcast %gt3A_191 : f32 to vector<8x512xf32>
    %gt3A_193 = arith.cmpf ogt, %dot_general3A_190, %gt3A_192 : vector<8x512xf32>
    %not3A = arith.constant dense<true> : vector<8x512xi1>
    %not3A_194 = arith.xori %gt3A_188, %not3A : vector<8x512xi1>
    %and3A = arith.andi %gt3A_142, %not3A_194 : vector<8x512xi1>
    %not3A_195 = arith.constant dense<true> : vector<8x512xi1>
    %not3A_196 = arith.xori %gt3A_193, %not3A_195 : vector<8x512xi1>
    %and3A_197 = arith.andi %gt3A_162, %not3A_196 : vector<8x512xi1>
    %get3A_198 = arith.constant 0 : index
    %get3A_199 = arith.constant 0 : index
    %get3A_200 = arith.constant 0 : index
    %get3A_201 = vector.load %arg4[%get3A_198, %get3A_199, %get3A_200] : memref<7x512x1xf32, #tpu.memory_space<vmem>>, vector<7x512x1xf32>
    %reshape3A_202 = vector.shape_cast %get3A_201 : vector<7x512x1xf32> to vector<7x512xf32>
    %get3A_203 = arith.constant 0 : index
    %get3A_204 = arith.constant 0 : index
    %get3A_205 = vector.load %arg5[%get3A_203, %get3A_204] : memref<1x512xf32, #tpu.memory_space<vmem>>, vector<1x512xf32>
    %concatenate3A_206 = tpu.concatenate %reshape3A_202, %get3A_205 in 0 : vector<7x512xf32>, vector<1x512xf32> -> vector<8x512xf32>
    %gt3A_207 = arith.constant 5.000000e-01 : f32
    %gt3A_208 = vector.broadcast %gt3A_207 : f32 to vector<8x512xf32>
    %gt3A_209 = arith.cmpf ogt, %concatenate3A_206, %gt3A_208 : vector<8x512xf32>
    %jit3A_210 = arith.constant 3.000000e-01 : f32
    %jit3A_211 = arith.constant 1.000000e+00 : f32
    %broadcast_in_dim3A_212 = vector.broadcast %jit3A_210 : f32 to vector<8x512xf32>
    %broadcast_in_dim3A_213 = vector.broadcast %jit3A_211 : f32 to vector<8x512xf32>
    %select_n3A_214 = arith.select %and3A, %broadcast_in_dim3A_212, %broadcast_in_dim3A_213 : vector<8x512xi1>, vector<8x512xf32>
    %jit3A_215 = arith.constant 3.000000e-01 : f32
    %jit3A_216 = arith.constant 1.000000e+00 : f32
    %broadcast_in_dim3A_217 = vector.broadcast %jit3A_215 : f32 to vector<8x512xf32>
    %broadcast_in_dim3A_218 = vector.broadcast %jit3A_216 : f32 to vector<8x512xf32>
    %select_n3A_219 = arith.select %and3A_197, %broadcast_in_dim3A_217, %broadcast_in_dim3A_218 : vector<8x512xi1>, vector<8x512xf32>
    %jit3A_220 = arith.constant 0.699999988 : f32
    %jit3A_221 = arith.constant 1.000000e+00 : f32
    %broadcast_in_dim3A_222 = vector.broadcast %jit3A_220 : f32 to vector<8x512xf32>
    %broadcast_in_dim3A_223 = vector.broadcast %jit3A_221 : f32 to vector<8x512xf32>
    %select_n3A_224 = arith.select %gt3A_209, %broadcast_in_dim3A_222, %broadcast_in_dim3A_223 : vector<8x512xi1>, vector<8x512xf32>
    %mul3A_225 = arith.mulf %concatenate3A, %select_n3A : vector<8x512xf32>
    %mul3A_226 = arith.mulf %mul3A_225, %select_n3A_214 : vector<8x512xf32>
    %mul3A_227 = arith.mulf %concatenate3A_17, %select_n3A : vector<8x512xf32>
    %mul3A_228 = arith.mulf %mul3A_227, %select_n3A_214 : vector<8x512xf32>
    %mul3A_229 = arith.mulf %concatenate3A_48, %select_n3A : vector<8x512xf32>
    %mul3A_230 = arith.mulf %mul3A_229, %select_n3A_219 : vector<8x512xf32>
    %mul3A_231 = arith.mulf %concatenate3A_57, %select_n3A : vector<8x512xf32>
    %mul3A_232 = arith.mulf %mul3A_231, %select_n3A_219 : vector<8x512xf32>
    %mul3A_233 = arith.mulf %concatenate3A_26, %select_n3A : vector<8x512xf32>
    %mul3A_234 = arith.mulf %concatenate3A_35, %select_n3A : vector<8x512xf32>
    %mul3A_235 = arith.mulf %concatenate3A_66, %select_n3A : vector<8x512xf32>
    %mul3A_236 = arith.mulf %concatenate3A_75, %select_n3A : vector<8x512xf32>
    %max3A_237 = arith.maximumf %mul3A_233, %mul3A_234 : vector<8x512xf32>
    %max3A_238 = arith.maximumf %mul3A_235, %mul3A_236 : vector<8x512xf32>
    %max3A_239 = arith.maximumf %max3A_237, %max3A_238 : vector<8x512xf32>
    %gt3A_240 = arith.constant 5.000000e-01 : f32
    %gt3A_241 = vector.broadcast %gt3A_240 : f32 to vector<8x512xf32>
    %gt3A_242 = arith.cmpf ogt, %max3A_239, %gt3A_241 : vector<8x512xf32>
    %mul3A_243 = arith.mulf %mul3A_226, %select_n3A_224 : vector<8x512xf32>
    %mul3A_244 = arith.mulf %mul3A_228, %select_n3A_224 : vector<8x512xf32>
    %max3A_245 = arith.maximumf %mul3A_243, %mul3A_244 : vector<8x512xf32>
    %max3A_246 = arith.maximumf %mul3A_230, %mul3A_232 : vector<8x512xf32>
    %max3A_247 = arith.maximumf %max3A_245, %max3A_246 : vector<8x512xf32>
    %gt3A_248 = arith.constant 5.000000e-01 : f32
    %gt3A_249 = vector.broadcast %gt3A_248 : f32 to vector<8x512xf32>
    %gt3A_250 = arith.cmpf ogt, %max3A_247, %gt3A_249 : vector<8x512xf32>
    %mul3A_251 = arith.constant 1.000000e-01 : f32
    %mul3A_252 = vector.broadcast %mul3A_251 : f32 to vector<8x512xf32>
    %mul3A_253 = arith.mulf %mul3A_226, %mul3A_252 : vector<8x512xf32>
    %mul3A_254 = arith.mulf %mul3A_253, %select_n3A_224 : vector<8x512xf32>
    %mul3A_255 = arith.constant 1.000000e-01 : f32
    %mul3A_256 = vector.broadcast %mul3A_255 : f32 to vector<8x512xf32>
    %mul3A_257 = arith.mulf %mul3A_228, %mul3A_256 : vector<8x512xf32>
    %mul3A_258 = arith.mulf %mul3A_257, %select_n3A_224 : vector<8x512xf32>
    %max3A_259 = arith.maximumf %mul3A_254, %mul3A_258 : vector<8x512xf32>
    %mul3A_260 = arith.constant 1.000000e-01 : f32
    %mul3A_261 = vector.broadcast %mul3A_260 : f32 to vector<8x512xf32>
    %mul3A_262 = arith.mulf %mul3A_230, %mul3A_261 : vector<8x512xf32>
    %mul3A_263 = arith.constant 1.000000e-01 : f32
    %mul3A_264 = vector.broadcast %mul3A_263 : f32 to vector<8x512xf32>
    %mul3A_265 = arith.mulf %mul3A_232, %mul3A_264 : vector<8x512xf32>
    %max3A_266 = arith.maximumf %mul3A_262, %mul3A_265 : vector<8x512xf32>
    %max3A_267 = arith.maximumf %max3A_259, %max3A_266 : vector<8x512xf32>
    %gt3A_268 = arith.constant 5.000000e-01 : f32
    %gt3A_269 = vector.broadcast %gt3A_268 : f32 to vector<8x512xf32>
    %gt3A_270 = arith.cmpf ogt, %max3A_267, %gt3A_269 : vector<8x512xf32>
    %max3A_271 = arith.maximumf %concatenate3A, %concatenate3A_17 : vector<8x512xf32>
    %max3A_272 = arith.maximumf %concatenate3A_26, %concatenate3A_35 : vector<8x512xf32>
    %max3A_273 = arith.maximumf %max3A_271, %max3A_272 : vector<8x512xf32>
    %max3A_274 = arith.maximumf %concatenate3A_48, %concatenate3A_57 : vector<8x512xf32>
    %max3A_275 = arith.maximumf %concatenate3A_66, %concatenate3A_75 : vector<8x512xf32>
    %max3A_276 = arith.maximumf %max3A_274, %max3A_275 : vector<8x512xf32>
    %max3A_277 = arith.maximumf %max3A_273, %max3A_276 : vector<8x512xf32>
    %gt3A_278 = arith.constant 5.000000e-01 : f32
    %gt3A_279 = vector.broadcast %gt3A_278 : f32 to vector<8x512xf32>
    %gt3A_280 = arith.cmpf ogt, %max3A_277, %gt3A_279 : vector<8x512xf32>
    %or3A = arith.ori %gt3A_242, %gt3A_270 : vector<8x512xi1>
    %convert_element_type3A_281 = arith.extui %or3A : vector<8x512xi1> to vector<8x512xi32>
    %convert_element_type3A_282 = arith.sitofp %convert_element_type3A_281 : vector<8x512xi32> to vector<8x512xf32>
    %convert_element_type3A_283 = arith.extui %gt3A_250 : vector<8x512xi1> to vector<8x512xi32>
    %convert_element_type3A_284 = arith.sitofp %convert_element_type3A_283 : vector<8x512xi32> to vector<8x512xf32>
    %convert_element_type3A_285 = arith.extui %gt3A_280 : vector<8x512xi1> to vector<8x512xi32>
    %convert_element_type3A_286 = arith.sitofp %convert_element_type3A_285 : vector<8x512xi32> to vector<8x512xf32>
    %iota3A_287 = tpu.iota {dimensions = array<i32: 1>} : vector<8x512xi32>
    %roll3A = arith.constant 511 : i32
    %roll3A_288 = tpu.dynamic_rotate %convert_element_type3A_286 by %roll3A dim 1 : vector<8x512xf32>, i32 -> vector<8x512xf32>
    %lt3A_289 = arith.constant 511 : i32
    %lt3A_290 = vector.broadcast %lt3A_289 : i32 to vector<8x512xi32>
    %lt3A_291 = arith.cmpi slt, %iota3A_287, %lt3A_290 : vector<8x512xi32>
    %jit3A_292 = arith.constant 0.000000e+00 : f32
    %broadcast_in_dim3A_293 = vector.broadcast %jit3A_292 : f32 to vector<8x512xf32>
    %select_n3A_294 = arith.select %lt3A_291, %roll3A_288, %broadcast_in_dim3A_293 : vector<8x512xi1>, vector<8x512xf32>
    %roll3A_295 = arith.constant 510 : i32
    %roll3A_296 = tpu.dynamic_rotate %convert_element_type3A_286 by %roll3A_295 dim 1 : vector<8x512xf32>, i32 -> vector<8x512xf32>
    %lt3A_297 = arith.constant 510 : i32
    %lt3A_298 = vector.broadcast %lt3A_297 : i32 to vector<8x512xi32>
    %lt3A_299 = arith.cmpi slt, %iota3A_287, %lt3A_298 : vector<8x512xi32>
    %jit3A_300 = arith.constant 0.000000e+00 : f32
    %broadcast_in_dim3A_301 = vector.broadcast %jit3A_300 : f32 to vector<8x512xf32>
    %select_n3A_302 = arith.select %lt3A_299, %roll3A_296, %broadcast_in_dim3A_301 : vector<8x512xi1>, vector<8x512xf32>
    %max3A_303 = arith.maximumf %select_n3A_294, %select_n3A_302 : vector<8x512xf32>
    %roll3A_304 = arith.constant 1 : i32
    %roll3A_305 = tpu.dynamic_rotate %convert_element_type3A_282 by %roll3A_304 dim 1 : vector<8x512xf32>, i32 -> vector<8x512xf32>
    %ge3A = arith.constant 1 : i32
    %ge3A_306 = vector.broadcast %ge3A : i32 to vector<8x512xi32>
    %ge3A_307 = arith.cmpi sge, %iota3A_287, %ge3A_306 : vector<8x512xi32>
    %jit3A_308 = arith.constant 0.000000e+00 : f32
    %broadcast_in_dim3A_309 = vector.broadcast %jit3A_308 : f32 to vector<8x512xf32>
    %select_n3A_310 = arith.select %ge3A_307, %roll3A_305, %broadcast_in_dim3A_309 : vector<8x512xi1>, vector<8x512xf32>
    %roll3A_311 = arith.constant 2 : i32
    %roll3A_312 = tpu.dynamic_rotate %convert_element_type3A_282 by %roll3A_311 dim 1 : vector<8x512xf32>, i32 -> vector<8x512xf32>
    %ge3A_313 = arith.constant 2 : i32
    %ge3A_314 = vector.broadcast %ge3A_313 : i32 to vector<8x512xi32>
    %ge3A_315 = arith.cmpi sge, %iota3A_287, %ge3A_314 : vector<8x512xi32>
    %jit3A_316 = arith.constant 0.000000e+00 : f32
    %broadcast_in_dim3A_317 = vector.broadcast %jit3A_316 : f32 to vector<8x512xf32>
    %select_n3A_318 = arith.select %ge3A_315, %roll3A_312, %broadcast_in_dim3A_317 : vector<8x512xi1>, vector<8x512xf32>
    %max3A_319 = arith.maximumf %select_n3A_310, %select_n3A_318 : vector<8x512xf32>
    %max3A_320 = arith.maximumf %max3A_303, %max3A_319 : vector<8x512xf32>
    %roll3A_321 = arith.constant 1 : i32
    %roll3A_322 = tpu.dynamic_rotate %convert_element_type3A_284 by %roll3A_321 dim 1 : vector<8x512xf32>, i32 -> vector<8x512xf32>
    %ge3A_323 = arith.constant 1 : i32
    %ge3A_324 = vector.broadcast %ge3A_323 : i32 to vector<8x512xi32>
    %ge3A_325 = arith.cmpi sge, %iota3A_287, %ge3A_324 : vector<8x512xi32>
    %jit3A_326 = arith.constant 0.000000e+00 : f32
    %broadcast_in_dim3A_327 = vector.broadcast %jit3A_326 : f32 to vector<8x512xf32>
    %select_n3A_328 = arith.select %ge3A_325, %roll3A_322, %broadcast_in_dim3A_327 : vector<8x512xi1>, vector<8x512xf32>
    %roll3A_329 = arith.constant 2 : i32
    %roll3A_330 = tpu.dynamic_rotate %convert_element_type3A_284 by %roll3A_329 dim 1 : vector<8x512xf32>, i32 -> vector<8x512xf32>
    %ge3A_331 = arith.constant 2 : i32
    %ge3A_332 = vector.broadcast %ge3A_331 : i32 to vector<8x512xi32>
    %ge3A_333 = arith.cmpi sge, %iota3A_287, %ge3A_332 : vector<8x512xi32>
    %jit3A_334 = arith.constant 0.000000e+00 : f32
    %broadcast_in_dim3A_335 = vector.broadcast %jit3A_334 : f32 to vector<8x512xf32>
    %select_n3A_336 = arith.select %ge3A_333, %roll3A_330, %broadcast_in_dim3A_335 : vector<8x512xi1>, vector<8x512xf32>
    %broadcast_in_dim3A_337 = arith.constant 1.000000e+00 : f32
    %broadcast_in_dim3A_338 = vector.broadcast %broadcast_in_dim3A_337 : f32 to vector<8x512xf32>
    %broadcast_in_dim3A_339 = arith.constant 0.000000e+00 : f32
    %broadcast_in_dim3A_340 = vector.broadcast %broadcast_in_dim3A_339 : f32 to vector<8x512xf32>
    %roll3A_341 = arith.constant 1 : i32
    %roll3A_342 = tpu.dynamic_rotate %select_n3A_328 by %roll3A_341 dim 1 : vector<8x512xf32>, i32 -> vector<8x512xf32>
    %ge3A_343 = arith.constant 1 : i32
    %ge3A_344 = vector.broadcast %ge3A_343 : i32 to vector<8x512xi32>
    %ge3A_345 = arith.cmpi sge, %iota3A_287, %ge3A_344 : vector<8x512xi32>
    %jit3A_346 = arith.constant 1.000000e+00 : f32
    %broadcast_in_dim3A_347 = vector.broadcast %jit3A_346 : f32 to vector<8x512xf32>
    %select_n3A_348 = arith.select %ge3A_345, %roll3A_342, %broadcast_in_dim3A_347 : vector<8x512xi1>, vector<8x512xf32>
    %roll3A_349 = arith.constant 1 : i32
    %roll3A_350 = tpu.dynamic_rotate %select_n3A_336 by %roll3A_349 dim 1 : vector<8x512xf32>, i32 -> vector<8x512xf32>
    %ge3A_351 = arith.constant 1 : i32
    %ge3A_352 = vector.broadcast %ge3A_351 : i32 to vector<8x512xi32>
    %ge3A_353 = arith.cmpi sge, %iota3A_287, %ge3A_352 : vector<8x512xi32>
    %jit3A_354 = arith.constant 0.000000e+00 : f32
    %broadcast_in_dim3A_355 = vector.broadcast %jit3A_354 : f32 to vector<8x512xf32>
    %select_n3A_356 = arith.select %ge3A_353, %roll3A_350, %broadcast_in_dim3A_355 : vector<8x512xi1>, vector<8x512xf32>
    %roll3A_357 = arith.constant 1 : i32
    %roll3A_358 = tpu.dynamic_rotate %broadcast_in_dim3A_338 by %roll3A_357 dim 1 : vector<8x512xf32>, i32 -> vector<8x512xf32>
    %ge3A_359 = arith.constant 1 : i32
    %ge3A_360 = vector.broadcast %ge3A_359 : i32 to vector<8x512xi32>
    %ge3A_361 = arith.cmpi sge, %iota3A_287, %ge3A_360 : vector<8x512xi32>
    %jit3A_362 = arith.constant 0.000000e+00 : f32
    %broadcast_in_dim3A_363 = vector.broadcast %jit3A_362 : f32 to vector<8x512xf32>
    %select_n3A_364 = arith.select %ge3A_361, %roll3A_358, %broadcast_in_dim3A_363 : vector<8x512xi1>, vector<8x512xf32>
    %roll3A_365 = arith.constant 1 : i32
    %roll3A_366 = tpu.dynamic_rotate %broadcast_in_dim3A_340 by %roll3A_365 dim 1 : vector<8x512xf32>, i32 -> vector<8x512xf32>
    %ge3A_367 = arith.constant 1 : i32
    %ge3A_368 = vector.broadcast %ge3A_367 : i32 to vector<8x512xi32>
    %ge3A_369 = arith.cmpi sge, %iota3A_287, %ge3A_368 : vector<8x512xi32>
    %jit3A_370 = arith.constant 1.000000e+00 : f32
    %broadcast_in_dim3A_371 = vector.broadcast %jit3A_370 : f32 to vector<8x512xf32>
    %select_n3A_372 = arith.select %ge3A_369, %roll3A_366, %broadcast_in_dim3A_371 : vector<8x512xi1>, vector<8x512xf32>
    %roll3A_373 = arith.constant 1 : i32
    %roll3A_374 = tpu.dynamic_rotate %max3A_320 by %roll3A_373 dim 1 : vector<8x512xf32>, i32 -> vector<8x512xf32>
    %ge3A_375 = arith.constant 1 : i32
    %ge3A_376 = vector.broadcast %ge3A_375 : i32 to vector<8x512xi32>
    %ge3A_377 = arith.cmpi sge, %iota3A_287, %ge3A_376 : vector<8x512xi32>
    %jit3A_378 = arith.constant 0.000000e+00 : f32
    %broadcast_in_dim3A_379 = vector.broadcast %jit3A_378 : f32 to vector<8x512xf32>
    %select_n3A_380 = arith.select %ge3A_377, %roll3A_374, %broadcast_in_dim3A_379 : vector<8x512xi1>, vector<8x512xf32>
    %roll3A_381 = arith.constant 1 : i32
    %roll3A_382 = tpu.dynamic_rotate %broadcast_in_dim3A_340 by %roll3A_381 dim 1 : vector<8x512xf32>, i32 -> vector<8x512xf32>
    %ge3A_383 = arith.constant 1 : i32
    %ge3A_384 = vector.broadcast %ge3A_383 : i32 to vector<8x512xi32>
    %ge3A_385 = arith.cmpi sge, %iota3A_287, %ge3A_384 : vector<8x512xi32>
    %jit3A_386 = arith.constant 0.000000e+00 : f32
    %broadcast_in_dim3A_387 = vector.broadcast %jit3A_386 : f32 to vector<8x512xf32>
    %select_n3A_388 = arith.select %ge3A_385, %roll3A_382, %broadcast_in_dim3A_387 : vector<8x512xi1>, vector<8x512xf32>
    %mul3A_389 = arith.mulf %select_n3A_328, %select_n3A_348 : vector<8x512xf32>
    %mul3A_390 = arith.mulf %select_n3A_336, %select_n3A_364 : vector<8x512xf32>
    %max3A_391 = arith.maximumf %mul3A_389, %mul3A_390 : vector<8x512xf32>
    %mul3A_392 = arith.mulf %select_n3A_328, %select_n3A_356 : vector<8x512xf32>
    %mul3A_393 = arith.mulf %select_n3A_336, %select_n3A_372 : vector<8x512xf32>
    %max3A_394 = arith.maximumf %mul3A_392, %mul3A_393 : vector<8x512xf32>
    %mul3A_395 = arith.mulf %broadcast_in_dim3A_338, %select_n3A_348 : vector<8x512xf32>
    %mul3A_396 = arith.mulf %broadcast_in_dim3A_340, %select_n3A_364 : vector<8x512xf32>
    %max3A_397 = arith.maximumf %mul3A_395, %mul3A_396 : vector<8x512xf32>
    %mul3A_398 = arith.mulf %broadcast_in_dim3A_338, %select_n3A_356 : vector<8x512xf32>
    %mul3A_399 = arith.mulf %broadcast_in_dim3A_340, %select_n3A_372 : vector<8x512xf32>
    %max3A_400 = arith.maximumf %mul3A_398, %mul3A_399 : vector<8x512xf32>
    %mul3A_401 = arith.mulf %select_n3A_328, %select_n3A_380 : vector<8x512xf32>
    %mul3A_402 = arith.mulf %select_n3A_336, %select_n3A_388 : vector<8x512xf32>
    %max3A_403 = arith.maximumf %mul3A_401, %mul3A_402 : vector<8x512xf32>
    %max3A_404 = arith.maximumf %max3A_403, %max3A_320 : vector<8x512xf32>
    %mul3A_405 = arith.mulf %broadcast_in_dim3A_338, %select_n3A_380 : vector<8x512xf32>
    %mul3A_406 = arith.mulf %broadcast_in_dim3A_340, %select_n3A_388 : vector<8x512xf32>
    %max3A_407 = arith.maximumf %mul3A_405, %mul3A_406 : vector<8x512xf32>
    %max3A_408 = arith.maximumf %max3A_407, %broadcast_in_dim3A_340 : vector<8x512xf32>
    %roll3A_409 = arith.constant 2 : i32
    %roll3A_410 = tpu.dynamic_rotate %max3A_391 by %roll3A_409 dim 1 : vector<8x512xf32>, i32 -> vector<8x512xf32>
    %ge3A_411 = arith.constant 2 : i32
    %ge3A_412 = vector.broadcast %ge3A_411 : i32 to vector<8x512xi32>
    %ge3A_413 = arith.cmpi sge, %iota3A_287, %ge3A_412 : vector<8x512xi32>
    %jit3A_414 = arith.constant 1.000000e+00 : f32
    %broadcast_in_dim3A_415 = vector.broadcast %jit3A_414 : f32 to vector<8x512xf32>
    %select_n3A_416 = arith.select %ge3A_413, %roll3A_410, %broadcast_in_dim3A_415 : vector<8x512xi1>, vector<8x512xf32>
    %roll3A_417 = arith.constant 2 : i32
    %roll3A_418 = tpu.dynamic_rotate %max3A_394 by %roll3A_417 dim 1 : vector<8x512xf32>, i32 -> vector<8x512xf32>
    %ge3A_419 = arith.constant 2 : i32
    %ge3A_420 = vector.broadcast %ge3A_419 : i32 to vector<8x512xi32>
    %ge3A_421 = arith.cmpi sge, %iota3A_287, %ge3A_420 : vector<8x512xi32>
    %jit3A_422 = arith.constant 0.000000e+00 : f32
    %broadcast_in_dim3A_423 = vector.broadcast %jit3A_422 : f32 to vector<8x512xf32>
    %select_n3A_424 = arith.select %ge3A_421, %roll3A_418, %broadcast_in_dim3A_423 : vector<8x512xi1>, vector<8x512xf32>
    %roll3A_425 = arith.constant 2 : i32
    %roll3A_426 = tpu.dynamic_rotate %max3A_397 by %roll3A_425 dim 1 : vector<8x512xf32>, i32 -> vector<8x512xf32>
    %ge3A_427 = arith.constant 2 : i32
    %ge3A_428 = vector.broadcast %ge3A_427 : i32 to vector<8x512xi32>
    %ge3A_429 = arith.cmpi sge, %iota3A_287, %ge3A_428 : vector<8x512xi32>
    %jit3A_430 = arith.constant 0.000000e+00 : f32
    %broadcast_in_dim3A_431 = vector.broadcast %jit3A_430 : f32 to vector<8x512xf32>
    %select_n3A_432 = arith.select %ge3A_429, %roll3A_426, %broadcast_in_dim3A_431 : vector<8x512xi1>, vector<8x512xf32>
    %roll3A_433 = arith.constant 2 : i32
    %roll3A_434 = tpu.dynamic_rotate %max3A_400 by %roll3A_433 dim 1 : vector<8x512xf32>, i32 -> vector<8x512xf32>
    %ge3A_435 = arith.constant 2 : i32
    %ge3A_436 = vector.broadcast %ge3A_435 : i32 to vector<8x512xi32>
    %ge3A_437 = arith.cmpi sge, %iota3A_287, %ge3A_436 : vector<8x512xi32>
    %jit3A_438 = arith.constant 1.000000e+00 : f32
    %broadcast_in_dim3A_439 = vector.broadcast %jit3A_438 : f32 to vector<8x512xf32>
    %select_n3A_440 = arith.select %ge3A_437, %roll3A_434, %broadcast_in_dim3A_439 : vector<8x512xi1>, vector<8x512xf32>
    %roll3A_441 = arith.constant 2 : i32
    %roll3A_442 = tpu.dynamic_rotate %max3A_404 by %roll3A_441 dim 1 : vector<8x512xf32>, i32 -> vector<8x512xf32>
    %ge3A_443 = arith.constant 2 : i32
    %ge3A_444 = vector.broadcast %ge3A_443 : i32 to vector<8x512xi32>
    %ge3A_445 = arith.cmpi sge, %iota3A_287, %ge3A_444 : vector<8x512xi32>
    %jit3A_446 = arith.constant 0.000000e+00 : f32
    %broadcast_in_dim3A_447 = vector.broadcast %jit3A_446 : f32 to vector<8x512xf32>
    %select_n3A_448 = arith.select %ge3A_445, %roll3A_442, %broadcast_in_dim3A_447 : vector<8x512xi1>, vector<8x512xf32>
    %roll3A_449 = arith.constant 2 : i32
    %roll3A_450 = tpu.dynamic_rotate %max3A_408 by %roll3A_449 dim 1 : vector<8x512xf32>, i32 -> vector<8x512xf32>
    %ge3A_451 = arith.constant 2 : i32
    %ge3A_452 = vector.broadcast %ge3A_451 : i32 to vector<8x512xi32>
    %ge3A_453 = arith.cmpi sge, %iota3A_287, %ge3A_452 : vector<8x512xi32>
    %jit3A_454 = arith.constant 0.000000e+00 : f32
    %broadcast_in_dim3A_455 = vector.broadcast %jit3A_454 : f32 to vector<8x512xf32>
    %select_n3A_456 = arith.select %ge3A_453, %roll3A_450, %broadcast_in_dim3A_455 : vector<8x512xi1>, vector<8x512xf32>
    %mul3A_457 = arith.mulf %max3A_391, %select_n3A_416 : vector<8x512xf32>
    %mul3A_458 = arith.mulf %max3A_394, %select_n3A_432 : vector<8x512xf32>
    %max3A_459 = arith.maximumf %mul3A_457, %mul3A_458 : vector<8x512xf32>
    %mul3A_460 = arith.mulf %max3A_391, %select_n3A_424 : vector<8x512xf32>
    %mul3A_461 = arith.mulf %max3A_394, %select_n3A_440 : vector<8x512xf32>
    %max3A_462 = arith.maximumf %mul3A_460, %mul3A_461 : vector<8x512xf32>
    %mul3A_463 = arith.mulf %max3A_397, %select_n3A_416 : vector<8x512xf32>
    %mul3A_464 = arith.mulf %max3A_400, %select_n3A_432 : vector<8x512xf32>
    %max3A_465 = arith.maximumf %mul3A_463, %mul3A_464 : vector<8x512xf32>
    %mul3A_466 = arith.mulf %max3A_397, %select_n3A_424 : vector<8x512xf32>
    %mul3A_467 = arith.mulf %max3A_400, %select_n3A_440 : vector<8x512xf32>
    %max3A_468 = arith.maximumf %mul3A_466, %mul3A_467 : vector<8x512xf32>
    %mul3A_469 = arith.mulf %max3A_391, %select_n3A_448 : vector<8x512xf32>
    %mul3A_470 = arith.mulf %max3A_394, %select_n3A_456 : vector<8x512xf32>
    %max3A_471 = arith.maximumf %mul3A_469, %mul3A_470 : vector<8x512xf32>
    %max3A_472 = arith.maximumf %max3A_471, %max3A_404 : vector<8x512xf32>
    %mul3A_473 = arith.mulf %max3A_397, %select_n3A_448 : vector<8x512xf32>
    %mul3A_474 = arith.mulf %max3A_400, %select_n3A_456 : vector<8x512xf32>
    %max3A_475 = arith.maximumf %mul3A_473, %mul3A_474 : vector<8x512xf32>
    %max3A_476 = arith.maximumf %max3A_475, %max3A_408 : vector<8x512xf32>
    %roll3A_477 = arith.constant 4 : i32
    %roll3A_478 = tpu.dynamic_rotate %max3A_459 by %roll3A_477 dim 1 : vector<8x512xf32>, i32 -> vector<8x512xf32>
    %ge3A_479 = arith.constant 4 : i32
    %ge3A_480 = vector.broadcast %ge3A_479 : i32 to vector<8x512xi32>
    %ge3A_481 = arith.cmpi sge, %iota3A_287, %ge3A_480 : vector<8x512xi32>
    %jit3A_482 = arith.constant 1.000000e+00 : f32
    %broadcast_in_dim3A_483 = vector.broadcast %jit3A_482 : f32 to vector<8x512xf32>
    %select_n3A_484 = arith.select %ge3A_481, %roll3A_478, %broadcast_in_dim3A_483 : vector<8x512xi1>, vector<8x512xf32>
    %roll3A_485 = arith.constant 4 : i32
    %roll3A_486 = tpu.dynamic_rotate %max3A_462 by %roll3A_485 dim 1 : vector<8x512xf32>, i32 -> vector<8x512xf32>
    %ge3A_487 = arith.constant 4 : i32
    %ge3A_488 = vector.broadcast %ge3A_487 : i32 to vector<8x512xi32>
    %ge3A_489 = arith.cmpi sge, %iota3A_287, %ge3A_488 : vector<8x512xi32>
    %jit3A_490 = arith.constant 0.000000e+00 : f32
    %broadcast_in_dim3A_491 = vector.broadcast %jit3A_490 : f32 to vector<8x512xf32>
    %select_n3A_492 = arith.select %ge3A_489, %roll3A_486, %broadcast_in_dim3A_491 : vector<8x512xi1>, vector<8x512xf32>
    %roll3A_493 = arith.constant 4 : i32
    %roll3A_494 = tpu.dynamic_rotate %max3A_465 by %roll3A_493 dim 1 : vector<8x512xf32>, i32 -> vector<8x512xf32>
    %ge3A_495 = arith.constant 4 : i32
    %ge3A_496 = vector.broadcast %ge3A_495 : i32 to vector<8x512xi32>
    %ge3A_497 = arith.cmpi sge, %iota3A_287, %ge3A_496 : vector<8x512xi32>
    %jit3A_498 = arith.constant 0.000000e+00 : f32
    %broadcast_in_dim3A_499 = vector.broadcast %jit3A_498 : f32 to vector<8x512xf32>
    %select_n3A_500 = arith.select %ge3A_497, %roll3A_494, %broadcast_in_dim3A_499 : vector<8x512xi1>, vector<8x512xf32>
    %roll3A_501 = arith.constant 4 : i32
    %roll3A_502 = tpu.dynamic_rotate %max3A_468 by %roll3A_501 dim 1 : vector<8x512xf32>, i32 -> vector<8x512xf32>
    %ge3A_503 = arith.constant 4 : i32
    %ge3A_504 = vector.broadcast %ge3A_503 : i32 to vector<8x512xi32>
    %ge3A_505 = arith.cmpi sge, %iota3A_287, %ge3A_504 : vector<8x512xi32>
    %jit3A_506 = arith.constant 1.000000e+00 : f32
    %broadcast_in_dim3A_507 = vector.broadcast %jit3A_506 : f32 to vector<8x512xf32>
    %select_n3A_508 = arith.select %ge3A_505, %roll3A_502, %broadcast_in_dim3A_507 : vector<8x512xi1>, vector<8x512xf32>
    %roll3A_509 = arith.constant 4 : i32
    %roll3A_510 = tpu.dynamic_rotate %max3A_472 by %roll3A_509 dim 1 : vector<8x512xf32>, i32 -> vector<8x512xf32>
    %ge3A_511 = arith.constant 4 : i32
    %ge3A_512 = vector.broadcast %ge3A_511 : i32 to vector<8x512xi32>
    %ge3A_513 = arith.cmpi sge, %iota3A_287, %ge3A_512 : vector<8x512xi32>
    %jit3A_514 = arith.constant 0.000000e+00 : f32
    %broadcast_in_dim3A_515 = vector.broadcast %jit3A_514 : f32 to vector<8x512xf32>
    %select_n3A_516 = arith.select %ge3A_513, %roll3A_510, %broadcast_in_dim3A_515 : vector<8x512xi1>, vector<8x512xf32>
    %roll3A_517 = arith.constant 4 : i32
    %roll3A_518 = tpu.dynamic_rotate %max3A_476 by %roll3A_517 dim 1 : vector<8x512xf32>, i32 -> vector<8x512xf32>
    %ge3A_519 = arith.constant 4 : i32
    %ge3A_520 = vector.broadcast %ge3A_519 : i32 to vector<8x512xi32>
    %ge3A_521 = arith.cmpi sge, %iota3A_287, %ge3A_520 : vector<8x512xi32>
    %jit3A_522 = arith.constant 0.000000e+00 : f32
    %broadcast_in_dim3A_523 = vector.broadcast %jit3A_522 : f32 to vector<8x512xf32>
    %select_n3A_524 = arith.select %ge3A_521, %roll3A_518, %broadcast_in_dim3A_523 : vector<8x512xi1>, vector<8x512xf32>
    %mul3A_525 = arith.mulf %max3A_459, %select_n3A_484 : vector<8x512xf32>
    %mul3A_526 = arith.mulf %max3A_462, %select_n3A_500 : vector<8x512xf32>
    %max3A_527 = arith.maximumf %mul3A_525, %mul3A_526 : vector<8x512xf32>
    %mul3A_528 = arith.mulf %max3A_459, %select_n3A_492 : vector<8x512xf32>
    %mul3A_529 = arith.mulf %max3A_462, %select_n3A_508 : vector<8x512xf32>
    %max3A_530 = arith.maximumf %mul3A_528, %mul3A_529 : vector<8x512xf32>
    %mul3A_531 = arith.mulf %max3A_465, %select_n3A_484 : vector<8x512xf32>
    %mul3A_532 = arith.mulf %max3A_468, %select_n3A_500 : vector<8x512xf32>
    %max3A_533 = arith.maximumf %mul3A_531, %mul3A_532 : vector<8x512xf32>
    %mul3A_534 = arith.mulf %max3A_465, %select_n3A_492 : vector<8x512xf32>
    %mul3A_535 = arith.mulf %max3A_468, %select_n3A_508 : vector<8x512xf32>
    %max3A_536 = arith.maximumf %mul3A_534, %mul3A_535 : vector<8x512xf32>
    %mul3A_537 = arith.mulf %max3A_459, %select_n3A_516 : vector<8x512xf32>
    %mul3A_538 = arith.mulf %max3A_462, %select_n3A_524 : vector<8x512xf32>
    %max3A_539 = arith.maximumf %mul3A_537, %mul3A_538 : vector<8x512xf32>
    %max3A_540 = arith.maximumf %max3A_539, %max3A_472 : vector<8x512xf32>
    %mul3A_541 = arith.mulf %max3A_465, %select_n3A_516 : vector<8x512xf32>
    %mul3A_542 = arith.mulf %max3A_468, %select_n3A_524 : vector<8x512xf32>
    %max3A_543 = arith.maximumf %mul3A_541, %mul3A_542 : vector<8x512xf32>
    %max3A_544 = arith.maximumf %max3A_543, %max3A_476 : vector<8x512xf32>
    %roll3A_545 = arith.constant 8 : i32
    %roll3A_546 = tpu.dynamic_rotate %max3A_527 by %roll3A_545 dim 1 : vector<8x512xf32>, i32 -> vector<8x512xf32>
    %ge3A_547 = arith.constant 8 : i32
    %ge3A_548 = vector.broadcast %ge3A_547 : i32 to vector<8x512xi32>
    %ge3A_549 = arith.cmpi sge, %iota3A_287, %ge3A_548 : vector<8x512xi32>
    %jit3A_550 = arith.constant 1.000000e+00 : f32
    %broadcast_in_dim3A_551 = vector.broadcast %jit3A_550 : f32 to vector<8x512xf32>
    %select_n3A_552 = arith.select %ge3A_549, %roll3A_546, %broadcast_in_dim3A_551 : vector<8x512xi1>, vector<8x512xf32>
    %roll3A_553 = arith.constant 8 : i32
    %roll3A_554 = tpu.dynamic_rotate %max3A_530 by %roll3A_553 dim 1 : vector<8x512xf32>, i32 -> vector<8x512xf32>
    %ge3A_555 = arith.constant 8 : i32
    %ge3A_556 = vector.broadcast %ge3A_555 : i32 to vector<8x512xi32>
    %ge3A_557 = arith.cmpi sge, %iota3A_287, %ge3A_556 : vector<8x512xi32>
    %jit3A_558 = arith.constant 0.000000e+00 : f32
    %broadcast_in_dim3A_559 = vector.broadcast %jit3A_558 : f32 to vector<8x512xf32>
    %select_n3A_560 = arith.select %ge3A_557, %roll3A_554, %broadcast_in_dim3A_559 : vector<8x512xi1>, vector<8x512xf32>
    %roll3A_561 = arith.constant 8 : i32
    %roll3A_562 = tpu.dynamic_rotate %max3A_533 by %roll3A_561 dim 1 : vector<8x512xf32>, i32 -> vector<8x512xf32>
    %ge3A_563 = arith.constant 8 : i32
    %ge3A_564 = vector.broadcast %ge3A_563 : i32 to vector<8x512xi32>
    %ge3A_565 = arith.cmpi sge, %iota3A_287, %ge3A_564 : vector<8x512xi32>
    %jit3A_566 = arith.constant 0.000000e+00 : f32
    %broadcast_in_dim3A_567 = vector.broadcast %jit3A_566 : f32 to vector<8x512xf32>
    %select_n3A_568 = arith.select %ge3A_565, %roll3A_562, %broadcast_in_dim3A_567 : vector<8x512xi1>, vector<8x512xf32>
    %roll3A_569 = arith.constant 8 : i32
    %roll3A_570 = tpu.dynamic_rotate %max3A_536 by %roll3A_569 dim 1 : vector<8x512xf32>, i32 -> vector<8x512xf32>
    %ge3A_571 = arith.constant 8 : i32
    %ge3A_572 = vector.broadcast %ge3A_571 : i32 to vector<8x512xi32>
    %ge3A_573 = arith.cmpi sge, %iota3A_287, %ge3A_572 : vector<8x512xi32>
    %jit3A_574 = arith.constant 1.000000e+00 : f32
    %broadcast_in_dim3A_575 = vector.broadcast %jit3A_574 : f32 to vector<8x512xf32>
    %select_n3A_576 = arith.select %ge3A_573, %roll3A_570, %broadcast_in_dim3A_575 : vector<8x512xi1>, vector<8x512xf32>
    %roll3A_577 = arith.constant 8 : i32
    %roll3A_578 = tpu.dynamic_rotate %max3A_540 by %roll3A_577 dim 1 : vector<8x512xf32>, i32 -> vector<8x512xf32>
    %ge3A_579 = arith.constant 8 : i32
    %ge3A_580 = vector.broadcast %ge3A_579 : i32 to vector<8x512xi32>
    %ge3A_581 = arith.cmpi sge, %iota3A_287, %ge3A_580 : vector<8x512xi32>
    %jit3A_582 = arith.constant 0.000000e+00 : f32
    %broadcast_in_dim3A_583 = vector.broadcast %jit3A_582 : f32 to vector<8x512xf32>
    %select_n3A_584 = arith.select %ge3A_581, %roll3A_578, %broadcast_in_dim3A_583 : vector<8x512xi1>, vector<8x512xf32>
    %roll3A_585 = arith.constant 8 : i32
    %roll3A_586 = tpu.dynamic_rotate %max3A_544 by %roll3A_585 dim 1 : vector<8x512xf32>, i32 -> vector<8x512xf32>
    %ge3A_587 = arith.constant 8 : i32
    %ge3A_588 = vector.broadcast %ge3A_587 : i32 to vector<8x512xi32>
    %ge3A_589 = arith.cmpi sge, %iota3A_287, %ge3A_588 : vector<8x512xi32>
    %jit3A_590 = arith.constant 0.000000e+00 : f32
    %broadcast_in_dim3A_591 = vector.broadcast %jit3A_590 : f32 to vector<8x512xf32>
    %select_n3A_592 = arith.select %ge3A_589, %roll3A_586, %broadcast_in_dim3A_591 : vector<8x512xi1>, vector<8x512xf32>
    %mul3A_593 = arith.mulf %max3A_527, %select_n3A_552 : vector<8x512xf32>
    %mul3A_594 = arith.mulf %max3A_530, %select_n3A_568 : vector<8x512xf32>
    %max3A_595 = arith.maximumf %mul3A_593, %mul3A_594 : vector<8x512xf32>
    %mul3A_596 = arith.mulf %max3A_527, %select_n3A_560 : vector<8x512xf32>
    %mul3A_597 = arith.mulf %max3A_530, %select_n3A_576 : vector<8x512xf32>
    %max3A_598 = arith.maximumf %mul3A_596, %mul3A_597 : vector<8x512xf32>
    %mul3A_599 = arith.mulf %max3A_533, %select_n3A_552 : vector<8x512xf32>
    %mul3A_600 = arith.mulf %max3A_536, %select_n3A_568 : vector<8x512xf32>
    %max3A_601 = arith.maximumf %mul3A_599, %mul3A_600 : vector<8x512xf32>
    %mul3A_602 = arith.mulf %max3A_533, %select_n3A_560 : vector<8x512xf32>
    %mul3A_603 = arith.mulf %max3A_536, %select_n3A_576 : vector<8x512xf32>
    %max3A_604 = arith.maximumf %mul3A_602, %mul3A_603 : vector<8x512xf32>
    %mul3A_605 = arith.mulf %max3A_527, %select_n3A_584 : vector<8x512xf32>
    %mul3A_606 = arith.mulf %max3A_530, %select_n3A_592 : vector<8x512xf32>
    %max3A_607 = arith.maximumf %mul3A_605, %mul3A_606 : vector<8x512xf32>
    %max3A_608 = arith.maximumf %max3A_607, %max3A_540 : vector<8x512xf32>
    %mul3A_609 = arith.mulf %max3A_533, %select_n3A_584 : vector<8x512xf32>
    %mul3A_610 = arith.mulf %max3A_536, %select_n3A_592 : vector<8x512xf32>
    %max3A_611 = arith.maximumf %mul3A_609, %mul3A_610 : vector<8x512xf32>
    %max3A_612 = arith.maximumf %max3A_611, %max3A_544 : vector<8x512xf32>
    %roll3A_613 = arith.constant 16 : i32
    %roll3A_614 = tpu.dynamic_rotate %max3A_595 by %roll3A_613 dim 1 : vector<8x512xf32>, i32 -> vector<8x512xf32>
    %ge3A_615 = arith.constant 16 : i32
    %ge3A_616 = vector.broadcast %ge3A_615 : i32 to vector<8x512xi32>
    %ge3A_617 = arith.cmpi sge, %iota3A_287, %ge3A_616 : vector<8x512xi32>
    %jit3A_618 = arith.constant 1.000000e+00 : f32
    %broadcast_in_dim3A_619 = vector.broadcast %jit3A_618 : f32 to vector<8x512xf32>
    %select_n3A_620 = arith.select %ge3A_617, %roll3A_614, %broadcast_in_dim3A_619 : vector<8x512xi1>, vector<8x512xf32>
    %roll3A_621 = arith.constant 16 : i32
    %roll3A_622 = tpu.dynamic_rotate %max3A_598 by %roll3A_621 dim 1 : vector<8x512xf32>, i32 -> vector<8x512xf32>
    %ge3A_623 = arith.constant 16 : i32
    %ge3A_624 = vector.broadcast %ge3A_623 : i32 to vector<8x512xi32>
    %ge3A_625 = arith.cmpi sge, %iota3A_287, %ge3A_624 : vector<8x512xi32>
    %jit3A_626 = arith.constant 0.000000e+00 : f32
    %broadcast_in_dim3A_627 = vector.broadcast %jit3A_626 : f32 to vector<8x512xf32>
    %select_n3A_628 = arith.select %ge3A_625, %roll3A_622, %broadcast_in_dim3A_627 : vector<8x512xi1>, vector<8x512xf32>
    %roll3A_629 = arith.constant 16 : i32
    %roll3A_630 = tpu.dynamic_rotate %max3A_601 by %roll3A_629 dim 1 : vector<8x512xf32>, i32 -> vector<8x512xf32>
    %ge3A_631 = arith.constant 16 : i32
    %ge3A_632 = vector.broadcast %ge3A_631 : i32 to vector<8x512xi32>
    %ge3A_633 = arith.cmpi sge, %iota3A_287, %ge3A_632 : vector<8x512xi32>
    %jit3A_634 = arith.constant 0.000000e+00 : f32
    %broadcast_in_dim3A_635 = vector.broadcast %jit3A_634 : f32 to vector<8x512xf32>
    %select_n3A_636 = arith.select %ge3A_633, %roll3A_630, %broadcast_in_dim3A_635 : vector<8x512xi1>, vector<8x512xf32>
    %roll3A_637 = arith.constant 16 : i32
    %roll3A_638 = tpu.dynamic_rotate %max3A_604 by %roll3A_637 dim 1 : vector<8x512xf32>, i32 -> vector<8x512xf32>
    %ge3A_639 = arith.constant 16 : i32
    %ge3A_640 = vector.broadcast %ge3A_639 : i32 to vector<8x512xi32>
    %ge3A_641 = arith.cmpi sge, %iota3A_287, %ge3A_640 : vector<8x512xi32>
    %jit3A_642 = arith.constant 1.000000e+00 : f32
    %broadcast_in_dim3A_643 = vector.broadcast %jit3A_642 : f32 to vector<8x512xf32>
    %select_n3A_644 = arith.select %ge3A_641, %roll3A_638, %broadcast_in_dim3A_643 : vector<8x512xi1>, vector<8x512xf32>
    %roll3A_645 = arith.constant 16 : i32
    %roll3A_646 = tpu.dynamic_rotate %max3A_608 by %roll3A_645 dim 1 : vector<8x512xf32>, i32 -> vector<8x512xf32>
    %ge3A_647 = arith.constant 16 : i32
    %ge3A_648 = vector.broadcast %ge3A_647 : i32 to vector<8x512xi32>
    %ge3A_649 = arith.cmpi sge, %iota3A_287, %ge3A_648 : vector<8x512xi32>
    %jit3A_650 = arith.constant 0.000000e+00 : f32
    %broadcast_in_dim3A_651 = vector.broadcast %jit3A_650 : f32 to vector<8x512xf32>
    %select_n3A_652 = arith.select %ge3A_649, %roll3A_646, %broadcast_in_dim3A_651 : vector<8x512xi1>, vector<8x512xf32>
    %roll3A_653 = arith.constant 16 : i32
    %roll3A_654 = tpu.dynamic_rotate %max3A_612 by %roll3A_653 dim 1 : vector<8x512xf32>, i32 -> vector<8x512xf32>
    %ge3A_655 = arith.constant 16 : i32
    %ge3A_656 = vector.broadcast %ge3A_655 : i32 to vector<8x512xi32>
    %ge3A_657 = arith.cmpi sge, %iota3A_287, %ge3A_656 : vector<8x512xi32>
    %jit3A_658 = arith.constant 0.000000e+00 : f32
    %broadcast_in_dim3A_659 = vector.broadcast %jit3A_658 : f32 to vector<8x512xf32>
    %select_n3A_660 = arith.select %ge3A_657, %roll3A_654, %broadcast_in_dim3A_659 : vector<8x512xi1>, vector<8x512xf32>
    %mul3A_661 = arith.mulf %max3A_595, %select_n3A_620 : vector<8x512xf32>
    %mul3A_662 = arith.mulf %max3A_598, %select_n3A_636 : vector<8x512xf32>
    %max3A_663 = arith.maximumf %mul3A_661, %mul3A_662 : vector<8x512xf32>
    %mul3A_664 = arith.mulf %max3A_595, %select_n3A_628 : vector<8x512xf32>
    %mul3A_665 = arith.mulf %max3A_598, %select_n3A_644 : vector<8x512xf32>
    %max3A_666 = arith.maximumf %mul3A_664, %mul3A_665 : vector<8x512xf32>
    %mul3A_667 = arith.mulf %max3A_601, %select_n3A_620 : vector<8x512xf32>
    %mul3A_668 = arith.mulf %max3A_604, %select_n3A_636 : vector<8x512xf32>
    %max3A_669 = arith.maximumf %mul3A_667, %mul3A_668 : vector<8x512xf32>
    %mul3A_670 = arith.mulf %max3A_601, %select_n3A_628 : vector<8x512xf32>
    %mul3A_671 = arith.mulf %max3A_604, %select_n3A_644 : vector<8x512xf32>
    %max3A_672 = arith.maximumf %mul3A_670, %mul3A_671 : vector<8x512xf32>
    %mul3A_673 = arith.mulf %max3A_595, %select_n3A_652 : vector<8x512xf32>
    %mul3A_674 = arith.mulf %max3A_598, %select_n3A_660 : vector<8x512xf32>
    %max3A_675 = arith.maximumf %mul3A_673, %mul3A_674 : vector<8x512xf32>
    %max3A_676 = arith.maximumf %max3A_675, %max3A_608 : vector<8x512xf32>
    %mul3A_677 = arith.mulf %max3A_601, %select_n3A_652 : vector<8x512xf32>
    %mul3A_678 = arith.mulf %max3A_604, %select_n3A_660 : vector<8x512xf32>
    %max3A_679 = arith.maximumf %mul3A_677, %mul3A_678 : vector<8x512xf32>
    %max3A_680 = arith.maximumf %max3A_679, %max3A_612 : vector<8x512xf32>
    %roll3A_681 = arith.constant 32 : i32
    %roll3A_682 = tpu.dynamic_rotate %max3A_663 by %roll3A_681 dim 1 : vector<8x512xf32>, i32 -> vector<8x512xf32>
    %ge3A_683 = arith.constant 32 : i32
    %ge3A_684 = vector.broadcast %ge3A_683 : i32 to vector<8x512xi32>
    %ge3A_685 = arith.cmpi sge, %iota3A_287, %ge3A_684 : vector<8x512xi32>
    %jit3A_686 = arith.constant 1.000000e+00 : f32
    %broadcast_in_dim3A_687 = vector.broadcast %jit3A_686 : f32 to vector<8x512xf32>
    %select_n3A_688 = arith.select %ge3A_685, %roll3A_682, %broadcast_in_dim3A_687 : vector<8x512xi1>, vector<8x512xf32>
    %roll3A_689 = arith.constant 32 : i32
    %roll3A_690 = tpu.dynamic_rotate %max3A_666 by %roll3A_689 dim 1 : vector<8x512xf32>, i32 -> vector<8x512xf32>
    %ge3A_691 = arith.constant 32 : i32
    %ge3A_692 = vector.broadcast %ge3A_691 : i32 to vector<8x512xi32>
    %ge3A_693 = arith.cmpi sge, %iota3A_287, %ge3A_692 : vector<8x512xi32>
    %jit3A_694 = arith.constant 0.000000e+00 : f32
    %broadcast_in_dim3A_695 = vector.broadcast %jit3A_694 : f32 to vector<8x512xf32>
    %select_n3A_696 = arith.select %ge3A_693, %roll3A_690, %broadcast_in_dim3A_695 : vector<8x512xi1>, vector<8x512xf32>
    %roll3A_697 = arith.constant 32 : i32
    %roll3A_698 = tpu.dynamic_rotate %max3A_669 by %roll3A_697 dim 1 : vector<8x512xf32>, i32 -> vector<8x512xf32>
    %ge3A_699 = arith.constant 32 : i32
    %ge3A_700 = vector.broadcast %ge3A_699 : i32 to vector<8x512xi32>
    %ge3A_701 = arith.cmpi sge, %iota3A_287, %ge3A_700 : vector<8x512xi32>
    %jit3A_702 = arith.constant 0.000000e+00 : f32
    %broadcast_in_dim3A_703 = vector.broadcast %jit3A_702 : f32 to vector<8x512xf32>
    %select_n3A_704 = arith.select %ge3A_701, %roll3A_698, %broadcast_in_dim3A_703 : vector<8x512xi1>, vector<8x512xf32>
    %roll3A_705 = arith.constant 32 : i32
    %roll3A_706 = tpu.dynamic_rotate %max3A_672 by %roll3A_705 dim 1 : vector<8x512xf32>, i32 -> vector<8x512xf32>
    %ge3A_707 = arith.constant 32 : i32
    %ge3A_708 = vector.broadcast %ge3A_707 : i32 to vector<8x512xi32>
    %ge3A_709 = arith.cmpi sge, %iota3A_287, %ge3A_708 : vector<8x512xi32>
    %jit3A_710 = arith.constant 1.000000e+00 : f32
    %broadcast_in_dim3A_711 = vector.broadcast %jit3A_710 : f32 to vector<8x512xf32>
    %select_n3A_712 = arith.select %ge3A_709, %roll3A_706, %broadcast_in_dim3A_711 : vector<8x512xi1>, vector<8x512xf32>
    %roll3A_713 = arith.constant 32 : i32
    %roll3A_714 = tpu.dynamic_rotate %max3A_676 by %roll3A_713 dim 1 : vector<8x512xf32>, i32 -> vector<8x512xf32>
    %ge3A_715 = arith.constant 32 : i32
    %ge3A_716 = vector.broadcast %ge3A_715 : i32 to vector<8x512xi32>
    %ge3A_717 = arith.cmpi sge, %iota3A_287, %ge3A_716 : vector<8x512xi32>
    %jit3A_718 = arith.constant 0.000000e+00 : f32
    %broadcast_in_dim3A_719 = vector.broadcast %jit3A_718 : f32 to vector<8x512xf32>
    %select_n3A_720 = arith.select %ge3A_717, %roll3A_714, %broadcast_in_dim3A_719 : vector<8x512xi1>, vector<8x512xf32>
    %roll3A_721 = arith.constant 32 : i32
    %roll3A_722 = tpu.dynamic_rotate %max3A_680 by %roll3A_721 dim 1 : vector<8x512xf32>, i32 -> vector<8x512xf32>
    %ge3A_723 = arith.constant 32 : i32
    %ge3A_724 = vector.broadcast %ge3A_723 : i32 to vector<8x512xi32>
    %ge3A_725 = arith.cmpi sge, %iota3A_287, %ge3A_724 : vector<8x512xi32>
    %jit3A_726 = arith.constant 0.000000e+00 : f32
    %broadcast_in_dim3A_727 = vector.broadcast %jit3A_726 : f32 to vector<8x512xf32>
    %select_n3A_728 = arith.select %ge3A_725, %roll3A_722, %broadcast_in_dim3A_727 : vector<8x512xi1>, vector<8x512xf32>
    %mul3A_729 = arith.mulf %max3A_663, %select_n3A_688 : vector<8x512xf32>
    %mul3A_730 = arith.mulf %max3A_666, %select_n3A_704 : vector<8x512xf32>
    %max3A_731 = arith.maximumf %mul3A_729, %mul3A_730 : vector<8x512xf32>
    %mul3A_732 = arith.mulf %max3A_663, %select_n3A_696 : vector<8x512xf32>
    %mul3A_733 = arith.mulf %max3A_666, %select_n3A_712 : vector<8x512xf32>
    %max3A_734 = arith.maximumf %mul3A_732, %mul3A_733 : vector<8x512xf32>
    %mul3A_735 = arith.mulf %max3A_669, %select_n3A_688 : vector<8x512xf32>
    %mul3A_736 = arith.mulf %max3A_672, %select_n3A_704 : vector<8x512xf32>
    %max3A_737 = arith.maximumf %mul3A_735, %mul3A_736 : vector<8x512xf32>
    %mul3A_738 = arith.mulf %max3A_669, %select_n3A_696 : vector<8x512xf32>
    %mul3A_739 = arith.mulf %max3A_672, %select_n3A_712 : vector<8x512xf32>
    %max3A_740 = arith.maximumf %mul3A_738, %mul3A_739 : vector<8x512xf32>
    %mul3A_741 = arith.mulf %max3A_663, %select_n3A_720 : vector<8x512xf32>
    %mul3A_742 = arith.mulf %max3A_666, %select_n3A_728 : vector<8x512xf32>
    %max3A_743 = arith.maximumf %mul3A_741, %mul3A_742 : vector<8x512xf32>
    %max3A_744 = arith.maximumf %max3A_743, %max3A_676 : vector<8x512xf32>
    %mul3A_745 = arith.mulf %max3A_669, %select_n3A_720 : vector<8x512xf32>
    %mul3A_746 = arith.mulf %max3A_672, %select_n3A_728 : vector<8x512xf32>
    %max3A_747 = arith.maximumf %mul3A_745, %mul3A_746 : vector<8x512xf32>
    %max3A_748 = arith.maximumf %max3A_747, %max3A_680 : vector<8x512xf32>
    %roll3A_749 = arith.constant 64 : i32
    %roll3A_750 = tpu.dynamic_rotate %max3A_731 by %roll3A_749 dim 1 : vector<8x512xf32>, i32 -> vector<8x512xf32>
    %ge3A_751 = arith.constant 64 : i32
    %ge3A_752 = vector.broadcast %ge3A_751 : i32 to vector<8x512xi32>
    %ge3A_753 = arith.cmpi sge, %iota3A_287, %ge3A_752 : vector<8x512xi32>
    %jit3A_754 = arith.constant 1.000000e+00 : f32
    %broadcast_in_dim3A_755 = vector.broadcast %jit3A_754 : f32 to vector<8x512xf32>
    %select_n3A_756 = arith.select %ge3A_753, %roll3A_750, %broadcast_in_dim3A_755 : vector<8x512xi1>, vector<8x512xf32>
    %roll3A_757 = arith.constant 64 : i32
    %roll3A_758 = tpu.dynamic_rotate %max3A_734 by %roll3A_757 dim 1 : vector<8x512xf32>, i32 -> vector<8x512xf32>
    %ge3A_759 = arith.constant 64 : i32
    %ge3A_760 = vector.broadcast %ge3A_759 : i32 to vector<8x512xi32>
    %ge3A_761 = arith.cmpi sge, %iota3A_287, %ge3A_760 : vector<8x512xi32>
    %jit3A_762 = arith.constant 0.000000e+00 : f32
    %broadcast_in_dim3A_763 = vector.broadcast %jit3A_762 : f32 to vector<8x512xf32>
    %select_n3A_764 = arith.select %ge3A_761, %roll3A_758, %broadcast_in_dim3A_763 : vector<8x512xi1>, vector<8x512xf32>
    %roll3A_765 = arith.constant 64 : i32
    %roll3A_766 = tpu.dynamic_rotate %max3A_737 by %roll3A_765 dim 1 : vector<8x512xf32>, i32 -> vector<8x512xf32>
    %ge3A_767 = arith.constant 64 : i32
    %ge3A_768 = vector.broadcast %ge3A_767 : i32 to vector<8x512xi32>
    %ge3A_769 = arith.cmpi sge, %iota3A_287, %ge3A_768 : vector<8x512xi32>
    %jit3A_770 = arith.constant 0.000000e+00 : f32
    %broadcast_in_dim3A_771 = vector.broadcast %jit3A_770 : f32 to vector<8x512xf32>
    %select_n3A_772 = arith.select %ge3A_769, %roll3A_766, %broadcast_in_dim3A_771 : vector<8x512xi1>, vector<8x512xf32>
    %roll3A_773 = arith.constant 64 : i32
    %roll3A_774 = tpu.dynamic_rotate %max3A_740 by %roll3A_773 dim 1 : vector<8x512xf32>, i32 -> vector<8x512xf32>
    %ge3A_775 = arith.constant 64 : i32
    %ge3A_776 = vector.broadcast %ge3A_775 : i32 to vector<8x512xi32>
    %ge3A_777 = arith.cmpi sge, %iota3A_287, %ge3A_776 : vector<8x512xi32>
    %jit3A_778 = arith.constant 1.000000e+00 : f32
    %broadcast_in_dim3A_779 = vector.broadcast %jit3A_778 : f32 to vector<8x512xf32>
    %select_n3A_780 = arith.select %ge3A_777, %roll3A_774, %broadcast_in_dim3A_779 : vector<8x512xi1>, vector<8x512xf32>
    %roll3A_781 = arith.constant 64 : i32
    %roll3A_782 = tpu.dynamic_rotate %max3A_744 by %roll3A_781 dim 1 : vector<8x512xf32>, i32 -> vector<8x512xf32>
    %ge3A_783 = arith.constant 64 : i32
    %ge3A_784 = vector.broadcast %ge3A_783 : i32 to vector<8x512xi32>
    %ge3A_785 = arith.cmpi sge, %iota3A_287, %ge3A_784 : vector<8x512xi32>
    %jit3A_786 = arith.constant 0.000000e+00 : f32
    %broadcast_in_dim3A_787 = vector.broadcast %jit3A_786 : f32 to vector<8x512xf32>
    %select_n3A_788 = arith.select %ge3A_785, %roll3A_782, %broadcast_in_dim3A_787 : vector<8x512xi1>, vector<8x512xf32>
    %roll3A_789 = arith.constant 64 : i32
    %roll3A_790 = tpu.dynamic_rotate %max3A_748 by %roll3A_789 dim 1 : vector<8x512xf32>, i32 -> vector<8x512xf32>
    %ge3A_791 = arith.constant 64 : i32
    %ge3A_792 = vector.broadcast %ge3A_791 : i32 to vector<8x512xi32>
    %ge3A_793 = arith.cmpi sge, %iota3A_287, %ge3A_792 : vector<8x512xi32>
    %jit3A_794 = arith.constant 0.000000e+00 : f32
    %broadcast_in_dim3A_795 = vector.broadcast %jit3A_794 : f32 to vector<8x512xf32>
    %select_n3A_796 = arith.select %ge3A_793, %roll3A_790, %broadcast_in_dim3A_795 : vector<8x512xi1>, vector<8x512xf32>
    %mul3A_797 = arith.mulf %max3A_731, %select_n3A_756 : vector<8x512xf32>
    %mul3A_798 = arith.mulf %max3A_734, %select_n3A_772 : vector<8x512xf32>
    %max3A_799 = arith.maximumf %mul3A_797, %mul3A_798 : vector<8x512xf32>
    %mul3A_800 = arith.mulf %max3A_731, %select_n3A_764 : vector<8x512xf32>
    %mul3A_801 = arith.mulf %max3A_734, %select_n3A_780 : vector<8x512xf32>
    %max3A_802 = arith.maximumf %mul3A_800, %mul3A_801 : vector<8x512xf32>
    %mul3A_803 = arith.mulf %max3A_737, %select_n3A_756 : vector<8x512xf32>
    %mul3A_804 = arith.mulf %max3A_740, %select_n3A_772 : vector<8x512xf32>
    %max3A_805 = arith.maximumf %mul3A_803, %mul3A_804 : vector<8x512xf32>
    %mul3A_806 = arith.mulf %max3A_737, %select_n3A_764 : vector<8x512xf32>
    %mul3A_807 = arith.mulf %max3A_740, %select_n3A_780 : vector<8x512xf32>
    %max3A_808 = arith.maximumf %mul3A_806, %mul3A_807 : vector<8x512xf32>
    %mul3A_809 = arith.mulf %max3A_731, %select_n3A_788 : vector<8x512xf32>
    %mul3A_810 = arith.mulf %max3A_734, %select_n3A_796 : vector<8x512xf32>
    %max3A_811 = arith.maximumf %mul3A_809, %mul3A_810 : vector<8x512xf32>
    %max3A_812 = arith.maximumf %max3A_811, %max3A_744 : vector<8x512xf32>
    %mul3A_813 = arith.mulf %max3A_737, %select_n3A_788 : vector<8x512xf32>
    %mul3A_814 = arith.mulf %max3A_740, %select_n3A_796 : vector<8x512xf32>
    %max3A_815 = arith.maximumf %mul3A_813, %mul3A_814 : vector<8x512xf32>
    %max3A_816 = arith.maximumf %max3A_815, %max3A_748 : vector<8x512xf32>
    %roll3A_817 = arith.constant 128 : i32
    %roll3A_818 = tpu.dynamic_rotate %max3A_799 by %roll3A_817 dim 1 : vector<8x512xf32>, i32 -> vector<8x512xf32>
    %ge3A_819 = arith.constant 128 : i32
    %ge3A_820 = vector.broadcast %ge3A_819 : i32 to vector<8x512xi32>
    %ge3A_821 = arith.cmpi sge, %iota3A_287, %ge3A_820 : vector<8x512xi32>
    %jit3A_822 = arith.constant 1.000000e+00 : f32
    %broadcast_in_dim3A_823 = vector.broadcast %jit3A_822 : f32 to vector<8x512xf32>
    %select_n3A_824 = arith.select %ge3A_821, %roll3A_818, %broadcast_in_dim3A_823 : vector<8x512xi1>, vector<8x512xf32>
    %roll3A_825 = arith.constant 128 : i32
    %roll3A_826 = tpu.dynamic_rotate %max3A_802 by %roll3A_825 dim 1 : vector<8x512xf32>, i32 -> vector<8x512xf32>
    %ge3A_827 = arith.constant 128 : i32
    %ge3A_828 = vector.broadcast %ge3A_827 : i32 to vector<8x512xi32>
    %ge3A_829 = arith.cmpi sge, %iota3A_287, %ge3A_828 : vector<8x512xi32>
    %jit3A_830 = arith.constant 0.000000e+00 : f32
    %broadcast_in_dim3A_831 = vector.broadcast %jit3A_830 : f32 to vector<8x512xf32>
    %select_n3A_832 = arith.select %ge3A_829, %roll3A_826, %broadcast_in_dim3A_831 : vector<8x512xi1>, vector<8x512xf32>
    %roll3A_833 = arith.constant 128 : i32
    %roll3A_834 = tpu.dynamic_rotate %max3A_805 by %roll3A_833 dim 1 : vector<8x512xf32>, i32 -> vector<8x512xf32>
    %ge3A_835 = arith.constant 128 : i32
    %ge3A_836 = vector.broadcast %ge3A_835 : i32 to vector<8x512xi32>
    %ge3A_837 = arith.cmpi sge, %iota3A_287, %ge3A_836 : vector<8x512xi32>
    %jit3A_838 = arith.constant 0.000000e+00 : f32
    %broadcast_in_dim3A_839 = vector.broadcast %jit3A_838 : f32 to vector<8x512xf32>
    %select_n3A_840 = arith.select %ge3A_837, %roll3A_834, %broadcast_in_dim3A_839 : vector<8x512xi1>, vector<8x512xf32>
    %roll3A_841 = arith.constant 128 : i32
    %roll3A_842 = tpu.dynamic_rotate %max3A_808 by %roll3A_841 dim 1 : vector<8x512xf32>, i32 -> vector<8x512xf32>
    %ge3A_843 = arith.constant 128 : i32
    %ge3A_844 = vector.broadcast %ge3A_843 : i32 to vector<8x512xi32>
    %ge3A_845 = arith.cmpi sge, %iota3A_287, %ge3A_844 : vector<8x512xi32>
    %jit3A_846 = arith.constant 1.000000e+00 : f32
    %broadcast_in_dim3A_847 = vector.broadcast %jit3A_846 : f32 to vector<8x512xf32>
    %select_n3A_848 = arith.select %ge3A_845, %roll3A_842, %broadcast_in_dim3A_847 : vector<8x512xi1>, vector<8x512xf32>
    %roll3A_849 = arith.constant 128 : i32
    %roll3A_850 = tpu.dynamic_rotate %max3A_812 by %roll3A_849 dim 1 : vector<8x512xf32>, i32 -> vector<8x512xf32>
    %ge3A_851 = arith.constant 128 : i32
    %ge3A_852 = vector.broadcast %ge3A_851 : i32 to vector<8x512xi32>
    %ge3A_853 = arith.cmpi sge, %iota3A_287, %ge3A_852 : vector<8x512xi32>
    %jit3A_854 = arith.constant 0.000000e+00 : f32
    %broadcast_in_dim3A_855 = vector.broadcast %jit3A_854 : f32 to vector<8x512xf32>
    %select_n3A_856 = arith.select %ge3A_853, %roll3A_850, %broadcast_in_dim3A_855 : vector<8x512xi1>, vector<8x512xf32>
    %roll3A_857 = arith.constant 128 : i32
    %roll3A_858 = tpu.dynamic_rotate %max3A_816 by %roll3A_857 dim 1 : vector<8x512xf32>, i32 -> vector<8x512xf32>
    %ge3A_859 = arith.constant 128 : i32
    %ge3A_860 = vector.broadcast %ge3A_859 : i32 to vector<8x512xi32>
    %ge3A_861 = arith.cmpi sge, %iota3A_287, %ge3A_860 : vector<8x512xi32>
    %jit3A_862 = arith.constant 0.000000e+00 : f32
    %broadcast_in_dim3A_863 = vector.broadcast %jit3A_862 : f32 to vector<8x512xf32>
    %select_n3A_864 = arith.select %ge3A_861, %roll3A_858, %broadcast_in_dim3A_863 : vector<8x512xi1>, vector<8x512xf32>
    %mul3A_865 = arith.mulf %max3A_799, %select_n3A_824 : vector<8x512xf32>
    %mul3A_866 = arith.mulf %max3A_802, %select_n3A_840 : vector<8x512xf32>
    %max3A_867 = arith.maximumf %mul3A_865, %mul3A_866 : vector<8x512xf32>
    %mul3A_868 = arith.mulf %max3A_799, %select_n3A_832 : vector<8x512xf32>
    %mul3A_869 = arith.mulf %max3A_802, %select_n3A_848 : vector<8x512xf32>
    %max3A_870 = arith.maximumf %mul3A_868, %mul3A_869 : vector<8x512xf32>
    %mul3A_871 = arith.mulf %max3A_799, %select_n3A_856 : vector<8x512xf32>
    %mul3A_872 = arith.mulf %max3A_802, %select_n3A_864 : vector<8x512xf32>
    %max3A_873 = arith.maximumf %mul3A_871, %mul3A_872 : vector<8x512xf32>
    %max3A_874 = arith.maximumf %max3A_873, %max3A_812 : vector<8x512xf32>
    %mul3A_875 = arith.mulf %max3A_805, %select_n3A_856 : vector<8x512xf32>
    %mul3A_876 = arith.mulf %max3A_808, %select_n3A_864 : vector<8x512xf32>
    %max3A_877 = arith.maximumf %mul3A_875, %mul3A_876 : vector<8x512xf32>
    %max3A_878 = arith.maximumf %max3A_877, %max3A_816 : vector<8x512xf32>
    %roll3A_879 = arith.constant 256 : i32
    %roll3A_880 = tpu.dynamic_rotate %max3A_874 by %roll3A_879 dim 1 : vector<8x512xf32>, i32 -> vector<8x512xf32>
    %ge3A_881 = arith.constant 256 : i32
    %ge3A_882 = vector.broadcast %ge3A_881 : i32 to vector<8x512xi32>
    %ge3A_883 = arith.cmpi sge, %iota3A_287, %ge3A_882 : vector<8x512xi32>
    %jit3A_884 = arith.constant 0.000000e+00 : f32
    %broadcast_in_dim3A_885 = vector.broadcast %jit3A_884 : f32 to vector<8x512xf32>
    %select_n3A_886 = arith.select %ge3A_883, %roll3A_880, %broadcast_in_dim3A_885 : vector<8x512xi1>, vector<8x512xf32>
    %roll3A_887 = arith.constant 256 : i32
    %roll3A_888 = tpu.dynamic_rotate %max3A_878 by %roll3A_887 dim 1 : vector<8x512xf32>, i32 -> vector<8x512xf32>
    %ge3A_889 = arith.constant 256 : i32
    %ge3A_890 = vector.broadcast %ge3A_889 : i32 to vector<8x512xi32>
    %ge3A_891 = arith.cmpi sge, %iota3A_287, %ge3A_890 : vector<8x512xi32>
    %jit3A_892 = arith.constant 0.000000e+00 : f32
    %broadcast_in_dim3A_893 = vector.broadcast %jit3A_892 : f32 to vector<8x512xf32>
    %select_n3A_894 = arith.select %ge3A_891, %roll3A_888, %broadcast_in_dim3A_893 : vector<8x512xi1>, vector<8x512xf32>
    %mul3A_895 = arith.mulf %max3A_867, %select_n3A_886 : vector<8x512xf32>
    %mul3A_896 = arith.mulf %max3A_870, %select_n3A_894 : vector<8x512xf32>
    %max3A_897 = arith.maximumf %mul3A_895, %mul3A_896 : vector<8x512xf32>
    %max3A_898 = arith.maximumf %max3A_897, %max3A_874 : vector<8x512xf32>
    %gt3A_899 = arith.constant 5.000000e-01 : f32
    %gt3A_900 = vector.broadcast %gt3A_899 : f32 to vector<8x512xf32>
    %gt3A_901 = arith.cmpf ogt, %max3A_898, %gt3A_900 : vector<8x512xf32>
    %jit3A_902 = arith.constant 1.000000e+00 : f32
    %jit3A_903 = arith.constant 1.000000e-01 : f32
    %broadcast_in_dim3A_904 = vector.broadcast %jit3A_902 : f32 to vector<8x512xf32>
    %broadcast_in_dim3A_905 = vector.broadcast %jit3A_903 : f32 to vector<8x512xf32>
    %select_n3A_906 = arith.select %gt3A_901, %broadcast_in_dim3A_904, %broadcast_in_dim3A_905 : vector<8x512xi1>, vector<8x512xf32>
    %mul3A_907 = arith.mulf %mul3A_226, %select_n3A_906 : vector<8x512xf32>
    %mul3A_908 = arith.mulf %mul3A_907, %select_n3A_224 : vector<8x512xf32>
    %mul3A_909 = arith.mulf %mul3A_228, %select_n3A_906 : vector<8x512xf32>
    %mul3A_910 = arith.mulf %mul3A_909, %select_n3A_224 : vector<8x512xf32>
    %mul3A_911 = arith.mulf %mul3A_230, %select_n3A_906 : vector<8x512xf32>
    %mul3A_912 = arith.mulf %mul3A_232, %select_n3A_906 : vector<8x512xf32>
    %slice3A_913 = vector.extract_strided_slice %mul3A_908 {offsets = [0, 0], sizes = [8, 128], strides = [1, 1]} : vector<8x512xf32> to vector<8x128xf32>
    %swap3A = arith.constant 0 : index
    %swap3A_914 = arith.constant 0 : index
    %swap3A_915 = arith.constant 0 : index
    %swap3A_916 = vector.load %arg12[%swap3A, %swap3A_914, %swap3A_915] : memref<8x16x128xf32, #tpu.memory_space<vmem>>, vector<8x1x128xf32>
    %swap3A_917 = vector.shape_cast %swap3A_916 : vector<8x1x128xf32> to vector<8x128xf32>
    %swap3A_918 = vector.shape_cast %slice3A_913 : vector<8x128xf32> to vector<8x1x128xf32>
    tpu.vector_store %arg12[%swap3A, %swap3A_914, %swap3A_915], %swap3A_918 {strides = array<i32>} : memref<8x16x128xf32, #tpu.memory_space<vmem>>, vector<8x1x128xf32>,
    %slice3A_919 = vector.extract_strided_slice %mul3A_911 {offsets = [0, 0], sizes = [8, 128], strides = [1, 1]} : vector<8x512xf32> to vector<8x128xf32>
    %swap3A_920 = arith.constant 0 : index
    %swap3A_921 = arith.constant 0 : index
    %swap3A_922 = arith.constant 0 : index
    %swap3A_923 = vector.load %arg13[%swap3A_920, %swap3A_921, %swap3A_922] : memref<8x16x128xf32, #tpu.memory_space<vmem>>, vector<8x1x128xf32>
    %swap3A_924 = vector.shape_cast %swap3A_923 : vector<8x1x128xf32> to vector<8x128xf32>
    %swap3A_925 = vector.shape_cast %slice3A_919 : vector<8x128xf32> to vector<8x1x128xf32>
    tpu.vector_store %arg13[%swap3A_920, %swap3A_921, %swap3A_922], %swap3A_925 {strides = array<i32>} : memref<8x16x128xf32, #tpu.memory_space<vmem>>, vector<8x1x128xf32>,
    %slice3A_926 = vector.extract_strided_slice %mul3A_910 {offsets = [0, 0], sizes = [8, 128], strides = [1, 1]} : vector<8x512xf32> to vector<8x128xf32>
    %swap3A_927 = arith.constant 0 : index
    %swap3A_928 = arith.constant 1 : index
    %swap3A_929 = arith.constant 0 : index
    %swap3A_930 = vector.load %arg12[%swap3A_927, %swap3A_928, %swap3A_929] : memref<8x16x128xf32, #tpu.memory_space<vmem>>, vector<8x1x128xf32>
    %swap3A_931 = vector.shape_cast %swap3A_930 : vector<8x1x128xf32> to vector<8x128xf32>
    %swap3A_932 = vector.shape_cast %slice3A_926 : vector<8x128xf32> to vector<8x1x128xf32>
    tpu.vector_store %arg12[%swap3A_927, %swap3A_928, %swap3A_929], %swap3A_932 {strides = array<i32>} : memref<8x16x128xf32, #tpu.memory_space<vmem>>, vector<8x1x128xf32>,
    %slice3A_933 = vector.extract_strided_slice %mul3A_912 {offsets = [0, 0], sizes = [8, 128], strides = [1, 1]} : vector<8x512xf32> to vector<8x128xf32>
    %swap3A_934 = arith.constant 0 : index
    %swap3A_935 = arith.constant 1 : index
    %swap3A_936 = arith.constant 0 : index
    %swap3A_937 = vector.load %arg13[%swap3A_934, %swap3A_935, %swap3A_936] : memref<8x16x128xf32, #tpu.memory_space<vmem>>, vector<8x1x128xf32>
    %swap3A_938 = vector.shape_cast %swap3A_937 : vector<8x1x128xf32> to vector<8x128xf32>
    %swap3A_939 = vector.shape_cast %slice3A_933 : vector<8x128xf32> to vector<8x1x128xf32>
    tpu.vector_store %arg13[%swap3A_934, %swap3A_935, %swap3A_936], %swap3A_939 {strides = array<i32>} : memref<8x16x128xf32, #tpu.memory_space<vmem>>, vector<8x1x128xf32>,
    %slice3A_940 = vector.extract_strided_slice %mul3A_233 {offsets = [0, 0], sizes = [8, 128], strides = [1, 1]} : vector<8x512xf32> to vector<8x128xf32>
    %swap3A_941 = arith.constant 0 : index
    %swap3A_942 = arith.constant 2 : index
    %swap3A_943 = arith.constant 0 : index
    %swap3A_944 = vector.load %arg12[%swap3A_941, %swap3A_942, %swap3A_943] : memref<8x16x128xf32, #tpu.memory_space<vmem>>, vector<8x1x128xf32>
    %swap3A_945 = vector.shape_cast %swap3A_944 : vector<8x1x128xf32> to vector<8x128xf32>
    %swap3A_946 = vector.shape_cast %slice3A_940 : vector<8x128xf32> to vector<8x1x128xf32>
    tpu.vector_store %arg12[%swap3A_941, %swap3A_942, %swap3A_943], %swap3A_946 {strides = array<i32>} : memref<8x16x128xf32, #tpu.memory_space<vmem>>, vector<8x1x128xf32>,
    %slice3A_947 = vector.extract_strided_slice %mul3A_235 {offsets = [0, 0], sizes = [8, 128], strides = [1, 1]} : vector<8x512xf32> to vector<8x128xf32>
    %swap3A_948 = arith.constant 0 : index
    %swap3A_949 = arith.constant 2 : index
    %swap3A_950 = arith.constant 0 : index
    %swap3A_951 = vector.load %arg13[%swap3A_948, %swap3A_949, %swap3A_950] : memref<8x16x128xf32, #tpu.memory_space<vmem>>, vector<8x1x128xf32>
    %swap3A_952 = vector.shape_cast %swap3A_951 : vector<8x1x128xf32> to vector<8x128xf32>
    %swap3A_953 = vector.shape_cast %slice3A_947 : vector<8x128xf32> to vector<8x1x128xf32>
    tpu.vector_store %arg13[%swap3A_948, %swap3A_949, %swap3A_950], %swap3A_953 {strides = array<i32>} : memref<8x16x128xf32, #tpu.memory_space<vmem>>, vector<8x1x128xf32>,
    %slice3A_954 = vector.extract_strided_slice %mul3A_234 {offsets = [0, 0], sizes = [8, 128], strides = [1, 1]} : vector<8x512xf32> to vector<8x128xf32>
    %swap3A_955 = arith.constant 0 : index
    %swap3A_956 = arith.constant 3 : index
    %swap3A_957 = arith.constant 0 : index
    %swap3A_958 = vector.load %arg12[%swap3A_955, %swap3A_956, %swap3A_957] : memref<8x16x128xf32, #tpu.memory_space<vmem>>, vector<8x1x128xf32>
    %swap3A_959 = vector.shape_cast %swap3A_958 : vector<8x1x128xf32> to vector<8x128xf32>
    %swap3A_960 = vector.shape_cast %slice3A_954 : vector<8x128xf32> to vector<8x1x128xf32>
    tpu.vector_store %arg12[%swap3A_955, %swap3A_956, %swap3A_957], %swap3A_960 {strides = array<i32>} : memref<8x16x128xf32, #tpu.memory_space<vmem>>, vector<8x1x128xf32>,
    %slice3A_961 = vector.extract_strided_slice %mul3A_236 {offsets = [0, 0], sizes = [8, 128], strides = [1, 1]} : vector<8x512xf32> to vector<8x128xf32>
    %swap3A_962 = arith.constant 0 : index
    %swap3A_963 = arith.constant 3 : index
    %swap3A_964 = arith.constant 0 : index
    %swap3A_965 = vector.load %arg13[%swap3A_962, %swap3A_963, %swap3A_964] : memref<8x16x128xf32, #tpu.memory_space<vmem>>, vector<8x1x128xf32>
    %swap3A_966 = vector.shape_cast %swap3A_965 : vector<8x1x128xf32> to vector<8x128xf32>
    %swap3A_967 = vector.shape_cast %slice3A_961 : vector<8x128xf32> to vector<8x1x128xf32>
    tpu.vector_store %arg13[%swap3A_962, %swap3A_963, %swap3A_964], %swap3A_967 {strides = array<i32>} : memref<8x16x128xf32, #tpu.memory_space<vmem>>, vector<8x1x128xf32>,
    %slice3A_968 = vector.extract_strided_slice %mul3A_908 {offsets = [0, 128], sizes = [8, 128], strides = [1, 1]} : vector<8x512xf32> to vector<8x128xf32>
    %swap3A_969 = arith.constant 0 : index
    %swap3A_970 = arith.constant 4 : index
    %swap3A_971 = arith.constant 0 : index
    %swap3A_972 = vector.load %arg12[%swap3A_969, %swap3A_970, %swap3A_971] : memref<8x16x128xf32, #tpu.memory_space<vmem>>, vector<8x1x128xf32>
    %swap3A_973 = vector.shape_cast %swap3A_972 : vector<8x1x128xf32> to vector<8x128xf32>
    %swap3A_974 = vector.shape_cast %slice3A_968 : vector<8x128xf32> to vector<8x1x128xf32>
    tpu.vector_store %arg12[%swap3A_969, %swap3A_970, %swap3A_971], %swap3A_974 {strides = array<i32>} : memref<8x16x128xf32, #tpu.memory_space<vmem>>, vector<8x1x128xf32>,
    %slice3A_975 = vector.extract_strided_slice %mul3A_911 {offsets = [0, 128], sizes = [8, 128], strides = [1, 1]} : vector<8x512xf32> to vector<8x128xf32>
    %swap3A_976 = arith.constant 0 : index
    %swap3A_977 = arith.constant 4 : index
    %swap3A_978 = arith.constant 0 : index
    %swap3A_979 = vector.load %arg13[%swap3A_976, %swap3A_977, %swap3A_978] : memref<8x16x128xf32, #tpu.memory_space<vmem>>, vector<8x1x128xf32>
    %swap3A_980 = vector.shape_cast %swap3A_979 : vector<8x1x128xf32> to vector<8x128xf32>
    %swap3A_981 = vector.shape_cast %slice3A_975 : vector<8x128xf32> to vector<8x1x128xf32>
    tpu.vector_store %arg13[%swap3A_976, %swap3A_977, %swap3A_978], %swap3A_981 {strides = array<i32>} : memref<8x16x128xf32, #tpu.memory_space<vmem>>, vector<8x1x128xf32>,
    %slice3A_982 = vector.extract_strided_slice %mul3A_910 {offsets = [0, 128], sizes = [8, 128], strides = [1, 1]} : vector<8x512xf32> to vector<8x128xf32>
    %swap3A_983 = arith.constant 0 : index
    %swap3A_984 = arith.constant 5 : index
    %swap3A_985 = arith.constant 0 : index
    %swap3A_986 = vector.load %arg12[%swap3A_983, %swap3A_984, %swap3A_985] : memref<8x16x128xf32, #tpu.memory_space<vmem>>, vector<8x1x128xf32>
    %swap3A_987 = vector.shape_cast %swap3A_986 : vector<8x1x128xf32> to vector<8x128xf32>
    %swap3A_988 = vector.shape_cast %slice3A_982 : vector<8x128xf32> to vector<8x1x128xf32>
    tpu.vector_store %arg12[%swap3A_983, %swap3A_984, %swap3A_985], %swap3A_988 {strides = array<i32>} : memref<8x16x128xf32, #tpu.memory_space<vmem>>, vector<8x1x128xf32>,
    %slice3A_989 = vector.extract_strided_slice %mul3A_912 {offsets = [0, 128], sizes = [8, 128], strides = [1, 1]} : vector<8x512xf32> to vector<8x128xf32>
    %swap3A_990 = arith.constant 0 : index
    %swap3A_991 = arith.constant 5 : index
    %swap3A_992 = arith.constant 0 : index
    %swap3A_993 = vector.load %arg13[%swap3A_990, %swap3A_991, %swap3A_992] : memref<8x16x128xf32, #tpu.memory_space<vmem>>, vector<8x1x128xf32>
    %swap3A_994 = vector.shape_cast %swap3A_993 : vector<8x1x128xf32> to vector<8x128xf32>
    %swap3A_995 = vector.shape_cast %slice3A_989 : vector<8x128xf32> to vector<8x1x128xf32>
    tpu.vector_store %arg13[%swap3A_990, %swap3A_991, %swap3A_992], %swap3A_995 {strides = array<i32>} : memref<8x16x128xf32, #tpu.memory_space<vmem>>, vector<8x1x128xf32>,
    %slice3A_996 = vector.extract_strided_slice %mul3A_233 {offsets = [0, 128], sizes = [8, 128], strides = [1, 1]} : vector<8x512xf32> to vector<8x128xf32>
    %swap3A_997 = arith.constant 0 : index
    %swap3A_998 = arith.constant 6 : index
    %swap3A_999 = arith.constant 0 : index
    %swap3A_1000 = vector.load %arg12[%swap3A_997, %swap3A_998, %swap3A_999] : memref<8x16x128xf32, #tpu.memory_space<vmem>>, vector<8x1x128xf32>
    %swap3A_1001 = vector.shape_cast %swap3A_1000 : vector<8x1x128xf32> to vector<8x128xf32>
    %swap3A_1002 = vector.shape_cast %slice3A_996 : vector<8x128xf32> to vector<8x1x128xf32>
    tpu.vector_store %arg12[%swap3A_997, %swap3A_998, %swap3A_999], %swap3A_1002 {strides = array<i32>} : memref<8x16x128xf32, #tpu.memory_space<vmem>>, vector<8x1x128xf32>,
    %slice3A_1003 = vector.extract_strided_slice %mul3A_235 {offsets = [0, 128], sizes = [8, 128], strides = [1, 1]} : vector<8x512xf32> to vector<8x128xf32>
    %swap3A_1004 = arith.constant 0 : index
    %swap3A_1005 = arith.constant 6 : index
    %swap3A_1006 = arith.constant 0 : index
    %swap3A_1007 = vector.load %arg13[%swap3A_1004, %swap3A_1005, %swap3A_1006] : memref<8x16x128xf32, #tpu.memory_space<vmem>>, vector<8x1x128xf32>
    %swap3A_1008 = vector.shape_cast %swap3A_1007 : vector<8x1x128xf32> to vector<8x128xf32>
    %swap3A_1009 = vector.shape_cast %slice3A_1003 : vector<8x128xf32> to vector<8x1x128xf32>
    tpu.vector_store %arg13[%swap3A_1004, %swap3A_1005, %swap3A_1006], %swap3A_1009 {strides = array<i32>} : memref<8x16x128xf32, #tpu.memory_space<vmem>>, vector<8x1x128xf32>,
    %slice3A_1010 = vector.extract_strided_slice %mul3A_234 {offsets = [0, 128], sizes = [8, 128], strides = [1, 1]} : vector<8x512xf32> to vector<8x128xf32>
    %swap3A_1011 = arith.constant 0 : index
    %swap3A_1012 = arith.constant 7 : index
    %swap3A_1013 = arith.constant 0 : index
    %swap3A_1014 = vector.load %arg12[%swap3A_1011, %swap3A_1012, %swap3A_1013] : memref<8x16x128xf32, #tpu.memory_space<vmem>>, vector<8x1x128xf32>
    %swap3A_1015 = vector.shape_cast %swap3A_1014 : vector<8x1x128xf32> to vector<8x128xf32>
    %swap3A_1016 = vector.shape_cast %slice3A_1010 : vector<8x128xf32> to vector<8x1x128xf32>
    tpu.vector_store %arg12[%swap3A_1011, %swap3A_1012, %swap3A_1013], %swap3A_1016 {strides = array<i32>} : memref<8x16x128xf32, #tpu.memory_space<vmem>>, vector<8x1x128xf32>,
    %slice3A_1017 = vector.extract_strided_slice %mul3A_236 {offsets = [0, 128], sizes = [8, 128], strides = [1, 1]} : vector<8x512xf32> to vector<8x128xf32>
    %swap3A_1018 = arith.constant 0 : index
    %swap3A_1019 = arith.constant 7 : index
    %swap3A_1020 = arith.constant 0 : index
    %swap3A_1021 = vector.load %arg13[%swap3A_1018, %swap3A_1019, %swap3A_1020] : memref<8x16x128xf32, #tpu.memory_space<vmem>>, vector<8x1x128xf32>
    %swap3A_1022 = vector.shape_cast %swap3A_1021 : vector<8x1x128xf32> to vector<8x128xf32>
    %swap3A_1023 = vector.shape_cast %slice3A_1017 : vector<8x128xf32> to vector<8x1x128xf32>
    tpu.vector_store %arg13[%swap3A_1018, %swap3A_1019, %swap3A_1020], %swap3A_1023 {strides = array<i32>} : memref<8x16x128xf32, #tpu.memory_space<vmem>>, vector<8x1x128xf32>,
    %slice3A_1024 = vector.extract_strided_slice %mul3A_908 {offsets = [0, 256], sizes = [8, 128], strides = [1, 1]} : vector<8x512xf32> to vector<8x128xf32>
    %swap3A_1025 = arith.constant 0 : index
    %swap3A_1026 = arith.constant 8 : index
    %swap3A_1027 = arith.constant 0 : index
    %swap3A_1028 = vector.load %arg12[%swap3A_1025, %swap3A_1026, %swap3A_1027] : memref<8x16x128xf32, #tpu.memory_space<vmem>>, vector<8x1x128xf32>
    %swap3A_1029 = vector.shape_cast %swap3A_1028 : vector<8x1x128xf32> to vector<8x128xf32>
    %swap3A_1030 = vector.shape_cast %slice3A_1024 : vector<8x128xf32> to vector<8x1x128xf32>
    tpu.vector_store %arg12[%swap3A_1025, %swap3A_1026, %swap3A_1027], %swap3A_1030 {strides = array<i32>} : memref<8x16x128xf32, #tpu.memory_space<vmem>>, vector<8x1x128xf32>,
    %slice3A_1031 = vector.extract_strided_slice %mul3A_911 {offsets = [0, 256], sizes = [8, 128], strides = [1, 1]} : vector<8x512xf32> to vector<8x128xf32>
    %swap3A_1032 = arith.constant 0 : index
    %swap3A_1033 = arith.constant 8 : index
    %swap3A_1034 = arith.constant 0 : index
    %swap3A_1035 = vector.load %arg13[%swap3A_1032, %swap3A_1033, %swap3A_1034] : memref<8x16x128xf32, #tpu.memory_space<vmem>>, vector<8x1x128xf32>
    %swap3A_1036 = vector.shape_cast %swap3A_1035 : vector<8x1x128xf32> to vector<8x128xf32>
    %swap3A_1037 = vector.shape_cast %slice3A_1031 : vector<8x128xf32> to vector<8x1x128xf32>
    tpu.vector_store %arg13[%swap3A_1032, %swap3A_1033, %swap3A_1034], %swap3A_1037 {strides = array<i32>} : memref<8x16x128xf32, #tpu.memory_space<vmem>>, vector<8x1x128xf32>,
    %slice3A_1038 = vector.extract_strided_slice %mul3A_910 {offsets = [0, 256], sizes = [8, 128], strides = [1, 1]} : vector<8x512xf32> to vector<8x128xf32>
    %swap3A_1039 = arith.constant 0 : index
    %swap3A_1040 = arith.constant 9 : index
    %swap3A_1041 = arith.constant 0 : index
    %swap3A_1042 = vector.load %arg12[%swap3A_1039, %swap3A_1040, %swap3A_1041] : memref<8x16x128xf32, #tpu.memory_space<vmem>>, vector<8x1x128xf32>
    %swap3A_1043 = vector.shape_cast %swap3A_1042 : vector<8x1x128xf32> to vector<8x128xf32>
    %swap3A_1044 = vector.shape_cast %slice3A_1038 : vector<8x128xf32> to vector<8x1x128xf32>
    tpu.vector_store %arg12[%swap3A_1039, %swap3A_1040, %swap3A_1041], %swap3A_1044 {strides = array<i32>} : memref<8x16x128xf32, #tpu.memory_space<vmem>>, vector<8x1x128xf32>,
    %slice3A_1045 = vector.extract_strided_slice %mul3A_912 {offsets = [0, 256], sizes = [8, 128], strides = [1, 1]} : vector<8x512xf32> to vector<8x128xf32>
    %swap3A_1046 = arith.constant 0 : index
    %swap3A_1047 = arith.constant 9 : index
    %swap3A_1048 = arith.constant 0 : index
    %swap3A_1049 = vector.load %arg13[%swap3A_1046, %swap3A_1047, %swap3A_1048] : memref<8x16x128xf32, #tpu.memory_space<vmem>>, vector<8x1x128xf32>
    %swap3A_1050 = vector.shape_cast %swap3A_1049 : vector<8x1x128xf32> to vector<8x128xf32>
    %swap3A_1051 = vector.shape_cast %slice3A_1045 : vector<8x128xf32> to vector<8x1x128xf32>
    tpu.vector_store %arg13[%swap3A_1046, %swap3A_1047, %swap3A_1048], %swap3A_1051 {strides = array<i32>} : memref<8x16x128xf32, #tpu.memory_space<vmem>>, vector<8x1x128xf32>,
    %slice3A_1052 = vector.extract_strided_slice %mul3A_233 {offsets = [0, 256], sizes = [8, 128], strides = [1, 1]} : vector<8x512xf32> to vector<8x128xf32>
    %swap3A_1053 = arith.constant 0 : index
    %swap3A_1054 = arith.constant 10 : index
    %swap3A_1055 = arith.constant 0 : index
    %swap3A_1056 = vector.load %arg12[%swap3A_1053, %swap3A_1054, %swap3A_1055] : memref<8x16x128xf32, #tpu.memory_space<vmem>>, vector<8x1x128xf32>
    %swap3A_1057 = vector.shape_cast %swap3A_1056 : vector<8x1x128xf32> to vector<8x128xf32>
    %swap3A_1058 = vector.shape_cast %slice3A_1052 : vector<8x128xf32> to vector<8x1x128xf32>
    tpu.vector_store %arg12[%swap3A_1053, %swap3A_1054, %swap3A_1055], %swap3A_1058 {strides = array<i32>} : memref<8x16x128xf32, #tpu.memory_space<vmem>>, vector<8x1x128xf32>,
    %slice3A_1059 = vector.extract_strided_slice %mul3A_235 {offsets = [0, 256], sizes = [8, 128], strides = [1, 1]} : vector<8x512xf32> to vector<8x128xf32>
    %swap3A_1060 = arith.constant 0 : index
    %swap3A_1061 = arith.constant 10 : index
    %swap3A_1062 = arith.constant 0 : index
    %swap3A_1063 = vector.load %arg13[%swap3A_1060, %swap3A_1061, %swap3A_1062] : memref<8x16x128xf32, #tpu.memory_space<vmem>>, vector<8x1x128xf32>
    %swap3A_1064 = vector.shape_cast %swap3A_1063 : vector<8x1x128xf32> to vector<8x128xf32>
    %swap3A_1065 = vector.shape_cast %slice3A_1059 : vector<8x128xf32> to vector<8x1x128xf32>
    tpu.vector_store %arg13[%swap3A_1060, %swap3A_1061, %swap3A_1062], %swap3A_1065 {strides = array<i32>} : memref<8x16x128xf32, #tpu.memory_space<vmem>>, vector<8x1x128xf32>,
    %slice3A_1066 = vector.extract_strided_slice %mul3A_234 {offsets = [0, 256], sizes = [8, 128], strides = [1, 1]} : vector<8x512xf32> to vector<8x128xf32>
    %swap3A_1067 = arith.constant 0 : index
    %swap3A_1068 = arith.constant 11 : index
    %swap3A_1069 = arith.constant 0 : index
    %swap3A_1070 = vector.load %arg12[%swap3A_1067, %swap3A_1068, %swap3A_1069] : memref<8x16x128xf32, #tpu.memory_space<vmem>>, vector<8x1x128xf32>
    %swap3A_1071 = vector.shape_cast %swap3A_1070 : vector<8x1x128xf32> to vector<8x128xf32>
    %swap3A_1072 = vector.shape_cast %slice3A_1066 : vector<8x128xf32> to vector<8x1x128xf32>
    tpu.vector_store %arg12[%swap3A_1067, %swap3A_1068, %swap3A_1069], %swap3A_1072 {strides = array<i32>} : memref<8x16x128xf32, #tpu.memory_space<vmem>>, vector<8x1x128xf32>,
    %slice3A_1073 = vector.extract_strided_slice %mul3A_236 {offsets = [0, 256], sizes = [8, 128], strides = [1, 1]} : vector<8x512xf32> to vector<8x128xf32>
    %swap3A_1074 = arith.constant 0 : index
    %swap3A_1075 = arith.constant 11 : index
    %swap3A_1076 = arith.constant 0 : index
    %swap3A_1077 = vector.load %arg13[%swap3A_1074, %swap3A_1075, %swap3A_1076] : memref<8x16x128xf32, #tpu.memory_space<vmem>>, vector<8x1x128xf32>
    %swap3A_1078 = vector.shape_cast %swap3A_1077 : vector<8x1x128xf32> to vector<8x128xf32>
    %swap3A_1079 = vector.shape_cast %slice3A_1073 : vector<8x128xf32> to vector<8x1x128xf32>
    tpu.vector_store %arg13[%swap3A_1074, %swap3A_1075, %swap3A_1076], %swap3A_1079 {strides = array<i32>} : memref<8x16x128xf32, #tpu.memory_space<vmem>>, vector<8x1x128xf32>,
    %slice3A_1080 = vector.extract_strided_slice %mul3A_908 {offsets = [0, 384], sizes = [8, 128], strides = [1, 1]} : vector<8x512xf32> to vector<8x128xf32>
    %swap3A_1081 = arith.constant 0 : index
    %swap3A_1082 = arith.constant 12 : index
    %swap3A_1083 = arith.constant 0 : index
    %swap3A_1084 = vector.load %arg12[%swap3A_1081, %swap3A_1082, %swap3A_1083] : memref<8x16x128xf32, #tpu.memory_space<vmem>>, vector<8x1x128xf32>
    %swap3A_1085 = vector.shape_cast %swap3A_1084 : vector<8x1x128xf32> to vector<8x128xf32>
    %swap3A_1086 = vector.shape_cast %slice3A_1080 : vector<8x128xf32> to vector<8x1x128xf32>
    tpu.vector_store %arg12[%swap3A_1081, %swap3A_1082, %swap3A_1083], %swap3A_1086 {strides = array<i32>} : memref<8x16x128xf32, #tpu.memory_space<vmem>>, vector<8x1x128xf32>,
    %slice3A_1087 = vector.extract_strided_slice %mul3A_911 {offsets = [0, 384], sizes = [8, 128], strides = [1, 1]} : vector<8x512xf32> to vector<8x128xf32>
    %swap3A_1088 = arith.constant 0 : index
    %swap3A_1089 = arith.constant 12 : index
    %swap3A_1090 = arith.constant 0 : index
    %swap3A_1091 = vector.load %arg13[%swap3A_1088, %swap3A_1089, %swap3A_1090] : memref<8x16x128xf32, #tpu.memory_space<vmem>>, vector<8x1x128xf32>
    %swap3A_1092 = vector.shape_cast %swap3A_1091 : vector<8x1x128xf32> to vector<8x128xf32>
    %swap3A_1093 = vector.shape_cast %slice3A_1087 : vector<8x128xf32> to vector<8x1x128xf32>
    tpu.vector_store %arg13[%swap3A_1088, %swap3A_1089, %swap3A_1090], %swap3A_1093 {strides = array<i32>} : memref<8x16x128xf32, #tpu.memory_space<vmem>>, vector<8x1x128xf32>,
    %slice3A_1094 = vector.extract_strided_slice %mul3A_910 {offsets = [0, 384], sizes = [8, 128], strides = [1, 1]} : vector<8x512xf32> to vector<8x128xf32>
    %swap3A_1095 = arith.constant 0 : index
    %swap3A_1096 = arith.constant 13 : index
    %swap3A_1097 = arith.constant 0 : index
    %swap3A_1098 = vector.load %arg12[%swap3A_1095, %swap3A_1096, %swap3A_1097] : memref<8x16x128xf32, #tpu.memory_space<vmem>>, vector<8x1x128xf32>
    %swap3A_1099 = vector.shape_cast %swap3A_1098 : vector<8x1x128xf32> to vector<8x128xf32>
    %swap3A_1100 = vector.shape_cast %slice3A_1094 : vector<8x128xf32> to vector<8x1x128xf32>
    tpu.vector_store %arg12[%swap3A_1095, %swap3A_1096, %swap3A_1097], %swap3A_1100 {strides = array<i32>} : memref<8x16x128xf32, #tpu.memory_space<vmem>>, vector<8x1x128xf32>,
    %slice3A_1101 = vector.extract_strided_slice %mul3A_912 {offsets = [0, 384], sizes = [8, 128], strides = [1, 1]} : vector<8x512xf32> to vector<8x128xf32>
    %swap3A_1102 = arith.constant 0 : index
    %swap3A_1103 = arith.constant 13 : index
    %swap3A_1104 = arith.constant 0 : index
    %swap3A_1105 = vector.load %arg13[%swap3A_1102, %swap3A_1103, %swap3A_1104] : memref<8x16x128xf32, #tpu.memory_space<vmem>>, vector<8x1x128xf32>
    %swap3A_1106 = vector.shape_cast %swap3A_1105 : vector<8x1x128xf32> to vector<8x128xf32>
    %swap3A_1107 = vector.shape_cast %slice3A_1101 : vector<8x128xf32> to vector<8x1x128xf32>
    tpu.vector_store %arg13[%swap3A_1102, %swap3A_1103, %swap3A_1104], %swap3A_1107 {strides = array<i32>} : memref<8x16x128xf32, #tpu.memory_space<vmem>>, vector<8x1x128xf32>,
    %slice3A_1108 = vector.extract_strided_slice %mul3A_233 {offsets = [0, 384], sizes = [8, 128], strides = [1, 1]} : vector<8x512xf32> to vector<8x128xf32>
    %swap3A_1109 = arith.constant 0 : index
    %swap3A_1110 = arith.constant 14 : index
    %swap3A_1111 = arith.constant 0 : index
    %swap3A_1112 = vector.load %arg12[%swap3A_1109, %swap3A_1110, %swap3A_1111] : memref<8x16x128xf32, #tpu.memory_space<vmem>>, vector<8x1x128xf32>
    %swap3A_1113 = vector.shape_cast %swap3A_1112 : vector<8x1x128xf32> to vector<8x128xf32>
    %swap3A_1114 = vector.shape_cast %slice3A_1108 : vector<8x128xf32> to vector<8x1x128xf32>
    tpu.vector_store %arg12[%swap3A_1109, %swap3A_1110, %swap3A_1111], %swap3A_1114 {strides = array<i32>} : memref<8x16x128xf32, #tpu.memory_space<vmem>>, vector<8x1x128xf32>,
    %slice3A_1115 = vector.extract_strided_slice %mul3A_235 {offsets = [0, 384], sizes = [8, 128], strides = [1, 1]} : vector<8x512xf32> to vector<8x128xf32>
    %swap3A_1116 = arith.constant 0 : index
    %swap3A_1117 = arith.constant 14 : index
    %swap3A_1118 = arith.constant 0 : index
    %swap3A_1119 = vector.load %arg13[%swap3A_1116, %swap3A_1117, %swap3A_1118] : memref<8x16x128xf32, #tpu.memory_space<vmem>>, vector<8x1x128xf32>
    %swap3A_1120 = vector.shape_cast %swap3A_1119 : vector<8x1x128xf32> to vector<8x128xf32>
    %swap3A_1121 = vector.shape_cast %slice3A_1115 : vector<8x128xf32> to vector<8x1x128xf32>
    tpu.vector_store %arg13[%swap3A_1116, %swap3A_1117, %swap3A_1118], %swap3A_1121 {strides = array<i32>} : memref<8x16x128xf32, #tpu.memory_space<vmem>>, vector<8x1x128xf32>,
    %slice3A_1122 = vector.extract_strided_slice %mul3A_234 {offsets = [0, 384], sizes = [8, 128], strides = [1, 1]} : vector<8x512xf32> to vector<8x128xf32>
    %swap3A_1123 = arith.constant 0 : index
    %swap3A_1124 = arith.constant 15 : index
    %swap3A_1125 = arith.constant 0 : index
    %swap3A_1126 = vector.load %arg12[%swap3A_1123, %swap3A_1124, %swap3A_1125] : memref<8x16x128xf32, #tpu.memory_space<vmem>>, vector<8x1x128xf32>
    %swap3A_1127 = vector.shape_cast %swap3A_1126 : vector<8x1x128xf32> to vector<8x128xf32>
    %swap3A_1128 = vector.shape_cast %slice3A_1122 : vector<8x128xf32> to vector<8x1x128xf32>
    tpu.vector_store %arg12[%swap3A_1123, %swap3A_1124, %swap3A_1125], %swap3A_1128 {strides = array<i32>} : memref<8x16x128xf32, #tpu.memory_space<vmem>>, vector<8x1x128xf32>,
    %slice3A_1129 = vector.extract_strided_slice %mul3A_236 {offsets = [0, 384], sizes = [8, 128], strides = [1, 1]} : vector<8x512xf32> to vector<8x128xf32>
    %swap3A_1130 = arith.constant 0 : index
    %swap3A_1131 = arith.constant 15 : index
    %swap3A_1132 = arith.constant 0 : index
    %swap3A_1133 = vector.load %arg13[%swap3A_1130, %swap3A_1131, %swap3A_1132] : memref<8x16x128xf32, #tpu.memory_space<vmem>>, vector<8x1x128xf32>
    %swap3A_1134 = vector.shape_cast %swap3A_1133 : vector<8x1x128xf32> to vector<8x128xf32>
    %swap3A_1135 = vector.shape_cast %slice3A_1129 : vector<8x128xf32> to vector<8x1x128xf32>
    tpu.vector_store %arg13[%swap3A_1130, %swap3A_1131, %swap3A_1132], %swap3A_1135 {strides = array<i32>} : memref<8x16x128xf32, #tpu.memory_space<vmem>>, vector<8x1x128xf32>,
    return
  }
}

</mosaic_0001>

<sc_bundles>
// kernel: kernel.5.cloned.1.call-start
scs
__scs_entry_jumppad:
0x0: {  	(pc) =	sbr.rel $0x88, $3  }
0x1: {  	(tag) =	ssettag $0x0;
	lr =	simm.s32 $0x1  }
0x2: {  	[smem:$0x3F96] =	sst lr;
	_ =	strace $0xD0000000  }
0x3: {  	_ = 	snop  }
0x4: {  	_ = 	snop  }
0x5: {  	_ = 	snop  }
0x6: {  	_ = 	snop  }
0x7: {  	_ = 	snop  }
__scs_overlays_trampoline_lowered:
0x8: {  	[smem:$0x3FA5] =	sst s0  }
0x9: {  	[smem:$0x3FA6] =	sst s1  }
0xa: {  	[smem:$0x3FA7] =	sst s2  }
0xb: {  	[smem:$0x3FA8] =	sst s3  }
0xc: {  	[smem:$0x3FA9] =	sst s4  }
0xd: {  	[smem:$0x3FAA] =	sst s5  }
0xe: {  	[smem:$0x3FAB] =	sst s6  }
0xf: {  	[smem:$0x3FAC] =	sst s7  }
0x10: {  	[smem:$0x3FAD] =	sst s8  }
0x11: {  	[smem:$0x3FAE] =	sst s9;
	s0 =	simm.s32 @!p0 $0x0  }
0x12: {  	s1 =	sld [smem:$0x3F94];
	s0 =	simm.s32 @p0 $0x1  }
0x13: {  	[smem:$0x3FAF] =	sst s0;
	s0 =	simm.s32 @!p1 $0x0  }
0x14: {  	s2 =	sld [smem:$0x3F93];
	s0 =	simm.s32 @p1 $0x1  }
0x15: {  	[smem:$0x3FB0] =	sst s0;
	s0 =	simm.s32 @!p2 $0x0  }
0x16: {  	s3 =	sld [smem:$0x3FDB];
	s0 =	simm.s32 @p2 $0x1  }
0x17: {  	s4 =	simm.s32 $0x1BF5;
	[smem:$0x3FB2] =	sst s0  }
0x18: {  	s0 =	sld [smem:$0x3F95];
	_ =	swait.ge [sflag:s4], $0x0  }
0x19: {  	s7 =	sld [smem:$0x3F96]  }
0x1a: {  	s8 =	sadd.s32 $0xFFFFE003, lr  }
0x1b: {  	s9 =	sadd.s32 $0xFFFFFEF7, lr;
	s5 =	simm.s32 $0xFFFFFFFF;
	p2 =	slt.u32 s8, $0xFFFFF086  }
0x1c: {  	p1 =	slt.u32 s9, $0xF7A;
	s5 =	simm.s32 @!p2 $0x0  }
0x1d: {  	s5 =	simm.s32 @p1 $0x1;
	p0 =	seq.s32 s7, s2  }
0x1e: {  	s7 =	smul.u32 @!p0 $0xF7A, s2;
	p2 =	seq.s32 @!p0 s5, $0x0  }
0x1f: {  	s9 =	smul.u32 $0xF7A, s1;
	s8 =	simm.s32 @!p0 $0x1BF5;
	p2 =	por !p2, p0  }
0x20: {  	[sflag:s8] =	ssyncset.s32 @!p0 $0xFFFFF086;
	s6 =	sadd.s32 @!p0 s3, s7;
	s7 =	simm.s32 @!p0 $0x108  }
0x21: {  	s3 =	sadd.s32 s3, s9;
	s6 =	sadd.s32 @!p0 $0x88, s6;
	s7 =	simm.s32 @p2 $0x1082  }
0x22: {  	[simem:s7], [sflag:s8] =	dma.local @!p0 [hbm:s6], $0xF7A  }
0x23: {  	s9 =	sor.u32 $0xD0000000, s2;
	s6 =	simm.s32 $0x108;
	_ =	swait.ge @!p0 [sflag:s8], $0x0  }
0x24: {  	s3 =	sadd.s32 $0x88, s3;
	s6 =	simm.s32 @!p1 $0x1082;
	[sflag:s4] =	ssyncset.s32 $0xFFFFF086  }
0x25: {  	[simem:s6], [sflag:s4] =	dma.local [hbm:s3], $0xF7A  }
0x26: {  	[smem:$0x3F96] =	sst s1;
	(tag) =	ssettag s2;
	_ =	strace s9  }
0x27: {  	s1 =	sld [smem:$0x3FA6]  }
0x28: {  	s2 =	sld [smem:$0x3FA7]  }
0x29: {  	s4 =	sld [smem:$0x3FA9]  }
0x2a: {  	p0 =	seq.s32 s5, $0x0;
	s5 =	sld [smem:$0x3FAA]  }
0x2b: {  	s6 =	sld [smem:$0x3FAB]  }
0x2c: {  	s7 =	sld [smem:$0x3FAC]  }
0x2d: {  	s3 =	simm.s32 $0x108;
	s8 =	sld [smem:$0x3FAD]  }
0x2e: {  	s3 =	simm.s32 @!p0 $0x1082;
	s9 =	sld [smem:$0x3FAE]  }
0x2f: {  	lr =	sadd.s32 s0, s3;
	s0 =	sld [smem:$0x3FA5]  }
0x30: {  	s3 =	sld [smem:$0x3FA8]  }
0x31: {  	[smem:$0x3FB1] =	sst s10  }
0x32: {  	s10 =	sld [smem:$0x3FAF];
	_ =	sdelay $0x3  }
0x33: {  	p0 =	seq.s32 s10, $0x1;
	s10 =	sld [smem:$0x3FB1];
	_ =	sdelay $0x3  }
0x34: {  	[smem:$0x3FB1] =	sst s10  }
0x35: {  	s10 =	sld [smem:$0x3FB0];
	_ =	sdelay $0x3  }
0x36: {  	p1 =	seq.s32 s10, $0x1;
	s10 =	sld [smem:$0x3FB1];
	_ =	sdelay $0x3  }
0x37: {  	[smem:$0x3FB1] =	sst s10  }
0x38: {  	s10 =	sld [smem:$0x3FB2]  }
0x39: {  	_ = 	snop;
	(pc) =	sbr.ind lr, $3  }
0x3a: {  	_ = 	snop  }
0x3b: {  	_ = 	snop  }
0x3c: {  	p2 =	seq.s32 s10, $0x1;
	s10 =	sld [smem:$0x3FB1]  }
0x3d: {  	_ =	shalt  }
0x3e: {  	_ =	shalt  }
0x3f: {  	_ =	shalt  }
0x40: {  	_ =	shalt  }
0x41: {  	_ =	shalt  }
0x42: {  	_ =	shalt  }
0x43: {  	_ =	shalt  }
0x44: {  	_ =	shalt  }
0x45: {  	_ =	shalt  }
0x46: {  	_ =	shalt  }
0x47: {  	_ =	shalt  }
0x48: {  	_ =	shalt  }
0x49: {  	_ =	shalt  }
0x4a: {  	_ =	shalt  }
0x4b: {  	_ =	shalt  }
0x4c: {  	_ =	shalt  }
0x4d: {  	_ =	shalt  }
0x4e: {  	_ =	shalt  }
0x4f: {  	_ =	shalt  }
0x50: {  	_ =	shalt  }
0x51: {  	_ =	shalt  }
0x52: {  	_ =	shalt  }
0x53: {  	_ =	shalt  }
0x54: {  	_ =	shalt  }
0x55: {  	_ =	shalt  }
0x56: {  	_ =	shalt  }
0x57: {  	_ =	shalt  }
0x58: {  	_ =	shalt  }
0x59: {  	_ =	shalt  }
0x5a: {  	_ =	shalt  }
0x5b: {  	_ =	shalt  }
0x5c: {  	_ =	shalt  }
0x5d: {  	_ =	shalt  }
0x5e: {  	_ =	shalt  }
0x5f: {  	_ =	shalt  }
0x60: {  	_ =	shalt  }
0x61: {  	_ =	shalt  }
0x62: {  	_ =	shalt  }
0x63: {  	_ =	shalt  }
0x64: {  	_ =	shalt  }
0x65: {  	_ =	shalt  }
0x66: {  	_ =	shalt  }
0x67: {  	_ =	shalt  }
0x68: {  	_ =	shalt  }
0x69: {  	_ =	shalt  }
0x6a: {  	_ =	shalt  }
0x6b: {  	_ =	shalt  }
0x6c: {  	_ =	shalt  }
0x6d: {  	_ =	shalt  }
0x6e: {  	_ =	shalt  }
0x6f: {  	_ =	shalt  }
0x70: {  	_ =	shalt  }
0x71: {  	_ =	shalt  }
0x72: {  	_ =	shalt  }
0x73: {  	_ =	shalt  }
0x74: {  	_ =	shalt  }
0x75: {  	_ =	shalt  }
0x76: {  	_ =	shalt  }
0x77: {  	_ =	shalt  }
0x78: {  	_ =	shalt  }
0x79: {  	_ =	shalt  }
0x7a: {  	_ =	shalt  }
0x7b: {  	_ =	shalt  }
0x7c: {  	_ =	shalt  }
0x7d: {  	_ =	shalt  }
0x7e: {  	_ =	shalt  }
0x7f: {  	_ =	shalt  }
0x80: {  	_ =	shalt  }
0x81: {  	_ =	shalt  }
0x82: {  	_ =	shalt  }
0x83: {  	_ =	shalt  }
0x84: {  	_ =	shalt  }
0x85: {  	_ =	shalt  }
0x86: {  	_ =	shalt  }
0x87: {  	_ =	shalt  }
.Lfunc_end0:
.L_simem_size_0:
called_computation_lowered:
.L_overlay_start_0:
0x88: {  	s2 =	sld [smem:$0x3FD9]  }
0x89: {  	s3 =	sld [smem:$0x3FFE];
	_ =	sdelay $0x1  }
0x8a: {  	s1 =	srdreg.scid  }
0x8b: {  	s0 =	sand.u32 $0x1, s1  }
0x8c: {  	s15 =	sshll.u32 s0, $0xA;
	s2 =	sadd.s32 s3, s2  }
0x8d: {  	s2 =	sadd.s32 s2, s15  }
0x8e: {  	[smem:$0x3FBD] =	sst s2  }
0x8f: {  	_ = 	snop  }
0x90: {  	s2 =	sld [smem:$0x3FD0];
	_ =	sdelay $0x2  }
0x91: {  	s4 =	simm.s32 $0xA;
	s5 =	simm.s32 $0x10;
	s16 =	sld [smem:$0x3FC7]  }
0x92: {  	[smem:s5], [sflag:s4] =	dma.local [hbm:s2], $0x1  }
0x93: {  	_ =	swait.eq [sflag:s4], $0x1  }
0x94: {  	[sflag:s4] =	ssyncset.done $0x0  }
0x95: {  	[sflag:s4] =	ssyncadd.s32 $0xFFFFFFFF  }
0x96: {  	s17 =	sld [smem:$0x11];
	(tm) =	ssettm $0x1  }
0x97: {  	s18 =	sld [smem:$0x3FFB];
	_ =	sdelay $0x3  }
0x98: {  	_ =	strace s18  }
0x99: {  	s4 =	sld [smem:$0x3FFC];
	_ =	sdelay $0x3  }
0x9a: {  	_ =	strace s4  }
0x9b: {  	s4 =	sld [smem:$0x3FFD];
	_ =	sdelay $0x3  }
0x9c: {  	_ =	strace s4  }
0x9d: {  	_ =	strace $0x8FFFFFFF  }
0x9e: {  	s19 =	sld [smem:$0x3FDB];
	_ =	sdelay $0x1  }
0x9f: {  	s20 =	simm.s32 $_scs_section_size  }
0xa0: {  	s6 =	simm.s32 $_size__tile_overlayer_lowered;
	s7 =	simm.s32 $_tile_overlayer_lowered  }
0xa1: {  	s23 =	simm.s32 $0x1BFF;
	s22 =	sshll.u32 s7, $0x1;
	s4 =	sadd.s32 s20, s19  }
0xa2: {  	s8 =	simm.s32 $0x0;
	s21 =	sshll.u32 s6, $0x1;
	s6 =	sadd.s32 s22, s4  }
0xa3: {  	[timem:s8], [sflag:s23] =	dma.local [hbm:s6], s21  }
0xa4: {  	_ =	swait.ge [sflag:s23], s21  }
0xa5: {  	s5 =	ssub.s32 $0x0, s21;
	[sflag:s23] =	ssyncset.done $0x0  }
0xa6: {  	[sflag:s23] =	ssyncadd.s32 s5;
	_ =	sdelay $0x1  }
0xa7: {  	s24 =	simm.s32 $0x1B8B  }
0xa8: {  	_ =	swait.ge [sflag:s24], $0x1  }
0xa9: {  	[sflag:s24] =	ssyncset.done $0x0  }
0xaa: {  	s25 =	simm.s32 $0x1B8E;
	[sflag:s24] =	ssyncadd.s32 $0xFFFFFFFF  }
0xab: {  	s26 =	simm.s32 $execute0_lowered;
	[smem:$0x3FD2] =	sst s25  }
0xac: {  	s5 =	sshll.u32 s26, $0x1;
	_ =	strace $0x80000046;
	[dreg:$0x1] =	wrdreg $0xFFFFFFFF  }
0xad: {  	s28 =	simm.s32 $_size_execute0_lowered;
	s4 =	sadd.s32 s4, s5;
	[dreg:$0x0] =	wrdreg $0x0  }
0xae: {  	s5 =	sshll.u32 s28, $0x1;
	[dreg:$0x2] =	wrdreg s4  }
0xaf: {  	[dreg:$0x3] =	wrdreg s5  }
0xb0: {  	[dreg:$0x4] =	wrdreg $0xC0  }
0xb1: {  	_ =	task [dreg:s8], $0x5FFFF  }
0xb2: {  	[dreg:$0x1] =	wrdreg $0xFFFFFFFF  }
0xb3: {  	[dreg:$0x0] =	wrdreg $0x60  }
0xb4: {  	[dreg:$0x2] =	wrdreg s16  }
0xb5: {  	[dreg:$0x3] =	wrdreg s17  }
0xb6: {  	[dreg:$0x4] =	wrdreg $0x9  }
0xb7: {  	_ =	task.clear_ibuf [dreg:s8], $0x5FFFF;
	_ =	strace $0x90000046  }
0xb8: {  	s29 =	simm.s32 $0x9;
	_ =	strace $0x80000048  }
0xb9: {  	_ =	swait.ge [sflag:s29], $0x1  }
0xba: {  	[sflag:s29] =	ssyncadd.s32 $0xFFFFFFFF  }
0xbb: {  	_ =	strace $0x90000048  }
0xbc: {  	_ =	sfence  }
0xbd: {  	s30 =	sld [smem:$0x0];
	_ =	sdelay $0x2  }
0xbe: {  	s31 =	sshll.u32 s1, $0xD;
	s1 =	sshrl.u32 s1, $0x2  }
0xbf: {  	s3 =	sand.u32 $0x4000, s31;
	s1 =	sadd.s32 s1, s30  }
0xc0: {  	s0 =	sor.u32 s3, s0;
	s1 =	sshll.u32 s1, $0x11  }
0xc1: {  	s0 =	sor.u32 s1, s0  }
0xc2: {  	s0 =	sadd.s32 $0x8F2B, s0  }
0xc3: {  	[sflag:s0] =	ssyncadd.remote.s32 $0x1  }
0xc4: {  	_ =	sfence.sel $0xFFFF  }
0xc5: {  	[dreg:$0x0] =	wrdreg $0xFFFFFFFF;
	(pc) =	sbr.abs _section_cstart, $3  }
0xc6: {  	[dreg:$0x1] =	wrdreg $0xFFFFFFFF  }
0xc7: {  	_ =	task.clear_ibuf [dreg:s8], $0x2FFFF;
	_ =	strace $0x9FFFFFFF  }
0xc8: {  	(tm) =	ssettm $0x7FFFFFFF  }
0xc9: {  	_ =	shalt  }
tec
execute0_lowered:
.L_overlay_start_1:
0x0: {  	(tag) =	ssettag $0x1  }
0x1: {  	v0 =	vimm.s32 $0xFEDCBA98;
	v1 =	vimm.s32 $0x76543210  }
0x2: {  	v2 =	vimm.s32 $0xBA98FEDC;
	v3 =	vimm.s32 $0x32107654;
	v4 =	vimm.s32 $0xDCFE98BA  }
0x3: {  	v5 =	vimm.s32 $0x54761032;
	v6 =	vimm.s32 $0xEFCDAB89;
	v7 =	vimm.s32 $0x67452301  }
0x4: {  	s4 =	rddreg [dreg:$0x0];
	v0 =	vunpack.c.l.s4.s8 v0;
	v2 =	vunpack.c.l.s4.s8 v2;
	v3 =	vunpack.c.l.s4.s8 v3  }
0x5: {  	s5 =	rddreg [dreg:$0x1];
	s2 =	srdreg.scid;
	v1 =	vunpack.c.l.s4.s8 v1;
	v4 =	vunpack.c.l.s4.s8 v4;
	v5 =	vunpack.c.l.s4.s8 v5  }
0x6: {  	s0 =	rddreg [dreg:$0x2];
	s1 =	stileid.u32;
	s9 =	simm.s32 $0x0;
	v6 =	vunpack.c.l.s4.s8 v6;
	v2 =	vunpack.c.0.s8.s32 v2;
	v3 =	vunpack.c.0.s8.s32 v3  }
0x7: {  	s3 =	sand.u32 $0x1, s2;
	s2 =	simm.s32 $0x0;
	s6 =	sshll.u32 s1, $0x5;
	v0 =	vunpack.c.0.s8.s32 v0;
	v4 =	vunpack.c.0.s8.s32 v4;
	v5 =	vunpack.c.0.s8.s32 v5  }
0x8: {  	v7 =	vunpack.c.l.s4.s8 v7;
	s7 =	sshll.u32 s3, $0x4;
	[smem:$0x7FF] =	sst s2;
	s8 =	ssub.s32 $0x2, s3;
	v1 =	vunpack.c.0.s8.s32 v1;
	v49 =	vcombine.low v3, v2  }
0x9: {  	s3 =	sor.u32 s7, s6;
	_ =	strace $0x80000047;
	s30 =	sshrl.u32 s8, $0x1;
	v0 =	vand.u32 $0xF, v0;
	v51 =	vcombine.low v5, v4  }
0xa: {  	v6 =	vunpack.c.0.s8.s32 v6;
	v7 =	vunpack.c.0.s8.s32 v7;
	s7 =	sshll.u32 s3, $0x8;
	s6 =	ssub.s32 s8, s30;
	s31 =	sshrl.u32 s3, $0x3;
	v36 =	vcombine.low v0, v1;
	[tilespmem:$0x1FFE0] =	vst v49  }
0xb: {  	s8 =	simm.s32 $0x8000;
	s4 =	sadd.s32 s7, s4;
	s5 =	sadd.s32 s5, s31;
	[tilespmem:$0x1FFF0] =	vst v51  }
0xc: {  	s6 =	smax.u32 s6, $0x1;
	s7 =	simm.s32 $0x1;
	v54 =	vcombine.low v7, v6;
	s4 =	sadd.s32 $0xE0000, s4;
	[tilespmem:$0x1FFD0] =	vst v36  }
.LBB2_1:
0xd: {  	[tilespmem:s2], [sflag:$0x1] =	stream.linear.gather [hbm4b:s4+s2], $0x8000, $0x38;
	[tilespmem:$0x8080] =	vst v63  }
0xe: {  	_ =	swait.ge [sflag:s7], $0x8000  }
0xf: {  	[sflag:s7] =	ssyncset.done $0x0  }
0x10: {  	s10 =	simm.s32 $0x400;
	[sflag:s7] =	ssyncadd.s32 $0xFFFF8000  }
0x11: {  	v0 =	vld [tilespmem:s10+$0x2B0];
	_ =	sdelay $0x4  }
0x12: {  	[tilespmem:$0x1F950] =	vst v0;
	v0 =	vld [tilespmem:s10+$0x330];
	_ =	sdelay $0x4  }
0x13: {  	[tilespmem:$0x1F960] =	vst v0;
	v0 =	vld [tilespmem:s10+$0x3B0];
	_ =	sdelay $0x4  }
0x14: {  	[tilespmem:$0x1F970] =	vst v0;
	v0 =	vld [tilespmem:s10+$0x3A0];
	_ =	sdelay $0x4  }
0x15: {  	[tilespmem:$0x1F9A0] =	vst v0;
	v0 =	vld [tilespmem:s10+$0x210];
	_ =	sdelay $0x4  }
0x16: {  	[tilespmem:$0x1F980] =	vst v0;
	v0 =	vld [tilespmem:s10+$0x290];
	_ =	sdelay $0x4  }
0x17: {  	[tilespmem:$0x1F990] =	vst v0;
	v0 =	vld [tilespmem:s10+$0x310];
	_ =	sdelay $0x4  }
0x18: {  	[tilespmem:$0x1F9E0] =	vst v0;
	v0 =	vld [tilespmem:s10+$0x390];
	_ =	sdelay $0x4  }
0x19: {  	[tilespmem:$0x1F9F0] =	vst v0;
	v0 =	vld [tilespmem:s10+$0x200];
	_ =	sdelay $0x4  }
0x1a: {  	[tilespmem:$0x1F9B0] =	vst v0;
	v0 =	vld [tilespmem:s10+$0x300];
	_ =	sdelay $0x4  }
0x1b: {  	[tilespmem:$0x1F9C0] =	vst v0;
	v0 =	vld [tilespmem:s10+$0x70];
	_ =	sdelay $0x4  }
0x1c: {  	[tilespmem:$0x1FA20] =	vst v0;
	v0 =	vld [tilespmem:s10+$0xF0];
	_ =	sdelay $0x4  }
0x1d: {  	[tilespmem:$0x1FA30] =	vst v0;
	v0 =	vld [tilespmem:s10+$0x170];
	_ =	sdelay $0x4  }
0x1e: {  	[tilespmem:$0x1FA40] =	vst v0;
	v0 =	vld [tilespmem:s10+$0x1F0];
	_ =	sdelay $0x4  }
0x1f: {  	[tilespmem:$0x1FA50] =	vst v0;
	v0 =	vld [tilespmem:s10+$0x60];
	_ =	sdelay $0x4  }
0x20: {  	[tilespmem:$0x1FA10] =	vst v0;
	v0 =	vld [tilespmem:s10+$0x160];
	_ =	sdelay $0x4  }
0x21: {  	[tilespmem:$0x1FAA0] =	vst v0;
	v0 =	vld [tilespmem:s10+$0x1E0];
	_ =	sdelay $0x4  }
0x22: {  	[tilespmem:$0x1FAB0] =	vst v0;
	v0 =	vld [tilespmem:s10+$0x50];
	_ =	sdelay $0x4  }
0x23: {  	[tilespmem:$0x1FA70] =	vst v0;
	v0 =	vld [tilespmem:s10+$0x150];
	_ =	sdelay $0x4  }
0x24: {  	[tilespmem:$0x1FA80] =	vst v0;
	v0 =	vld [tilespmem:s10+$0x40];
	_ =	sdelay $0x4  }
0x25: {  	[tilespmem:$0x1FAE0] =	vst v0;
	v0 =	vld [tilespmem:s10+$0xC0];
	_ =	sdelay $0x4  }
0x26: {  	[tilespmem:$0x1FAF0] =	vst v0;
	v0 =	vld [tilespmem:s10+$0x140];
	_ =	sdelay $0x4  }
0x27: {  	[tilespmem:$0x1FB00] =	vst v0;
	v0 =	vld [tilespmem:s10+$0x1C0];
	_ =	sdelay $0x4  }
0x28: {  	[tilespmem:$0x1FB10] =	vst v0;
	v0 =	vld [tilespmem:s10+$0x30];
	_ =	sdelay $0x4  }
0x29: {  	[tilespmem:$0x1FAD0] =	vst v0;
	v0 =	vld [tilespmem:s10+$0x130];
	_ =	sdelay $0x4  }
0x2a: {  	[tilespmem:$0x1FB60] =	vst v0;
	v0 =	vld [tilespmem:s10+$0x1B0];
	_ =	sdelay $0x4  }
0x2b: {  	[tilespmem:$0x1FB70] =	vst v0;
	v0 =	vld [tilespmem:s10+$0x20];
	_ =	sdelay $0x4  }
0x2c: {  	[tilespmem:$0x1FB30] =	vst v0;
	v0 =	vld [tilespmem:s10+$0xA0];
	_ =	sdelay $0x4  }
0x2d: {  	[tilespmem:$0x1FB40] =	vst v0;
	v0 =	vld [tilespmem:s10+$0x10];
	_ =	sdelay $0x4  }
0x2e: {  	[tilespmem:$0x1FBB0] =	vst v0;
	v0 =	vld [tilespmem:s10+$0x90];
	_ =	sdelay $0x4  }
0x2f: {  	[tilespmem:$0x1FBC0] =	vst v0;
	v0 =	vld [tilespmem:s10+$0x110];
	_ =	sdelay $0x4  }
0x30: {  	[tilespmem:$0x1FBD0] =	vst v0;
	v0 =	vld [tilespmem:s10+$0x190];
	_ =	sdelay $0x4  }
0x31: {  	[tilespmem:$0x1FBE0] =	vst v0;
	v0 =	vld [tilespmem:s10+$0x0];
	_ =	sdelay $0x4  }
0x32: {  	[tilespmem:$0x1FB90] =	vst v0;
	v0 =	vld [tilespmem:s10+$0x100];
	_ =	sdelay $0x4  }
0x33: {  	[tilespmem:$0x1FC20] =	vst v0;
	v0 =	vld [tilespmem:s10+$0x180];
	_ =	sdelay $0x4  }
0x34: {  	[tilespmem:$0x1FC30] =	vst v0;
	v0 =	vld [tilespmem:s10+$0xFFFFFE60];
	_ =	sdelay $0x4  }
0x35: {  	[tilespmem:$0x1FC40] =	vst v0;
	v0 =	vld [tilespmem:s10+$0xFFFFFEE0];
	_ =	sdelay $0x4  }
0x36: {  	[tilespmem:$0x1FC50] =	vst v0;
	v0 =	vld [tilespmem:s10+$0xFFFFFF60];
	_ =	sdelay $0x4  }
0x37: {  	[tilespmem:$0x1FC60] =	vst v0;
	v0 =	vld [tilespmem:s10+$0xFFFFFFE0];
	_ =	sdelay $0x4  }
0x38: {  	[tilespmem:$0x1FC70] =	vst v0;
	v0 =	vld [tilespmem:s10+$0xFFFFFF50];
	_ =	sdelay $0x4  }
0x39: {  	[tilespmem:$0x1FC90] =	vst v0;
	v0 =	vld [tilespmem:s10+$0xFFFFFE30];
	_ =	sdelay $0x4  }
0x3a: {  	[tilespmem:$0x1FCA0] =	vst v0;
	v0 =	vld [tilespmem:s10+$0xFFFFFEB0];
	_ =	sdelay $0x4  }
0x3b: {  	[tilespmem:$0x1FCB0] =	vst v0;
	v0 =	vld [tilespmem:s10+$0xFFFFFF30];
	_ =	sdelay $0x4  }
0x3c: {  	[tilespmem:$0x1FCC0] =	vst v0;
	v0 =	vld [tilespmem:s10+$0xFFFFFFB0];
	_ =	sdelay $0x4  }
0x3d: {  	[tilespmem:$0x1FCD0] =	vst v0;
	v0 =	vld [tilespmem:s10+$0xFFFFFF20];
	_ =	sdelay $0x4  }
0x3e: {  	[tilespmem:$0x1FD00] =	vst v0;
	v0 =	vld [tilespmem:s10+$0xFFFFFFA0];
	_ =	sdelay $0x4  }
0x3f: {  	[tilespmem:$0x1FD10] =	vst v0;
	v0 =	vld [tilespmem:s10+$0xFFFFFE10];
	_ =	sdelay $0x4  }
0x40: {  	[tilespmem:$0x1FCE0] =	vst v0;
	v0 =	vld [tilespmem:s10+$0xFFFFFE00];
	_ =	sdelay $0x4  }
0x41: {  	[tilespmem:$0x1FD30] =	vst v0;
	v0 =	vld [tilespmem:s10+$0xFFFFFE80];
	_ =	sdelay $0x4  }
0x42: {  	[tilespmem:$0x1FD40] =	vst v0;
	v0 =	vld [tilespmem:s10+$0xFFFFFF00];
	_ =	sdelay $0x4  }
0x43: {  	[tilespmem:$0x1FD50] =	vst v0;
	v0 =	vld [tilespmem:s10+$0xFFFFFF80];
	_ =	sdelay $0x4  }
0x44: {  	[tilespmem:$0x1FD60] =	vst v0;
	v0 =	vld [tilespmem:s10+$0xFFFFFD70];
	_ =	sdelay $0x4  }
0x45: {  	[tilespmem:$0x1FD80] =	vst v0;
	v0 =	vld [tilespmem:s10+$0xFFFFFDF0];
	_ =	sdelay $0x3  }
0x46: {  	s11 =	sadd.s32 $0x0, s3  }
0x47: {  	v15 =	vlaneseq.u32;
	[tilespmem:$0x1FD90] =	vst v0;
	v0 =	vmov s11  }
0x48: {  	vm0 =	vgt.u32 v0, v15;
	v0 =	vimm.s32 $0x0  }
0x49: {  	s12 =	sadd.s32 $0xFFFFFE20, s11;
	v0 =	vsel vm0, $0xFFFFFFFF, v0  }
0x4a: {  	s13 =	sadd.s32 $0xFFFFFE10, s11;
	[tilespmem:$0x1F940] =	vst v0;
	v0 =	vmov s12  }
0x4b: {  	s22 =	sadd.s32 $0xFFFFFE40, s11;
	v1 =	vld [tilespmem:s10+$0xFFFFFC60];
	vm11 =	vgt.s32 v0, v15;
	v0 =	vmov s13  }
0x4c: {  	s23 =	sadd.s32 $0xFFFFFE30, s11;
	v17 =	vld [tilespmem:s10+$0x270];
	vm0 =	vgt.s32 v0, v15;
	v0 =	vmov s22  }
0x4d: {  	s25 =	sadd.s32 $0xFFFFFE70, s11;
	v19 =	vld [tilespmem:s10+$0x2F0];
	vm3 =	vgt.s32 v0, v15;
	v0 =	vmov s23  }
0x4e: {  	s26 =	sadd.s32 $0xFFFFFE60, s11;
	v27 =	vld [tilespmem:s10+$0x260];
	vm2 =	vgt.s32 v0, v15;
	v0 =	vmov s25  }
0x4f: {  	s14 =	sadd.s32 $0xFFFFFE50, s11;
	s29 =	sadd.s32 $0xFFFFFEA0, s11;
	v39 =	vld [tilespmem:s10+$0x2E0];
	vm6 =	vgt.s32 v0, v15;
	v0 =	vmov s26  }
0x50: {  	s30 =	sadd.s32 $0xFFFFFE90, s11;
	v59 =	vld [tilespmem:s10+$0x240];
	[tilespmem:$0x1FD70] =	vst v1;
	v1 =	vmov s14;
	vm5 =	vgt.s32 v0, v15;
	v0 =	vmov s29  }
0x51: {  	s24 =	sadd.s32 $0xFFFFFE80, s11;
	s15 =	sadd.s32 $0xFFFFFED0, s11;
	v61 =	vld [tilespmem:s10+$0x2C0];
	vm4 =	vgt.s32 v1, v15;
	vm9 =	vgt.s32 v0, v15;
	v0 =	vmov s30  }
0x52: {  	s16 =	sadd.s32 $0xFFFFFEC0, s11;
	v1 =	vmov s24;
	vm8 =	vgt.s32 v0, v15;
	v0 =	vmov s15  }
0x53: {  	s28 =	sadd.s32 $0xFFFFFEB0, s11;
	vm7 =	vgt.s32 v1, v15;
	vm13 =	vgt.s32 v0, v15;
	v0 =	vmov s16  }
0x54: {  	v1 =	vmov s28;
	vm12 =	vgt.s32 v0, v15;
	v0 =	vmax.f32 v17, v19  }
0x55: {  	vm10 =	vgt.s32 v1, v15;
	v1 =	vld [tilespmem:s10+$0xFFFFFDD0];
	[tilespmem:$0x1FE10] =	vst v0;
	v0 =	vmax.f32 v27, v39  }
0x56: {  	v60 =	vld [tilespmem:s10+$0x230];
	[tilespmem:$0x1FDF0] =	vst v0;
	v0 =	vmax.f32 v59, v61  }
0x57: {  	[tilespmem:$0x1FE60] =	vst v0;
	v0 =	vld [tilespmem:$0x1F950];
	_ =	sdelay $0x1  }
0x58: {  	s31 =	sadd.s32 $0xFFFFFEE0, s11  }
0x59: {  	s17 =	sadd.s32 $0xFFFFFEF0, s11;
	[tilespmem:$0x1FDC0] =	vst v1;
	v1 =	vmov s31  }
0x5a: {  	vm14 =	vgt.s32 v1, v15;
	v1 =	vmov s17  }
0x5b: {  	vm15 =	vgt.s32 v1, v15;
	v1 =	vld [tilespmem:$0x1F970];
	v0 =	vmax.f32 v60, v0  }
0x5c: {  	[tilespmem:$0x1FE40] =	vst v0;
	v0 =	vld [tilespmem:$0x1F960];
	_ =	sdelay $0x2  }
0x5d: {  	v43 =	vld [tilespmem:s10+$0x360]  }
0x5e: {  	v46 =	vld [tilespmem:s10+$0x3E0]  }
0x5f: {  	v61 =	vmax.f32 v0, v1;
	v0 =	vld [tilespmem:$0x1F980]  }
0x60: {  	v1 =	vld [tilespmem:$0x1F990];
	_ =	sdelay $0x3  }
0x61: {  	v63 =	vld [tilespmem:s10+$0x320]  }
0x62: {  	v56 =	vmax.f32 v43, v46;
	v46 =	vmax.f32 v0, v1;
	v0 =	vld [tilespmem:$0x1F9A0];
	_ =	sdelay $0x1  }
0x63: {  	v12 =	vld [tilespmem:s10+$0x370]  }
0x64: {  	v13 =	vld [tilespmem:s10+$0x3F0]  }
0x65: {  	v3 =	vld [tilespmem:s10+$0x280]  }
0x66: {  	v63 =	vmax.f32 v63, v0;
	v0 =	vld [tilespmem:$0x1F9B0];
	_ =	sdelay $0x3  }
0x67: {  	v2 =	vld [tilespmem:s10+$0x380]  }
0x68: {  	v55 =	vmax.f32 v12, v13;
	v12 =	vmax.f32 v0, v3;
	v0 =	vld [tilespmem:$0x1F9C0];
	_ =	sdelay $0x4  }
0x69: {  	v1 =	vld [tilespmem:$0x1F9F0];
	v0 =	vmax.f32 v0, v2  }
0x6a: {  	[tilespmem:$0x1F9D0] =	vst v0;
	v0 =	vld [tilespmem:$0x1F9E0];
	_ =	sdelay $0x4  }
0x6b: {  	v5 =	vld [tilespmem:s10+$0xE0];
	v0 =	vmax.f32 v0, v1  }
0x6c: {  	[tilespmem:$0x1FA00] =	vst v0;
	v0 =	vld [tilespmem:$0x1FA10];
	_ =	sdelay $0x1  }
0x6d: {  	v40 =	vld [tilespmem:s10+$0x340]  }
0x6e: {  	v45 =	vld [tilespmem:s10+$0x3C0]  }
0x6f: {  	v1 =	vld [tilespmem:$0x1FA30]  }
0x70: {  	v13 =	vmax.f32 v0, v5;
	v0 =	vld [tilespmem:$0x1FA20];
	_ =	sdelay $0x4  }
0x71: {  	v60 =	vmax.f32 v40, v45;
	v45 =	vmax.f32 v0, v1;
	v0 =	vld [tilespmem:$0x1FA40]  }
0x72: {  	v1 =	vld [tilespmem:$0x1FA50];
	_ =	sdelay $0x3  }
0x73: {  	v14 =	vld [tilespmem:s10+$0x1D0]  }
0x74: {  	v0 =	vmax.f32 v0, v1;
	v1 =	vld [tilespmem:$0x1FA80];
	_ =	sdelay $0x4  }
0x75: {  	v2 =	vld [tilespmem:$0x1FAB0];
	v1 =	vmax.f32 v1, v14  }
0x76: {  	[tilespmem:$0x1FA90] =	vst v1;
	v1 =	vld [tilespmem:$0x1FAA0];
	_ =	sdelay $0x4  }
0x77: {  	v21 =	vld [tilespmem:s10+$0xB0];
	v1 =	vmax.f32 v1, v2  }
0x78: {  	[tilespmem:$0x1FAC0] =	vst v1;
	v1 =	vld [tilespmem:$0x1FAD0];
	_ =	sdelay $0x3  }
0x79: {  	v2 =	vld [tilespmem:$0x1FAF0]  }
0x7a: {  	v3 =	vmax.f32 v1, v21;
	v1 =	vld [tilespmem:$0x1FAE0];
	_ =	sdelay $0x4  }
0x7b: {  	v43 =	vmax.f32 v1, v2;
	v1 =	vld [tilespmem:$0x1FB00]  }
0x7c: {  	v2 =	vld [tilespmem:$0x1FB10];
	_ =	sdelay $0x2  }
0x7d: {  	v30 =	vld [tilespmem:s10+$0x120]  }
0x7e: {  	v34 =	vld [tilespmem:s10+$0x1A0]  }
0x7f: {  	v1 =	vmax.f32 v1, v2;
	v2 =	vld [tilespmem:$0x1FB40]  }
0x80: {  	[tilespmem:$0x1FB20] =	vst v1;
	v1 =	vld [tilespmem:$0x1FB30];
	_ =	sdelay $0x4  }
0x81: {  	v40 =	vmax.f32 v1, v2;
	v1 =	vmax.f32 v30, v34;
	v2 =	vld [tilespmem:$0x1FB70]  }
0x82: {  	[tilespmem:$0x1FB50] =	vst v1;
	v1 =	vld [tilespmem:$0x1FB60];
	_ =	sdelay $0x4  }
0x83: {  	v32 =	vld [tilespmem:s10+$0x80];
	v1 =	vmax.f32 v1, v2  }
0x84: {  	[tilespmem:$0x1FB80] =	vst v1;
	v1 =	vld [tilespmem:$0x1FB90];
	_ =	sdelay $0x4  }
0x85: {  	v2 =	vld [tilespmem:$0x1FBC0];
	v1 =	vmax.f32 v1, v32  }
0x86: {  	[tilespmem:$0x1FBA0] =	vst v1;
	v1 =	vld [tilespmem:$0x1FBB0];
	_ =	sdelay $0x2  }
0x87: {  	v50 =	vld [tilespmem:s10+$0xFFFFFE70]  }
0x88: {  	v6 =	vld [tilespmem:s10+$0xFFFFFEF0]  }
0x89: {  	v21 =	vmax.f32 v1, v2;
	v1 =	vld [tilespmem:$0x1FBD0]  }
0x8a: {  	v2 =	vld [tilespmem:$0x1FBE0]  }
0x8b: {  	v37 =	vld [tilespmem:s10+$0xFFFFFF70]  }
0x8c: {  	v48 =	vld [tilespmem:s10+$0xFFFFFFF0];
	_ =	sdelay $0x2  }
0x8d: {  	v1 =	vmax.f32 v1, v2  }
0x8e: {  	[tilespmem:$0x1FBF0] =	vst v1;
	v1 =	vmax.f32 v50, v6  }
0x8f: {  	v2 =	vld [tilespmem:$0x1FC30];
	[tilespmem:$0x1FC00] =	vst v1;
	v1 =	vmax.f32 v37, v48  }
0x90: {  	[tilespmem:$0x1FC10] =	vst v1;
	v1 =	vld [tilespmem:$0x1FC20];
	_ =	sdelay $0x2  }
0x91: {  	v18 =	vld [tilespmem:s10+$0xFFFFFE50]  }
0x92: {  	v16 =	vld [tilespmem:s10+$0xFFFFFED0]  }
0x93: {  	v48 =	vmax.f32 v1, v2;
	v1 =	vld [tilespmem:$0x1FC40]  }
0x94: {  	v2 =	vld [tilespmem:$0x1FC50];
	_ =	sdelay $0x4  }
0x95: {  	v50 =	vmax.f32 v18, v16;
	v18 =	vmax.f32 v1, v2;
	v1 =	vld [tilespmem:$0x1FC60]  }
0x96: {  	v2 =	vld [tilespmem:$0x1FC70];
	_ =	sdelay $0x1  }
0x97: {  	v42 =	vld [tilespmem:s10+$0xD0]  }
0x98: {  	v52 =	vld [tilespmem:s10+$0xFFFFFFD0]  }
0x99: {  	v53 =	vld [tilespmem:s10+$0xFFFFFE40]  }
0x9a: {  	v25 =	vld [tilespmem:s10+$0xFFFFFEC0];
	v1 =	vmax.f32 v1, v2  }
0x9b: {  	[tilespmem:$0x1FC80] =	vst v1;
	v1 =	vld [tilespmem:$0x1FC90]  }
0x9c: {  	v35 =	vld [tilespmem:s10+$0xFFFFFF40]  }
0x9d: {  	v22 =	vld [tilespmem:s10+$0xFFFFFFC0]  }
0x9e: {  	v5 =	vld [tilespmem:$0x1FCB0]  }
0x9f: {  	[tilespmem:$0x1FA60] =	vst v0;
	v0 =	vld [tilespmem:$0x1FA70]  }
0xa0: {  	v25 =	vmax.f32 v53, v25;
	v53 =	vmax.f32 v1, v52;
	v1 =	vld [tilespmem:$0x1FCA0];
	_ =	sdelay $0x4  }
0xa1: {  	v0 =	vmax.f32 v0, v42;
	v42 =	vmax.f32 v35, v22;
	v22 =	vmax.f32 v1, v5;
	v1 =	vld [tilespmem:$0x1FCC0]  }
0xa2: {  	v5 =	vld [tilespmem:$0x1FCD0];
	_ =	sdelay $0x1  }
0xa3: {  	v23 =	vld [tilespmem:s10+$0xFFFFFE90]  }
0xa4: {  	v26 =	vld [tilespmem:s10+$0xFFFFFF10]  }
0xa5: {  	v4 =	vld [tilespmem:s10+$0xFFFFFF90]  }
0xa6: {  	v37 =	vmax.f32 v1, v5;
	v1 =	vld [tilespmem:$0x1FCE0];
	_ =	sdelay $0x4  }
0xa7: {  	v23 =	vmax.f32 v1, v23;
	v1 =	vmax.f32 v26, v4;
	v4 =	vld [tilespmem:$0x1FD10]  }
0xa8: {  	[tilespmem:$0x1FCF0] =	vst v1;
	v1 =	vld [tilespmem:$0x1FD00];
	_ =	sdelay $0x3  }
0xa9: {  	v24 =	vld [tilespmem:s10+$0x250]  }
0xaa: {  	v1 =	vmax.f32 v1, v4;
	v4 =	vld [tilespmem:$0x1FD40]  }
0xab: {  	[tilespmem:$0x1FD20] =	vst v1;
	v1 =	vld [tilespmem:$0x1FD30]  }
0xac: {  	v33 =	vld [tilespmem:s10+$0x2D0]  }
0xad: {  	v11 =	vld [tilespmem:s10+$0xFFFFFC70]  }
0xae: {  	v7 =	vld [tilespmem:s10+$0xFFFFFCF0]  }
0xaf: {  	v58 =	vld [tilespmem:s10+$0xFFFFFD40]  }
0xb0: {  	v26 =	vmax.f32 v1, v4;
	v1 =	vld [tilespmem:$0x1FD50]  }
0xb1: {  	v4 =	vld [tilespmem:$0x1FD60]  }
0xb2: {  	v57 =	vld [tilespmem:s10+$0xFFFFFDC0]  }
0xb3: {  	v17 =	vld [tilespmem:s10+$0xFFFFFDB0]  }
0xb4: {  	v39 =	vmax.f32 v24, v33;
	v24 =	vld [tilespmem:s10+$0xFFFFFD30]  }
0xb5: {  	v6 =	vld [tilespmem:s10+$0xFFFFFD00]  }
0xb6: {  	v11 =	vmax.f32 v11, v7;
	v7 =	vmax.f32 v1, v4;
	v1 =	vld [tilespmem:s10+$0xFFFFFD80];
	_ =	sdelay $0x3  }
0xb7: {  	v24 =	vmax.f32 v24, v17  }
0xb8: {  	v17 =	vmax.f32 v58, v57;
	v58 =	vmax.f32 v6, v1;
	v1 =	vimm.s32 $0x0  }
0xb9: {  	v1 =	vsel vm2, $0xFFFFFFFF, v1  }
0xba: {  	[tilespmem:$0x1FDD0] =	vst v1;
	v1 =	vimm.s32 $0x0  }
0xbb: {  	v1 =	vsel vm11, $0xFFFFFFFF, v1  }
0xbc: {  	[tilespmem:$0x1FDE0] =	vst v1;
	v1 =	vld [tilespmem:$0x1FDF0];
	_ =	sdelay $0x1  }
0xbd: {  	v38 =	vld [tilespmem:s10+$0x350]  }
0xbe: {  	v44 =	vld [tilespmem:s10+$0x3D0]  }
0xbf: {  	v47 =	vld [tilespmem:s10+$0x220]  }
0xc0: {  	v62 =	vld [tilespmem:s10+$0x2A0];
	v35 =	vnsel vm11, $0x0, v1;
	v1 =	vimm.s32 $0x0  }
0xc1: {  	v10 =	vld [tilespmem:s10+$0xFFFFFC50];
	v1 =	vsel vm0, $0xFFFFFFFF, v1  }
0xc2: {  	[tilespmem:$0x1FE00] =	vst v1;
	v1 =	vld [tilespmem:$0x1FE10]  }
0xc3: {  	v27 =	vld [tilespmem:s10+$0xFFFFFC30]  }
0xc4: {  	v33 =	vld [tilespmem:s10+$0xFFFFFCB0];
	_ =	sdelay $0x1  }
0xc5: {  	[tilespmem:$0x1FDA0] =	vst v10;
	v10 =	vld [tilespmem:s10+$0xFFFFFD50]  }
0xc6: {  	v62 =	vmax.f32 v47, v62;
	v47 =	vld [tilespmem:s10+$0xFFFFFD20];
	v52 =	vnsel vm0, $0x0, v1;
	v1 =	vimm.s32 $0x0  }
0xc7: {  	v59 =	vmax.f32 v38, v44;
	v44 =	vld [tilespmem:s10+$0xFFFFFDA0];
	v1 =	vsel vm5, $0xFFFFFFFF, v1  }
0xc8: {  	v33 =	vmax.f32 v27, v33;
	v27 =	vnsel vm7, $0x0, v12;
	v34 =	vld [tilespmem:s10+$0xFFFFFC10];
	[tilespmem:$0x1FE20] =	vst v1;
	v1 =	vimm.s32 $0x0  }
0xc9: {  	v12 =	vnsel vm10, $0x0, v0;
	v0 =	vimm.s32 $0x0;
	v30 =	vld [tilespmem:s10+$0xFFFFFC90];
	v1 =	vsel vm4, $0xFFFFFFFF, v1  }
0xca: {  	v0 =	vsel vm9, $0xFFFFFFFF, v0;
	[tilespmem:$0x1FE30] =	vst v1;
	v1 =	vld [tilespmem:$0x1FE40]  }
0xcb: {  	[tilespmem:$0x1FEC0] =	vst v0;
	v0 =	vimm.s32 $0x0  }
0xcc: {  	v28 =	vld [tilespmem:s10+$0xFFFFFCE0];
	v0 =	vsel vm15, $0xFFFFFFFF, v0  }
0xcd: {  	v9 =	vld [tilespmem:s10+$0xFFFFFD60];
	[tilespmem:$0x1FED0] =	vst v0;
	v0 =	vimm.s32 $0x0  }
0xce: {  	v8 =	vld [tilespmem:s10+$0xFFFFFDE0];
	v0 =	vsel vm14, $0xFFFFFFFF, v0;
	v34 =	vmax.f32 v34, v30  }
0xcf: {  	v31 =	vld [tilespmem:s10+$0xFFFFFCD0];
	[tilespmem:$0x1FDB0] =	vst v10;
	v30 =	vmax.f32 v47, v44;
	v47 =	vnsel vm4, $0x0, v1;
	v1 =	vimm.s32 $0x0  }
0xd0: {  	v29 =	vld [tilespmem:s10+$0xFFFFFC40];
	[tilespmem:$0x1FEE0] =	vst v0;
	v0 =	vimm.s32 $0x0;
	v1 =	vsel vm3, $0xFFFFFFFF, v1  }
0xd1: {  	s19 =	sadd.s32 $0xFFFFFF30, s11;
	v0 =	vsel vm13, $0xFFFFFFFF, v0;
	[tilespmem:$0x1FE50] =	vst v1;
	v1 =	vld [tilespmem:$0x1FE60]  }
0xd2: {  	s21 =	sadd.s32 $0xFFFFFF10, s11;
	v10 =	vld [tilespmem:s10+$0xFFFFFCC0];
	[tilespmem:$0x1FEF0] =	vst v0;
	v0 =	vmov s19  }
0xd3: {  	s22 =	sadd.s32 $0xFFFFFF50, s11;
	[tilespmem:$0x1FF40] =	vst v0;
	v0 =	vmov s21;
	v4 =	vld [tilespmem:$0x1FD70]  }
0xd4: {  	v9 =	vmax.f32 v9, v8;
	v8 =	vld [tilespmem:$0x1FD90];
	s16 =	sadd.s32 $0xFFFFFF90, s11;
	[tilespmem:$0x1FF00] =	vst v0;
	v0 =	vmov s22  }
0xd5: {  	s24 =	sadd.s32 $0xFFFFFF80, s11;
	v19 =	vld [tilespmem:s10+$0xFFFFFC20];
	[tilespmem:$0x1FF70] =	vst v0;
	v0 =	vmov s16  }
0xd6: {  	v38 =	vld [tilespmem:s10+$0xFFFFFCA0];
	[tilespmem:$0x1FF80] =	vst v0;
	v0 =	vmov s24;
	v44 =	vnsel vm3, $0x0, v1;
	v1 =	vimm.s32 $0x0  }
0xd7: {  	s25 =	sadd.s32 $0xFFFFFF70, s11;
	v14 =	vld [tilespmem:s10+$0xFFFFFD90];
	[tilespmem:$0x1FF90] =	vst v0;
	v1 =	vsel vm8, $0xFFFFFFFF, v1  }
0xd8: {  	v0 =	vmov s25;
	v28 =	vmax.f32 v4, v28;
	v4 =	vld [tilespmem:$0x1FD80];
	[tilespmem:$0x1FE70] =	vst v1;
	v1 =	vimm.s32 $0x0  }
0xd9: {  	v1 =	vsel vm7, $0xFFFFFFFF, v1;
	vm7 =	vgt.s32 v0, v15;
	v0 =	vld [tilespmem:$0x1FF70]  }
0xda: {  	v32 =	vld [tilespmem:s10+$0xFFFFFD10]  }
0xdb: {  	v2 =	vld [tilespmem:s10+$0xFFFFFC00]  }
0xdc: {  	v5 =	vld [tilespmem:s10+$0xFFFFFC80]  }
0xdd: {  	v8 =	vmax.f32 v4, v8;
	v4 =	vld [tilespmem:$0x1FDA0]  }
0xde: {  	v38 =	vmax.f32 v19, v38;
	v19 =	vnsel vm5, $0x0, v62;
	vm5 =	vgt.s32 v0, v15;
	v0 =	vld [tilespmem:$0x1FF80];
	_ =	sdelay $0x1  }
0xdf: {  	v29 =	vmax.f32 v29, v10;
	v10 =	vld [tilespmem:$0x1FDC0]  }
0xe0: {  	v6 =	vld [tilespmem:$0x1FF00]  }
0xe1: {  	v57 =	vmax.f32 v2, v5;
	v5 =	vmax.f32 v32, v14;
	v31 =	vmax.f32 v4, v31;
	v4 =	vld [tilespmem:$0x1FDB0]  }
0xe2: {  	v14 =	vnsel vm12, $0x0, v43;
	v43 =	vnsel vm9, $0x0, v13;
	vm9 =	vgt.s32 v0, v15;
	v0 =	vld [tilespmem:$0x1FF90];
	_ =	sdelay $0x1  }
0xe3: {  	s26 =	sadd.s32 $0xFFFFFFC0, s11  }
0xe4: {  	v20 =	vld [tilespmem:s10+$0xFFFFFE20];
	s28 =	sadd.s32 $0xFFFFFFB0, s11;
	s23 =	sadd.s32 $0xFFFFFF40, s11;
	v62 =	vnsel vm8, $0x0, v45;
	v2 =	vmov s26  }
0xe5: {  	v41 =	vld [tilespmem:s10+$0xFFFFFEA0];
	[tilespmem:$0x1FFA0] =	vst v2;
	v2 =	vmov s28;
	v10 =	vmax.f32 v4, v10;
	v4 =	vmov s23  }
0xe6: {  	vm0 =	vgt.s32 v6, v15;
	v6 =	vimm.s32 $0x0;
	vm8 =	vgt.s32 v0, v15;
	v0 =	vld [tilespmem:$0x1FFA0]  }
0xe7: {  	[tilespmem:$0x1FFB0] =	vst v2;
	v6 =	vsel vm0, $0xFFFFFFFF, v6;
	vm0 =	vgt.s32 v4, v15;
	v4 =	vimm.s32 $0x0  }
0xe8: {  	v4 =	vsel vm0, $0xFFFFFFFF, v4;
	[tilespmem:$0x1FE80] =	vst v1;
	v1 =	vimm.s32 $0x0  }
0xe9: {  	[tilespmem:$0x1FF30] =	vst v4;
	v1 =	vsel vm6, $0xFFFFFFFF, v1  }
0xea: {  	v4 =	vld [tilespmem:$0x1FF40];
	[tilespmem:$0x1FE90] =	vst v1;
	v1 =	vimm.s32 $0x0  }
0xeb: {  	s18 =	sadd.s32 $0xFFFFFF00, s11;
	s20 =	sadd.s32 $0xFFFFFF20, s11;
	v20 =	vmax.f32 v20, v41;
	v1 =	vsel vm12, $0xFFFFFFFF, v1;
	vm12 =	vgt.s32 v0, v15;
	v0 =	vld [tilespmem:$0x1FFB0]  }
0xec: {  	v41 =	vmov s20;
	s15 =	sadd.s32 $0xFFFFFF60, s11;
	v45 =	vnsel vm6, $0x0, v46;
	v16 =	vmov s18  }
0xed: {  	s30 =	sadd.s32 $0xFFFFFFE0, s11;
	v46 =	vmov s15;
	vm1 =	vgt.s32 v16, v15;
	v32 =	vnsel vm2, $0x0, v39  }
0xee: {  	s31 =	sadd.s32 $0xFFFFFFD0, s11;
	v39 =	vnsel vm15, $0x0, v21;
	v2 =	vmov s30;
	[tilespmem:$0x1FF10] =	vst v6;
	v6 =	vimm.s32 $0x0  }
0xef: {  	v21 =	vnsel vm13, $0x0, v3;
	v3 =	vmov s31;
	[tilespmem:$0x1FFC0] =	vst v2;
	v6 =	vsel vm1, $0xFFFFFFFF, v6  }
0xf0: {  	s29 =	sadd.s32 $0xFFFFFFA0, s11;
	vm0 =	vgt.s32 v4, v15;
	v4 =	vimm.s32 $0x0;
	vm11 =	vgt.s32 v0, v15;
	v0 =	vld [tilespmem:$0x1FFC0]  }
0xf1: {  	s11 =	sadd.s32 $0xFFFFFFF0, s11;
	v13 =	vmov s29;
	vm13 =	vgt.s32 v3, v15;
	[tilespmem:$0x1FF20] =	vst v6;
	v4 =	vsel vm0, $0xFFFFFFFF, v4  }
0xf2: {  	v2 =	vmov s11;
	vm0 =	vgt.s32 v41, v15;
	[tilespmem:$0x1FF50] =	vst v4;
	v4 =	vimm.s32 $0x0  }
0xf3: {  	vm15 =	vgt.s32 v2, v15;
	v4 =	vsel vm0, $0xFFFFFFFF, v4;
	[tilespmem:$0x1FEA0] =	vst v1;
	v1 =	vimm.s32 $0x0  }
0xf4: {  	vm4 =	vgt.s32 v46, v15;
	[tilespmem:$0x1FF60] =	vst v4;
	v1 =	vsel vm10, $0xFFFFFFFF, v1;
	vm10 =	vgt.s32 v13, v15  }
0xf5: {  	s12 =	simm.s32 $0x1;
	s11 =	simm.s32 $0xC00;
	s10 =	simm.s32 $0x0;
	[tilespmem:$0x1FEB0] =	vst v1;
	v1 =	vnsel vm14, $0x0, v40;
	v40 =	vimm.f32 $0.0e+00;
	vm14 =	vgt.s32 v0, v15  }
.LBB2_2:
0xf6: {  	v2 =	vld [tilespmem:$0x1FF30];
	_ =	sdelay $0x4  }
0xf7: {  	vm3 =	vnez.u8 v2;
	v2 =	vld [tilespmem:$0x1FF50];
	_ =	sdelay $0x3  }
0xf8: {  	v0 =	vimm.s32 $0x0  }
0xf9: {  	v22 =	vnsel vm5, $0x0, v22;
	v0 =	vsel vm5, $0xFFFFFFFF, v0;
	vm5 =	vnez.u8 v2;
	v2 =	vld [tilespmem:s11+$0x370];
	_ =	sdelay $0x4  }
0xfa: {  	[tilespmem:$0x1F420] =	vst v2;
	v2 =	vld [tilespmem:s11+$0x3F0];
	_ =	sdelay $0x4  }
0xfb: {  	[tilespmem:$0x1F430] =	vst v2;
	v2 =	vld [tilespmem:s11+$0x260];
	_ =	sdelay $0x4  }
0xfc: {  	[tilespmem:$0x1F3E0] =	vst v2;
	v2 =	vld [tilespmem:s11+$0x2E0];
	_ =	sdelay $0x4  }
0xfd: {  	[tilespmem:$0x1F3F0] =	vst v2;
	v2 =	vld [tilespmem:s11+$0x360];
	_ =	sdelay $0x4  }
0xfe: {  	[tilespmem:$0x1F400] =	vst v2;
	v2 =	vld [tilespmem:$0x1F940];
	_ =	sdelay $0x3  }
0xff: {  	v23 =	vnsel vm7, $0x0, v23;
	vm1 =	vmmov vm7  }
0x100: {  	vm7 =	vmmov vm4;
	v20 =	vnsel vm4, $0x0, v20;
	vm4 =	vnez.u8 v2;
	v2 =	vld [tilespmem:s11+$0x3E0];
	_ =	sdelay $0x4  }
0x101: {  	[tilespmem:$0x1F410] =	vst v2;
	v2 =	vld [tilespmem:s11+$0x250];
	_ =	sdelay $0x4  }
0x102: {  	[tilespmem:$0x1F460] =	vst v2;
	v2 =	vld [tilespmem:s11+$0x2D0];
	_ =	sdelay $0x4  }
0x103: {  	[tilespmem:$0x1F470] =	vst v2;
	v2 =	vld [tilespmem:s11+$0x350];
	_ =	sdelay $0x4  }
0x104: {  	[tilespmem:$0x1F480] =	vst v2;
	v2 =	vld [tilespmem:s11+$0x3D0];
	_ =	sdelay $0x4  }
0x105: {  	[tilespmem:$0x1F490] =	vst v2;
	v2 =	vld [tilespmem:s11+$0x240];
	_ =	sdelay $0x4  }
0x106: {  	[tilespmem:$0x1F440] =	vst v2;
	v2 =	vld [tilespmem:s11+$0x2C0];
	_ =	sdelay $0x4  }
0x107: {  	[tilespmem:$0x1F450] =	vst v2;
	v2 =	vld [tilespmem:s11+$0x340]  }
0x108: {  	v58 =	vmax.f32 v58, $0.0e+00  }
0x109: {  	v5 =	vnsel vm15, $0x0, v5;
	v58 =	vnsel vm4, $0x0, v58  }
0x10a: {  	v30 =	vnsel vm14, $0x0, v30;
	v5 =	vmax.f32 v58, v5  }
0x10b: {  	v24 =	vnsel vm13, $0x0, v24;
	v5 =	vmax.f32 v5, v30  }
0x10c: {  	v17 =	vnsel vm12, $0x0, v17;
	v5 =	vmax.f32 v5, v24;
	[tilespmem:$0x1F4E0] =	vst v2;
	v2 =	vld [tilespmem:$0x1FCF0]  }
0x10d: {  	v10 =	vnsel vm11, $0x0, v10;
	v5 =	vmax.f32 v5, v17  }
0x10e: {  	v9 =	vnsel vm10, $0x0, v9;
	v5 =	vmax.f32 v5, v10  }
0x10f: {  	v8 =	vnsel vm9, $0x0, v8;
	v5 =	vmax.f32 v5, v9  }
0x110: {  	v7 =	vnsel vm8, $0x0, v7;
	v5 =	vmax.f32 v5, v8  }
0x111: {  	v5 =	vmax.f32 v5, v7;
	v7 =	vnsel vm1, $0x0, v2;
	v2 =	vld [tilespmem:s11+$0x3C0];
	_ =	sdelay $0x4  }
0x112: {  	[tilespmem:$0x1F4F0] =	vst v2;
	v2 =	vld [tilespmem:$0x1FD20];
	_ =	sdelay $0x4  }
0x113: {  	v4 =	vnsel vm7, $0x0, v2;
	v2 =	vld [tilespmem:s11+$0x230];
	_ =	sdelay $0x3  }
0x114: {  	[tilespmem:$0x1F3D0] =	vst v0  }
0x115: {  	[tilespmem:$0x1F4A0] =	vst v2;
	v2 =	vld [tilespmem:$0x1F3D0];
	_ =	sdelay $0x4  }
0x116: {  	vm1 =	vnez.u8 v2;
	v2 =	vld [tilespmem:s11+$0x2B0];
	_ =	sdelay $0x4  }
0x117: {  	[tilespmem:$0x1F4B0] =	vst v2;
	v2 =	vld [tilespmem:s11+$0x330];
	_ =	sdelay $0x4  }
0x118: {  	[tilespmem:$0x1F4C0] =	vst v2;
	v2 =	vld [tilespmem:s11+$0x3B0];
	_ =	sdelay $0x3  }
0x119: {  	v0 =	vld [tilespmem:$0x1FF60]  }
0x11a: {  	[tilespmem:$0x1F4D0] =	vst v2;
	v2 =	vld [tilespmem:$0x1FC80]  }
0x11b: {  	v5 =	vmax.f32 v5, v7  }
0x11c: {  	v4 =	vmax.f32 v5, v4;
	v5 =	vnsel vm1, $0x0, v37  }
0x11d: {  	v4 =	vmax.f32 v4, v5;
	v5 =	vnsel vm3, $0x0, v42  }
0x11e: {  	vm2 =	vnez.u8 v0;
	v4 =	vmax.f32 v4, v5;
	v5 =	vnsel vm5, $0x0, v53  }
0x11f: {  	v4 =	vmax.f32 v4, v5;
	v5 =	vnsel vm2, $0x0, v2;
	v2 =	vld [tilespmem:s11+$0x220];
	_ =	sdelay $0x3  }
0x120: {  	v0 =	vld [tilespmem:$0x1FF10]  }
0x121: {  	[tilespmem:$0x1F510] =	vst v2;
	v2 =	vld [tilespmem:$0x1FC10];
	_ =	sdelay $0x3  }
0x122: {  	vm0 =	vnez.u8 v0  }
0x123: {  	v4 =	vmax.f32 v4, v5;
	v5 =	vnsel vm0, $0x0, v2;
	v2 =	vld [tilespmem:s11+$0x2A0];
	_ =	sdelay $0x2  }
0x124: {  	v0 =	vld [tilespmem:$0x1FC00];
	_ =	sdelay $0x1  }
0x125: {  	[tilespmem:$0x1F520] =	vst v2;
	v2 =	vld [tilespmem:s11+$0x320];
	_ =	sdelay $0x2  }
0x126: {  	v6 =	vnsel vm0, $0x0, v0;
	v0 =	vld [tilespmem:$0x1FF20]  }
0x127: {  	v3 =	vld [tilespmem:$0x1FED0]  }
0x128: {  	[tilespmem:$0x1F530] =	vst v2;
	v2 =	vld [tilespmem:$0x1FBF0]  }
0x129: {  	v57 =	vmax.f32 v57, $0.0e+00  }
0x12a: {  	v38 =	vnsel vm14, $0x0, v38;
	v34 =	vnsel vm15, $0x0, v34;
	v57 =	vnsel vm4, $0x0, v57  }
0x12b: {  	v33 =	vnsel vm13, $0x0, v33;
	vm6 =	vnez.u8 v0;
	v34 =	vmax.f32 v57, v34  }
0x12c: {  	vm0 =	vnez.u8 v3;
	v4 =	vmax.f32 v4, v5;
	v5 =	vnsel vm6, $0x0, v48  }
0x12d: {  	v34 =	vmax.f32 v34, v38;
	v4 =	vmax.f32 v4, v5;
	v5 =	vnsel vm0, $0x0, v2  }
0x12e: {  	v29 =	vnsel vm12, $0x0, v29;
	v30 =	vmax.f32 v34, v33;
	v2 =	vmax.f32 v4, v5;
	v4 =	vld [tilespmem:$0x1FEE0]  }
0x12f: {  	v31 =	vnsel vm11, $0x0, v31;
	v24 =	vmax.f32 v30, v29;
	v3 =	vld [tilespmem:$0x1FB50]  }
0x130: {  	v28 =	vnsel vm10, $0x0, v28;
	v17 =	vmax.f32 v24, v31  }
0x131: {  	v11 =	vnsel vm9, $0x0, v11;
	v10 =	vmax.f32 v17, v28  }
0x132: {  	v26 =	vnsel vm8, $0x0, v26;
	v9 =	vmax.f32 v10, v11  }
0x133: {  	v8 =	vmax.f32 v9, v26;
	vm0 =	vnez.u8 v4  }
0x134: {  	v8 =	vmax.f32 v8, v23;
	v4 =	vnsel vm0, $0x0, v3;
	v3 =	vld [tilespmem:$0x1FEF0]  }
0x135: {  	v0 =	vld [tilespmem:$0x1FBA0];
	v7 =	vmax.f32 v8, v20  }
0x136: {  	v25 =	vnsel vm3, $0x0, v25;
	v7 =	vmax.f32 v7, v22  }
0x137: {  	v16 =	vnsel vm5, $0x0, v50;
	v7 =	vmax.f32 v7, v25  }
0x138: {  	v18 =	vnsel vm2, $0x0, v18;
	v7 =	vmax.f32 v7, v16  }
0x139: {  	v7 =	vmax.f32 v7, v18;
	vm0 =	vnez.u8 v3;
	v3 =	vld [tilespmem:s11+$0x290]  }
0x13a: {  	v0 =	vnsel vm6, $0x0, v0;
	v6 =	vmax.f32 v7, v6  }
0x13b: {  	v0 =	vmax.f32 v6, v0  }
0x13c: {  	v0 =	vmax.f32 v0, v39  }
0x13d: {  	v0 =	vmax.f32 v0, v1;
	v1 =	vmax.f32 v2, v4;
	v2 =	vld [tilespmem:$0x1FB80]  }
0x13e: {  	[tilespmem:$0x1F500] =	vst v3;
	v3 =	vld [tilespmem:$0x1FEA0];
	_ =	sdelay $0x4  }
0x13f: {  	v2 =	vnsel vm0, $0x0, v2;
	vm0 =	vnez.u8 v3;
	v3 =	vld [tilespmem:s11+$0x310];
	_ =	sdelay $0x2  }
0x140: {  	v1 =	vmax.f32 v1, v2;
	v2 =	vld [tilespmem:$0x1FB20];
	_ =	sdelay $0x1  }
0x141: {  	[tilespmem:$0x1F580] =	vst v3;
	v3 =	vld [tilespmem:$0x1FEB0];
	_ =	sdelay $0x2  }
0x142: {  	v2 =	vnsel vm0, $0x0, v2  }
0x143: {  	v1 =	vmax.f32 v1, v2;
	v2 =	vld [tilespmem:$0x1FA90]  }
0x144: {  	vm0 =	vnez.u8 v3;
	v3 =	vld [tilespmem:s11+$0x390];
	_ =	sdelay $0x4  }
0x145: {  	v2 =	vnsel vm0, $0x0, v2;
	[tilespmem:$0x1F590] =	vst v3;
	v3 =	vld [tilespmem:$0x1FEC0]  }
0x146: {  	v1 =	vmax.f32 v1, v2;
	v2 =	vld [tilespmem:$0x1FAC0];
	_ =	sdelay $0x3  }
0x147: {  	vm0 =	vnez.u8 v3  }
0x148: {  	v2 =	vnsel vm0, $0x0, v2  }
0x149: {  	v1 =	vmax.f32 v1, v2;
	v2 =	vld [tilespmem:$0x1FE70];
	_ =	sdelay $0x4  }
0x14a: {  	vm0 =	vnez.u8 v2;
	v2 =	vld [tilespmem:$0x1FA60];
	_ =	sdelay $0x4  }
0x14b: {  	v2 =	vnsel vm0, $0x0, v2  }
0x14c: {  	v1 =	vmax.f32 v1, v2;
	v2 =	vld [tilespmem:$0x1FE80];
	_ =	sdelay $0x4  }
0x14d: {  	vm0 =	vnez.u8 v2;
	v2 =	vld [tilespmem:$0x1F9D0];
	_ =	sdelay $0x4  }
0x14e: {  	v2 =	vnsel vm0, $0x0, v2  }
0x14f: {  	v1 =	vmax.f32 v1, v2;
	v2 =	vld [tilespmem:$0x1FE90];
	_ =	sdelay $0x4  }
0x150: {  	vm3 =	vnez.u8 v2;
	v2 =	vld [tilespmem:$0x1FA00];
	_ =	sdelay $0x4  }
0x151: {  	v2 =	vnsel vm3, $0x0, v2  }
0x152: {  	v1 =	vmax.f32 v1, v2;
	v2 =	vld [tilespmem:$0x1FE20];
	_ =	sdelay $0x4  }
0x153: {  	vm0 =	vnez.u8 v2  }
0x154: {  	v2 =	vnsel vm0, $0x0, v63  }
0x155: {  	v1 =	vmax.f32 v1, v2;
	v2 =	vld [tilespmem:$0x1FE30];
	_ =	sdelay $0x4  }
0x156: {  	vm0 =	vnez.u8 v2  }
0x157: {  	v2 =	vnsel vm0, $0x0, v61  }
0x158: {  	v1 =	vmax.f32 v1, v2;
	v2 =	vld [tilespmem:$0x1FE50];
	_ =	sdelay $0x4  }
0x159: {  	vm0 =	vnez.u8 v2  }
0x15a: {  	v2 =	vnsel vm0, $0x0, v60  }
0x15b: {  	v1 =	vmax.f32 v1, v2;
	v2 =	vld [tilespmem:$0x1FDD0];
	_ =	sdelay $0x4  }
0x15c: {  	vm0 =	vnez.u8 v2  }
0x15d: {  	v2 =	vnsel vm0, $0x0, v59  }
0x15e: {  	v1 =	vmax.f32 v1, v2;
	v2 =	vld [tilespmem:$0x1FDE0];
	_ =	sdelay $0x1  }
0x15f: {  	v0 =	vmax.f32 v0, v21  }
0x160: {  	v0 =	vmax.f32 v0, v14  }
0x161: {  	v0 =	vmax.f32 v0, v12  }
0x162: {  	v0 =	vmax.f32 v0, v43;
	vm0 =	vnez.u8 v2  }
0x163: {  	v0 =	vmax.f32 v0, v62;
	v2 =	vnsel vm0, $0x0, v56  }
0x164: {  	v0 =	vmax.f32 v0, v27;
	v1 =	vmax.f32 v1, v2;
	v2 =	vld [tilespmem:$0x1FE00]  }
0x165: {  	v0 =	vmax.f32 v0, v45  }
0x166: {  	v0 =	vmax.f32 v0, v19  }
0x167: {  	v0 =	vmax.f32 v0, v47  }
0x168: {  	v0 =	vmax.f32 v0, v44  }
0x169: {  	v0 =	vmax.f32 v0, v32;
	vm0 =	vnez.u8 v2  }
0x16a: {  	v0 =	vmax.f32 v0, v35;
	v2 =	vnsel vm0, $0x0, v55  }
0x16b: {  	v0 =	vmax.f32 v0, v52;
	v1 =	vmax.f32 v1, v2  }
0x16c: {  	v0 =	vmax.f32 v0, v1;
	v1 =	vld [tilespmem:s11+$0x1E0];
	_ =	sdelay $0x4  }
0x16d: {  	[tilespmem:$0x1F640] =	vst v1;
	v1 =	vperm.xlane v0, v36;
	_ =	sdelay $0x1  }
0x16e: {  	v0 =	vmax.f32 v0, v1;
	v1 =	vld [tilespmem:s11+$0x150];
	_ =	sdelay $0x4  }
0x16f: {  	[tilespmem:$0x1F620] =	vst v1;
	v1 =	vperm.xlane v0, v49;
	_ =	sdelay $0x1  }
0x170: {  	v0 =	vmax.f32 v0, v1;
	v1 =	vld [tilespmem:s11+$0xC0];
	_ =	sdelay $0x4  }
0x171: {  	[tilespmem:$0x1F680] =	vst v1;
	v1 =	vperm.xlane v0, v51;
	_ =	sdelay $0x1  }
0x172: {  	v0 =	vmax.f32 v0, v1;
	v1 =	vld [tilespmem:s11+$0x30];
	_ =	sdelay $0x4  }
0x173: {  	[tilespmem:$0x1F650] =	vst v1;
	v1 =	vperm.xlane v0, v54;
	_ =	sdelay $0x1  }
0x174: {  	v0 =	vmax.f32 v0, v1  }
0x175: {  	vm1 =	vgt.f32 v0, $5.000000000e-01;
	v0 =	vld [tilespmem:s11+$0x20];
	_ =	sdelay $0x4  }
0x176: {  	[tilespmem:$0x1F6B0] =	vst v0;
	v0 =	vld [tilespmem:s11+$0xA0];
	_ =	sdelay $0x4  }
0x177: {  	[tilespmem:$0x1F6C0] =	vst v0;
	v0 =	vld [tilespmem:s11+$0x120];
	_ =	sdelay $0x4  }
0x178: {  	[tilespmem:$0x1F6D0] =	vst v0;
	v0 =	vld [tilespmem:s11+$0x1A0];
	_ =	sdelay $0x4  }
0x179: {  	[tilespmem:$0x1F6E0] =	vst v0;
	v0 =	vld [tilespmem:s11+$0x10];
	_ =	sdelay $0x4  }
0x17a: {  	[tilespmem:$0x1F730] =	vst v0;
	v0 =	vld [tilespmem:s11+$0x90];
	_ =	sdelay $0x4  }
0x17b: {  	[tilespmem:$0x1F740] =	vst v0;
	v0 =	vld [tilespmem:s11+$0x110];
	_ =	sdelay $0x4  }
0x17c: {  	[tilespmem:$0x1F750] =	vst v0;
	v0 =	vld [tilespmem:s11+$0x190];
	_ =	sdelay $0x4  }
0x17d: {  	[tilespmem:$0x1F760] =	vst v0;
	v0 =	vld [tilespmem:s11+$0x0];
	_ =	sdelay $0x4  }
0x17e: {  	[tilespmem:$0x1F710] =	vst v0;
	v0 =	vld [tilespmem:s11+$0x80];
	_ =	sdelay $0x4  }
0x17f: {  	[tilespmem:$0x1F720] =	vst v0;
	v0 =	vld [tilespmem:s11+$0x100];
	_ =	sdelay $0x4  }
0x180: {  	[tilespmem:$0x1F7A0] =	vst v0;
	v0 =	vld [tilespmem:s11+$0x180];
	_ =	sdelay $0x4  }
0x181: {  	[tilespmem:$0x1F7B0] =	vst v0;
	v0 =	vld [tilespmem:s11+$0xFFFFFE70];
	_ =	sdelay $0x4  }
0x182: {  	[tilespmem:$0x1F770] =	vst v0;
	v0 =	vld [tilespmem:s11+$0xFFFFFF70];
	_ =	sdelay $0x4  }
0x183: {  	[tilespmem:$0x1F780] =	vst v0;
	v0 =	vld [tilespmem:s11+$0xFFFFFFF0];
	_ =	sdelay $0x4  }
0x184: {  	[tilespmem:$0x1F790] =	vst v0;
	v0 =	vld [tilespmem:s11+$0xFFFFFE60];
	_ =	sdelay $0x4  }
0x185: {  	[tilespmem:$0x1F7C0] =	vst v0;
	v0 =	vld [tilespmem:s11+$0xFFFFFEE0];
	_ =	sdelay $0x4  }
0x186: {  	[tilespmem:$0x1F7D0] =	vst v0;
	v0 =	vld [tilespmem:s11+$0xFFFFFF60];
	_ =	sdelay $0x4  }
0x187: {  	[tilespmem:$0x1F7E0] =	vst v0;
	v0 =	vld [tilespmem:s11+$0xFFFFFFE0];
	_ =	sdelay $0x4  }
0x188: {  	[tilespmem:$0x1F7F0] =	vst v0;
	v0 =	vld [tilespmem:s11+$0xFFFFFF50];
	_ =	sdelay $0x4  }
0x189: {  	[tilespmem:$0x1F830] =	vst v0;
	v0 =	vld [tilespmem:s11+$0xFFFFFFD0];
	_ =	sdelay $0x4  }
0x18a: {  	[tilespmem:$0x1F840] =	vst v0;
	v0 =	vld [tilespmem:s11+$0xFFFFFE40];
	_ =	sdelay $0x4  }
0x18b: {  	[tilespmem:$0x1F800] =	vst v0;
	v0 =	vld [tilespmem:s11+$0xFFFFFF40];
	_ =	sdelay $0x4  }
0x18c: {  	[tilespmem:$0x1F810] =	vst v0;
	v0 =	vld [tilespmem:s11+$0xFFFFFFC0]  }
0x18d: {  	v2 =	vld [tilespmem:s11+$0x50];
	_ =	sdelay $0x2  }
0x18e: {  	v3 =	vld [tilespmem:s11+$0x200]  }
0x18f: {  	[tilespmem:$0x1F820] =	vst v0;
	v0 =	vld [tilespmem:s11+$0xFFFFFE30]  }
0x190: {  	[tilespmem:$0x1F600] =	vst v2;
	v2 =	vld [tilespmem:s11+$0xD0];
	_ =	sdelay $0x2  }
0x191: {  	[tilespmem:$0x1F540] =	vst v3;
	v3 =	vld [tilespmem:s11+$0x280]  }
0x192: {  	[tilespmem:$0x1F850] =	vst v0;
	v0 =	vld [tilespmem:s11+$0xFFFFFEB0]  }
0x193: {  	[tilespmem:$0x1F610] =	vst v2;
	v2 =	vld [tilespmem:s11+$0x1D0];
	_ =	sdelay $0x2  }
0x194: {  	[tilespmem:$0x1F550] =	vst v3;
	v3 =	vld [tilespmem:s11+$0x300]  }
0x195: {  	[tilespmem:$0x1F860] =	vst v0;
	v0 =	vld [tilespmem:s11+$0xFFFFFF30]  }
0x196: {  	[tilespmem:$0x1F630] =	vst v2;
	v2 =	vld [tilespmem:s11+$0x40];
	_ =	sdelay $0x2  }
0x197: {  	[tilespmem:$0x1F560] =	vst v3;
	v3 =	vld [tilespmem:s11+$0x380]  }
0x198: {  	[tilespmem:$0x1F870] =	vst v0;
	v0 =	vld [tilespmem:s11+$0xFFFFFFB0]  }
0x199: {  	[tilespmem:$0x1F670] =	vst v2;
	v2 =	vld [tilespmem:s11+$0x140];
	_ =	sdelay $0x2  }
0x19a: {  	[tilespmem:$0x1F570] =	vst v3;
	v3 =	vld [tilespmem:s11+$0x70]  }
0x19b: {  	[tilespmem:$0x1F880] =	vst v0;
	v0 =	vld [tilespmem:s11+$0xFFFFFF20]  }
0x19c: {  	[tilespmem:$0x1F690] =	vst v2;
	v2 =	vld [tilespmem:s11+$0x1C0];
	_ =	sdelay $0x2  }
0x19d: {  	[tilespmem:$0x1F5C0] =	vst v3;
	v3 =	vld [tilespmem:s11+$0xF0]  }
0x19e: {  	[tilespmem:$0x1F8C0] =	vst v0;
	v0 =	vld [tilespmem:s11+$0xFFFFFFA0]  }
0x19f: {  	[tilespmem:$0x1F6A0] =	vst v2;
	v2 =	vld [tilespmem:s11+$0xB0];
	_ =	sdelay $0x2  }
0x1a0: {  	[tilespmem:$0x1F5D0] =	vst v3;
	v3 =	vld [tilespmem:s11+$0x170]  }
0x1a1: {  	[tilespmem:$0x1F8D0] =	vst v0;
	v0 =	vld [tilespmem:s11+$0xFFFFFE10]  }
0x1a2: {  	[tilespmem:$0x1F660] =	vst v2;
	v2 =	vld [tilespmem:s11+$0x130];
	_ =	sdelay $0x2  }
0x1a3: {  	[tilespmem:$0x1F5E0] =	vst v3;
	v3 =	vld [tilespmem:s11+$0x1F0]  }
0x1a4: {  	[tilespmem:$0x1F890] =	vst v0;
	v0 =	vld [tilespmem:s11+$0xFFFFFE90]  }
0x1a5: {  	[tilespmem:$0x1F6F0] =	vst v2;
	v2 =	vld [tilespmem:s11+$0x1B0];
	_ =	sdelay $0x2  }
0x1a6: {  	[tilespmem:$0x1F5F0] =	vst v3;
	v3 =	vld [tilespmem:s11+$0x60]  }
0x1a7: {  	[tilespmem:$0x1F8A0] =	vst v0;
	v0 =	vld [tilespmem:s11+$0xFFFFFF10]  }
0x1a8: {  	v1 =	vmov s10;
	[tilespmem:$0x1F700] =	vst v2;
	v2 =	vlaneseq.u32  }
0x1a9: {  	vm0 =	veq.s32 v1, v2  }
0x1aa: {  	s13 =	sadd.s32 s12, s3;
	vm0 =	vmand vm0, vm1  }
0x1ab: {  	s14 =	sadd.s32 $0xFFFFFE10, s13;
	[tilespmem:$0x1F5A0] =	vst v3;
	v3 =	vld [tilespmem:s11+$0xE0];
	v1 =	vmov s13;
	v40 =	vsel vm0, $0x3F800000, v40  }
0x1ac: {  	vm0 =	vgt.u32 v1, v2;
	v1 =	vimm.s32 $0x0;
	[tilespmem:$0x1F8B0] =	vst v0;
	v0 =	vmov s14  }
0x1ad: {  	s19 =	sadd.s32 $0xFFFFFE50, s13;
	v1 =	vsel vm0, $0xFFFFFFFF, v1;
	vm0 =	vgt.s32 v0, v2;
	v0 =	vimm.s32 $0x0  }
0x1ae: {  	v63 =	vmov s19;
	v0 =	vsel vm0, $0xFFFFFFFF, v0  }
0x1af: {  	s15 =	sadd.s32 $0xFFFFFE40, s13;
	vm0 =	vgt.s32 v63, v2;
	[tilespmem:$0x1FE00] =	vst v0;
	v0 =	vimm.s32 $0x0  }
0x1b0: {  	[tilespmem:$0x1F5B0] =	vst v3;
	v3 =	vmov s15;
	v0 =	vsel vm0, $0xFFFFFFFF, v0  }
0x1b1: {  	s20 =	sadd.s32 $0xFFFFFE90, s13;
	s21 =	sadd.s32 $0xFFFFFE80, s13;
	vm0 =	vgt.s32 v3, v2;
	[tilespmem:$0x1FE30] =	vst v0;
	v0 =	vimm.s32 $0x0  }
0x1b2: {  	s23 =	sadd.s32 $0xFFFFFEC0, s13;
	v13 =	vmov s20;
	v14 =	vmov s21;
	v0 =	vsel vm0, $0xFFFFFFFF, v0  }
0x1b3: {  	s31 =	sadd.s32 $0xFFFFFE70, s13;
	s18 =	sadd.s32 $0xFFFFFE60, s13;
	v21 =	vmov s23;
	vm0 =	vgt.s32 v14, v2;
	[tilespmem:$0x1FE50] =	vst v0;
	v0 =	vimm.s32 $0x0  }
0x1b4: {  	s17 =	sadd.s32 $0xFFFFFE20, s13;
	v62 =	vmov s18;
	v61 =	vmov s31;
	v0 =	vsel vm0, $0xFFFFFFFF, v0  }
0x1b5: {  	s24 =	sadd.s32 $0xFFFFFEB0, s13;
	v60 =	vmov s17;
	s17 =	sadd.s32 $0xFFFFFEA0, s13;
	vm0 =	vgt.s32 v61, v2;
	[tilespmem:$0x1FE80] =	vst v0;
	v0 =	vimm.s32 $0x0  }
0x1b6: {  	v27 =	vmov s24;
	s24 =	sadd.s32 $0xFFFFFF80, s13;
	v12 =	vmov s17;
	v0 =	vsel vm0, $0xFFFFFFFF, v0  }
0x1b7: {  	s22 =	sadd.s32 $0xFFFFFED0, s13;
	s20 =	sadd.s32 $0xFFFFFF60, s13;
	v45 =	vmov s24;
	vm0 =	vgt.s32 v12, v2;
	[tilespmem:$0x1FE90] =	vst v0;
	v0 =	vimm.s32 $0x0  }
0x1b8: {  	v19 =	vmov s22;
	s22 =	sadd.s32 $0xFFFFFF40, s13;
	v47 =	vmov s20;
	v0 =	vsel vm0, $0xFFFFFFFF, v0  }
0x1b9: {  	s25 =	sadd.s32 $0xFFFFFF00, s13;
	s28 =	sadd.s32 $0xFFFFFEE0, s13;
	v46 =	vmov s22;
	vm0 =	vgt.s32 v13, v2;
	[tilespmem:$0x1FEC0] =	vst v0;
	v0 =	vimm.s32 $0x0  }
0x1ba: {  	s26 =	sadd.s32 $0xFFFFFEF0, s13;
	v32 =	vmov s25;
	v36 =	vmov s28;
	v0 =	vsel vm0, $0xFFFFFFFF, v0  }
0x1bb: {  	s29 =	sadd.s32 $0xFFFFFF30, s13;
	s25 =	sadd.s32 $0xFFFFFF70, s13;
	v35 =	vmov s26;
	vm4 =	vgt.s32 v36, v2;
	[tilespmem:$0x1FE70] =	vst v0;
	v0 =	vimm.s32 $0x0  }
0x1bc: {  	v37 =	vmov s29;
	s29 =	sadd.s32 $0xFFFFFFA0, s13;
	v50 =	vmov s25;
	v0 =	vsel vm4, $0xFFFFFFFF, v0  }
0x1bd: {  	s21 =	sadd.s32 $0xFFFFFF50, s13;
	v52 =	vmov s29;
	s31 =	sadd.s32 $0xFFFFFF10, s13;
	vm4 =	vgt.s32 v19, v2;
	[tilespmem:$0x1FEE0] =	vst v0;
	v0 =	vimm.s32 $0x0  }
0x1be: {  	v48 =	vmov s21;
	v44 =	vmov s31;
	s31 =	sadd.s32 $0xFFFFFFD0, s13;
	v0 =	vsel vm4, $0xFFFFFFFF, v0  }
0x1bf: {  	s16 =	sadd.s32 $0xFFFFFE30, s13;
	v43 =	vmov s31;
	s28 =	sadd.s32 $0xFFFFFFB0, s13;
	vm4 =	vgt.s32 v21, v2;
	[tilespmem:$0x1FEF0] =	vst v0;
	v0 =	vimm.s32 $0x0  }
0x1c0: {  	s23 =	sadd.s32 $0xFFFFFF90, s13;
	v59 =	vmov s16;
	v42 =	vmov s28;
	v0 =	vsel vm4, $0xFFFFFFFF, v0  }
0x1c1: {  	s26 =	sadd.s32 $0xFFFFFFC0, s13;
	v49 =	vmov s23;
	vm5 =	vgt.s32 v44, v2;
	[tilespmem:$0x1FEA0] =	vst v0;
	v0 =	vimm.s32 $0x0  }
0x1c2: {  	v51 =	vmov s26;
	vm2 =	vgt.s32 v59, v2;
	v0 =	vsel vm5, $0xFFFFFFFF, v0  }
0x1c3: {  	vm6 =	vgt.s32 v62, v2;
	vm5 =	vgt.s32 v32, v2;
	[tilespmem:$0x1FF10] =	vst v0;
	v0 =	vimm.s32 $0x0  }
0x1c4: {  	vm3 =	vgt.s32 v27, v2;
	vm7 =	vgt.s32 v50, v2;
	v0 =	vsel vm5, $0xFFFFFFFF, v0  }
0x1c5: {  	vm10 =	vgt.s32 v52, v2;
	vm4 =	vgt.s32 v35, v2;
	[tilespmem:$0x1FF20] =	vst v0;
	v0 =	vimm.s32 $0x0  }
0x1c6: {  	vm9 =	vgt.s32 v49, v2;
	vm8 =	vgt.s32 v45, v2;
	v0 =	vsel vm4, $0xFFFFFFFF, v0  }
0x1c7: {  	v15 =	vld [tilespmem:s11+$0x270];
	vm13 =	vgt.s32 v43, v2;
	vm4 =	vgt.s32 v46, v2;
	[tilespmem:$0x1FED0] =	vst v0;
	v0 =	vimm.s32 $0x0  }
0x1c8: {  	v41 =	vld [tilespmem:s11+$0x2F0];
	s30 =	sadd.s32 $0xFFFFFF20, s13;
	vm12 =	vgt.s32 v51, v2;
	vm11 =	vgt.s32 v42, v2;
	[tilespmem:$0x1F920] =	vst v40;
	v0 =	vsel vm4, $0xFFFFFFFF, v0  }
0x1c9: {  	v40 =	vmov s30;
	s30 =	sadd.s32 $0xFFFFFFE0, s13;
	vm5 =	vgt.s32 v37, v2;
	[tilespmem:$0x1FF30] =	vst v0;
	v0 =	vimm.s32 $0x0  }
0x1ca: {  	vm1 =	vgt.s32 v60, v2;
	s13 =	sadd.s32 $0xFFFFFFF0, s13;
	[tilespmem:$0x1F940] =	vst v1;
	v1 =	vmov s30;
	v0 =	vsel vm5, $0xFFFFFFFF, v0  }
0x1cb: {  	v53 =	vmov s13;
	vm5 =	vgt.s32 v40, v2;
	[tilespmem:$0x1FF50] =	vst v0;
	v0 =	vimm.s32 $0x0  }
0x1cc: {  	vm15 =	vgt.s32 v53, v2;
	vm14 =	vgt.s32 v1, v2;
	v0 =	vsel vm5, $0xFFFFFFFF, v0  }
0x1cd: {  	vm4 =	vgt.s32 v47, v2;
	vm5 =	vgt.s32 v48, v2;
	v2 =	vld [tilespmem:$0x1F3F0];
	[tilespmem:$0x1FF60] =	vst v0;
	v0 =	vmax.f32 v15, v41  }
0x1ce: {  	[tilespmem:$0x1F900] =	vst v0;
	v0 =	vld [tilespmem:$0x1F3E0];
	_ =	sdelay $0x3  }
0x1cf: {  	v4 =	vld [tilespmem:s11+$0xFFFFFE00]  }
0x1d0: {  	v0 =	vmax.f32 v0, v2;
	v2 =	vld [tilespmem:$0x1F410]  }
0x1d1: {  	[tilespmem:$0x1F8F0] =	vst v0;
	v0 =	vld [tilespmem:$0x1F400];
	_ =	sdelay $0x4  }
0x1d2: {  	[tilespmem:$0x1F8E0] =	vst v4;
	v4 =	vmax.f32 v0, v2;
	v0 =	vld [tilespmem:$0x1F420]  }
0x1d3: {  	v2 =	vld [tilespmem:$0x1F430];
	_ =	sdelay $0x3  }
0x1d4: {  	v3 =	vld [tilespmem:$0x1F450]  }
0x1d5: {  	v2 =	vmax.f32 v0, v2;
	v0 =	vld [tilespmem:$0x1F440];
	_ =	sdelay $0x4  }
0x1d6: {  	v0 =	vmax.f32 v0, v3;
	v3 =	vld [tilespmem:$0x1F470]  }
0x1d7: {  	[tilespmem:$0x1F910] =	vst v0;
	v0 =	vld [tilespmem:$0x1F460];
	_ =	sdelay $0x4  }
0x1d8: {  	v62 =	vmax.f32 v0, v3;
	v0 =	vld [tilespmem:$0x1F480]  }
0x1d9: {  	v3 =	vld [tilespmem:$0x1F490];
	_ =	sdelay $0x4  }
0x1da: {  	v32 =	vmax.f32 v0, v3;
	v0 =	vld [tilespmem:$0x1F4A0]  }
0x1db: {  	v3 =	vld [tilespmem:$0x1F4B0];
	_ =	sdelay $0x4  }
0x1dc: {  	v12 =	vmax.f32 v0, v3;
	v0 =	vld [tilespmem:$0x1F4C0]  }
0x1dd: {  	v3 =	vld [tilespmem:$0x1F4D0];
	_ =	sdelay $0x4  }
0x1de: {  	v41 =	vmax.f32 v0, v3;
	v0 =	vld [tilespmem:$0x1F4E0]  }
0x1df: {  	v3 =	vld [tilespmem:$0x1F4F0];
	_ =	sdelay $0x4  }
0x1e0: {  	v16 =	vld [tilespmem:s11+$0x210];
	v0 =	vmax.f32 v0, v3  }
0x1e1: {  	[tilespmem:$0x1F930] =	vst v0;
	v0 =	vld [tilespmem:$0x1F500];
	_ =	sdelay $0x3  }
0x1e2: {  	v3 =	vld [tilespmem:$0x1F520]  }
0x1e3: {  	v14 =	vmax.f32 v16, v0;
	v0 =	vld [tilespmem:$0x1F510];
	_ =	sdelay $0x3  }
0x1e4: {  	v6 =	vld [tilespmem:s11+$0x3A0]  }
0x1e5: {  	v19 =	vmax.f32 v0, v3;
	v0 =	vld [tilespmem:$0x1F530];
	_ =	sdelay $0x3  }
0x1e6: {  	v3 =	vld [tilespmem:$0x1F550]  }
0x1e7: {  	v63 =	vmax.f32 v0, v6;
	v0 =	vld [tilespmem:$0x1F540];
	_ =	sdelay $0x4  }
0x1e8: {  	v27 =	vmax.f32 v0, v3;
	v0 =	vld [tilespmem:$0x1F560]  }
0x1e9: {  	v3 =	vld [tilespmem:$0x1F570];
	_ =	sdelay $0x4  }
0x1ea: {  	v0 =	vmax.f32 v0, v3;
	v3 =	vld [tilespmem:$0x1F590]  }
0x1eb: {  	[tilespmem:$0x1F9D0] =	vst v0;
	v0 =	vld [tilespmem:$0x1F580];
	_ =	sdelay $0x4  }
0x1ec: {  	v0 =	vmax.f32 v0, v3;
	v3 =	vld [tilespmem:$0x1F5B0]  }
0x1ed: {  	[tilespmem:$0x1FA00] =	vst v0;
	v0 =	vld [tilespmem:$0x1F5A0];
	_ =	sdelay $0x4  }
0x1ee: {  	v40 =	vmax.f32 v0, v3;
	v0 =	vld [tilespmem:$0x1F5C0]  }
0x1ef: {  	v3 =	vld [tilespmem:$0x1F5D0];
	_ =	sdelay $0x4  }
0x1f0: {  	v16 =	vmax.f32 v0, v3;
	v0 =	vld [tilespmem:$0x1F5E0]  }
0x1f1: {  	v3 =	vld [tilespmem:$0x1F5F0];
	_ =	sdelay $0x4  }
0x1f2: {  	v0 =	vmax.f32 v0, v3;
	v3 =	vld [tilespmem:$0x1F610]  }
0x1f3: {  	[tilespmem:$0x1FA60] =	vst v0;
	v0 =	vld [tilespmem:$0x1F600];
	_ =	sdelay $0x4  }
0x1f4: {  	v51 =	vmax.f32 v0, v3;
	v0 =	vld [tilespmem:$0x1F620]  }
0x1f5: {  	v3 =	vld [tilespmem:$0x1F630];
	_ =	sdelay $0x4  }
0x1f6: {  	v55 =	vld [tilespmem:s11+$0x160];
	v0 =	vmax.f32 v0, v3  }
0x1f7: {  	[tilespmem:$0x1FA90] =	vst v0;
	v0 =	vld [tilespmem:$0x1F640];
	_ =	sdelay $0x4  }
0x1f8: {  	v3 =	vld [tilespmem:$0x1F660];
	v0 =	vmax.f32 v55, v0  }
0x1f9: {  	[tilespmem:$0x1FAC0] =	vst v0;
	v0 =	vld [tilespmem:$0x1F650];
	_ =	sdelay $0x4  }
0x1fa: {  	v46 =	vmax.f32 v0, v3;
	v0 =	vld [tilespmem:$0x1F670]  }
0x1fb: {  	v3 =	vld [tilespmem:$0x1F680];
	_ =	sdelay $0x3  }
0x1fc: {  	v6 =	vld [tilespmem:$0x1F6A0]  }
0x1fd: {  	v0 =	vmax.f32 v0, v3;
	v3 =	vld [tilespmem:$0x1F690];
	_ =	sdelay $0x4  }
0x1fe: {  	v42 =	vld [tilespmem:$0x1F6C0];
	v3 =	vmax.f32 v3, v6  }
0x1ff: {  	[tilespmem:$0x1FB20] =	vst v3;
	v3 =	vld [tilespmem:$0x1F6B0];
	_ =	sdelay $0x3  }
0x200: {  	v48 =	vld [tilespmem:$0x1F6E0]  }
0x201: {  	v60 =	vmax.f32 v3, v42;
	v3 =	vld [tilespmem:$0x1F6D0];
	_ =	sdelay $0x4  }
0x202: {  	v50 =	vld [tilespmem:$0x1F700];
	v3 =	vmax.f32 v3, v48  }
0x203: {  	[tilespmem:$0x1FB50] =	vst v3;
	v3 =	vld [tilespmem:$0x1F6F0];
	_ =	sdelay $0x4  }
0x204: {  	v53 =	vld [tilespmem:$0x1F720];
	v3 =	vmax.f32 v3, v50  }
0x205: {  	[tilespmem:$0x1FB80] =	vst v3;
	v3 =	vld [tilespmem:$0x1F710]  }
0x206: {  	v38 =	vld [tilespmem:s11+$0xFFFFFDF0]  }
0x207: {  	v39 =	vld [tilespmem:s11+$0xFFFFFEF0]  }
0x208: {  	v58 =	vld [tilespmem:$0x1F740]  }
0x209: {  	v59 =	vld [tilespmem:$0x1F750]  }
0x20a: {  	v61 =	vld [tilespmem:$0x1F760];
	v3 =	vmax.f32 v3, v53  }
0x20b: {  	[tilespmem:$0x1FBA0] =	vst v3;
	v3 =	vld [tilespmem:$0x1F730]  }
0x20c: {  	v42 =	vld [tilespmem:$0x1F770]  }
0x20d: {  	v48 =	vld [tilespmem:$0x1F780]  }
0x20e: {  	v50 =	vld [tilespmem:$0x1F790]  }
0x20f: {  	v53 =	vld [tilespmem:$0x1F7A0]  }
0x210: {  	v3 =	vmax.f32 v3, v58;
	v58 =	vld [tilespmem:$0x1F7B0]  }
0x211: {  	v33 =	vld [tilespmem:s11+$0xFFFFFCF0]  }
0x212: {  	v34 =	vld [tilespmem:s11+$0xFFFFFD70]  }
0x213: {  	v29 =	vld [tilespmem:s11+$0xFFFFFF00];
	v36 =	vmax.f32 v59, v61  }
0x214: {  	[tilespmem:$0x1FBF0] =	vst v36;
	v36 =	vmax.f32 v42, v39;
	v42 =	vld [tilespmem:$0x1F7E0]  }
0x215: {  	[tilespmem:$0x1FC00] =	vst v36;
	v36 =	vmax.f32 v48, v50;
	v48 =	vmax.f32 v53, v58;
	v53 =	vld [tilespmem:$0x1F7F0]  }
0x216: {  	v30 =	vld [tilespmem:s11+$0xFFFFFC50]  }
0x217: {  	v20 =	vld [tilespmem:s11+$0xFFFFFE20]  }
0x218: {  	v22 =	vld [tilespmem:s11+$0xFFFFFEA0]  }
0x219: {  	v58 =	vld [tilespmem:$0x1F810]  }
0x21a: {  	[tilespmem:$0x1FC10] =	vst v36;
	v36 =	vmax.f32 v42, v53;
	v42 =	vld [tilespmem:$0x1F820]  }
0x21b: {  	v17 =	vld [tilespmem:s11+$0xFFFFFD50]  }
0x21c: {  	v11 =	vld [tilespmem:s11+$0xFFFFFF90]  }
0x21d: {  	v10 =	vld [tilespmem:s11+$0xFFFFFDD0]  }
0x21e: {  	v20 =	vmax.f32 v20, v22;
	v22 =	vld [tilespmem:$0x1F850]  }
0x21f: {  	v42 =	vmax.f32 v58, v42;
	v58 =	vld [tilespmem:$0x1F860]  }
0x220: {  	v9 =	vld [tilespmem:s11+$0xFFFFFD60]  }
0x221: {  	v43 =	vld [tilespmem:s11+$0xFFFFFD40]  }
0x222: {  	v1 =	vld [tilespmem:s11+$0xFFFFFDC0]  }
0x223: {  	[tilespmem:$0x1FC80] =	vst v36;
	v36 =	vld [tilespmem:$0x1F870]  }
0x224: {  	v22 =	vmax.f32 v22, v58;
	v58 =	vld [tilespmem:$0x1F880]  }
0x225: {  	v8 =	vld [tilespmem:s11+$0xFFFFFDE0]  }
0x226: {  	v7 =	vld [tilespmem:s11+$0xFFFFFF80]  }
0x227: {  	v10 =	vmax.f32 v17, v10;
	v17 =	vmax.f32 v43, v1;
	v1 =	vimm.s32 $0x0;
	v23 =	vld [tilespmem:$0x1F890]  }
0x228: {  	v1 =	vsel vm2, $0xFFFFFFFF, v1;
	v21 =	vld [tilespmem:s11+$0xFFFFFC20]  }
0x229: {  	[tilespmem:$0x1FDD0] =	vst v1;
	v1 =	vimm.s32 $0x0;
	v37 =	vmax.f32 v36, v58;
	v58 =	vld [tilespmem:$0x1F8A0]  }
0x22a: {  	v1 =	vsel vm1, $0xFFFFFFFF, v1;
	v35 =	vld [tilespmem:s11+$0xFFFFFCA0]  }
0x22b: {  	[tilespmem:$0x1FDE0] =	vst v1;
	v1 =	vld [tilespmem:$0x1F8F0]  }
0x22c: {  	v5 =	vld [tilespmem:s11+$0xFFFFFC40]  }
0x22d: {  	v44 =	vld [tilespmem:s11+$0xFFFFFCC0]  }
0x22e: {  	v23 =	vmax.f32 v23, v58;
	v58 =	vld [tilespmem:$0x1F8B0]  }
0x22f: {  	v9 =	vmax.f32 v9, v8;
	v59 =	vld [tilespmem:s11+$0xFFFFFD10]  }
0x230: {  	v8 =	vmax.f32 v34, v38;
	v38 =	vmax.f32 v21, v35;
	v35 =	vnsel vm1, $0x0, v1;
	v1 =	vld [tilespmem:$0x1FE30]  }
0x231: {  	v39 =	vld [tilespmem:s11+$0xFFFFFD90]  }
0x232: {  	v31 =	vld [tilespmem:s11+$0xFFFFFC70]  }
0x233: {  	v11 =	vmax.f32 v58, v11;
	v58 =	vld [tilespmem:$0x1F8D0]  }
0x234: {  	[tilespmem:$0x1FCF0] =	vst v11;
	v11 =	vld [tilespmem:$0x1F8C0]  }
0x235: {  	v24 =	vld [tilespmem:s11+$0xFFFFFCD0];
	v7 =	vmax.f32 v29, v7;
	v29 =	vmax.f32 v5, v44  }
0x236: {  	v5 =	vmax.f32 v59, v39;
	v59 =	vmovc v32;
	v32 =	vnsel vm2, $0x0, v62;
	vm2 =	vnez.u8 v1;
	v1 =	vld [tilespmem:$0x1FE00]  }
0x237: {  	v26 =	vld [tilespmem:s11+$0xFFFFFE80]  }
0x238: {  	v49 =	vld [tilespmem:s11+$0xFFFFFD20]  }
0x239: {  	v52 =	vld [tilespmem:s11+$0xFFFFFDA0];
	v11 =	vmax.f32 v11, v58  }
0x23a: {  	[tilespmem:$0x1FD20] =	vst v11;
	v11 =	vmax.f32 v31, v33;
	v31 =	vld [tilespmem:$0x1F8E0]  }
0x23b: {  	vm1 =	vnez.u8 v1;
	v1 =	vld [tilespmem:$0x1F900];
	_ =	sdelay $0x3  }
0x23c: {  	v26 =	vmax.f32 v31, v26  }
0x23d: {  	v31 =	vmax.f32 v30, v24;
	v30 =	vmax.f32 v49, v52;
	v52 =	vnsel vm1, $0x0, v1;
	v1 =	vld [tilespmem:$0x1FE50];
	_ =	sdelay $0x4  }
0x23e: {  	vm1 =	vnez.u8 v1;
	v1 =	vimm.s32 $0x0  }
0x23f: {  	v1 =	vsel vm6, $0xFFFFFFFF, v1  }
0x240: {  	[tilespmem:$0x1FE20] =	vst v1;
	v1 =	vld [tilespmem:$0x1FED0];
	_ =	sdelay $0x2  }
0x241: {  	v45 =	vld [tilespmem:s11+$0xFFFFFC30]  }
0x242: {  	v47 =	vld [tilespmem:s11+$0xFFFFFCB0]  }
0x243: {  	v19 =	vnsel vm6, $0x0, v19;
	vm6 =	vnez.u8 v1;
	v1 =	vld [tilespmem:$0x1FEF0];
	_ =	sdelay $0x4  }
0x244: {  	v33 =	vmax.f32 v45, v47;
	v47 =	vnsel vm2, $0x0, v12;
	vm2 =	vnez.u8 v1;
	v1 =	vld [tilespmem:$0x1F910]  }
0x245: {  	v57 =	vld [tilespmem:s11+$0xFFFFFCE0]  }
0x246: {  	v18 =	vld [tilespmem:s11+$0xFFFFFE50]  }
0x247: {  	v56 =	vld [tilespmem:s11+$0xFFFFFED0]  }
0x248: {  	v28 =	vld [tilespmem:s11+$0xFFFFFC60]  }
0x249: {  	v44 =	vnsel vm1, $0x0, v1;
	v1 =	vld [tilespmem:$0x1FEA0]  }
0x24a: {  	v25 =	vld [tilespmem:s11+$0xFFFFFEC0]  }
0x24b: {  	v13 =	vld [tilespmem:s11+$0xFFFFFDB0]  }
0x24c: {  	v50 =	vmax.f32 v18, v56;
	v56 =	vld [tilespmem:$0x1F800]  }
0x24d: {  	v61 =	vld [tilespmem:$0x1F7D0]  }
0x24e: {  	v62 =	vnsel vm0, $0x0, v16;
	vm0 =	vnez.u8 v1;
	v1 =	vld [tilespmem:$0x1FE80]  }
0x24f: {  	v15 =	vld [tilespmem:s11+$0xFFFFFD30]  }
0x250: {  	v18 =	vld [tilespmem:$0x1F7C0]  }
0x251: {  	v25 =	vmax.f32 v56, v25;
	v56 =	vld [tilespmem:$0x1F840]  }
0x252: {  	v53 =	vld [tilespmem:$0x1F830]  }
0x253: {  	vm1 =	vnez.u8 v1;
	v1 =	vld [tilespmem:$0x1FE90]  }
0x254: {  	v55 =	vld [tilespmem:s11+$0xFFFFFC90]  }
0x255: {  	v6 =	vmov v54;
	v54 =	vld [tilespmem:s11+$0xFFFFFC10]  }
0x256: {  	v18 =	vmax.f32 v18, v61;
	v61 =	vld [tilespmem:s11+$0xFFFFFC00]  }
0x257: {  	v53 =	vmax.f32 v53, v56;
	v56 =	vld [tilespmem:s11+$0xFFFFFC80]  }
0x258: {  	v36 =	vld [tilespmem:s11+$0xFFFFFD00];
	v27 =	vnsel vm1, $0x0, v27;
	vm1 =	vnez.u8 v1  }
0x259: {  	v58 =	vld [tilespmem:s11+$0xFFFFFD80];
	v45 =	vnsel vm1, $0x0, v14;
	v14 =	vnsel vm0, $0x0, v0;
	v0 =	vimm.s32 $0x0  }
0x25a: {  	v1 =	vld [tilespmem:$0x1FEC0];
	v0 =	vsel vm3, $0xFFFFFFFF, v0  }
0x25b: {  	[tilespmem:$0x1FEB0] =	vst v0;
	v0 =	vld [tilespmem:$0x1FEE0]  }
0x25c: {  	p0 =	sne.s32 s12, $0xF  }
.Ltmp0:
0x25d: {  	v12 =	vnsel vm3, $0x0, v51;
	v51 =	vld [tilespmem:$0x1FFF0];
	(pc) =	sbr.rel @p0 .LBB2_2-.Ltmp0, $4  }
0x25e: {  	v28 =	vmax.f32 v28, v57;
	v58 =	vmax.f32 v36, v58;
	v36 =	vld [tilespmem:$0x1FFD0]  }
0x25f: {  	v34 =	vmax.f32 v54, v55;
	v57 =	vmax.f32 v61, v56;
	v49 =	vld [tilespmem:$0x1FFE0];
	vm1 =	vnez.u8 v1  }
0x260: {  	v55 =	vmovc v2;
	v54 =	vmovc v6;
	v24 =	vmax.f32 v15, v13;
	v43 =	vnsel vm1, $0x0, v40;
	v40 =	vld [tilespmem:$0x1F920];
	vm0 =	vnez.u8 v0  }
0x261: {  	s10 =	smov.u32 s12;
	s12 =	sadd.s32 $0x1, s12;
	v61 =	vmovc v41;
	v56 =	vmovc v4;
	s11 =	sadd.s32 $0x800, s11;
	v39 =	vnsel vm6, $0x0, v3;
	v21 =	vnsel vm2, $0x0, v46;
	v1 =	vnsel vm0, $0x0, v60;
	v60 =	vld [tilespmem:$0x1F930]  }
0x262: {  	v2 =	vld [tilespmem:$0x1F940]  }
0x263: {  	v0 =	vmax.f32 v57, $0.0e+00;
	v57 =	vld [tilespmem:$0x1FCF0]  }
0x264: {  	v3 =	vmax.f32 v58, $0.0e+00;
	v13 =	vnsel vm15, $0x0, v34;
	v6 =	vnsel vm14, $0x0, v30;
	v30 =	vld [tilespmem:$0x1FF30]  }
0x265: {  	v5 =	vnsel vm15, $0x0, v5;
	v4 =	vnsel vm14, $0x0, v38;
	v46 =	vnsel vm13, $0x0, v33;
	v34 =	vld [tilespmem:$0x1FF50]  }
0x266: {  	v24 =	vnsel vm13, $0x0, v24;
	v29 =	vnsel vm12, $0x0, v29;
	v17 =	vnsel vm12, $0x0, v17;
	v41 =	vld [tilespmem:$0x1FF60]  }
0x267: {  	v31 =	vnsel vm11, $0x0, v31;
	v10 =	vnsel vm11, $0x0, v10;
	v28 =	vnsel vm10, $0x0, v28;
	v15 =	vld [tilespmem:$0x1FF20]  }
0x268: {  	v9 =	vnsel vm10, $0x0, v9;
	v11 =	vnsel vm9, $0x0, v11;
	v58 =	vnsel vm4, $0x0, v20;
	v20 =	vld [tilespmem:$0x1FD20]  }
0x269: {  	v8 =	vnsel vm9, $0x0, v8;
	v26 =	vnsel vm8, $0x0, v26;
	v7 =	vnsel vm8, $0x0, v7;
	v16 =	vld [tilespmem:$0x1FBA0]  }
0x26a: {  	v23 =	vnsel vm7, $0x0, v23;
	vm0 =	vnez.u8 v2;
	v2 =	vnsel vm7, $0x0, v57;
	v57 =	vld [tilespmem:$0x1FC00]  }
0x26b: {  	vm8 =	vnez.u8 v30;
	vm9 =	vnez.u8 v34;
	v30 =	vld [tilespmem:$0x1FB20];
	v0 =	vnsel vm0, $0x0, v0  }
0x26c: {  	vm10 =	vnez.u8 v41;
	vm1 =	vnez.u8 v15;
	v34 =	vld [tilespmem:$0x1FEB0];
	v0 =	vmax.f32 v0, v13  }
0x26d: {  	v41 =	vld [tilespmem:$0x1FA60];
	v3 =	vnsel vm0, $0x0, v3;
	v33 =	vnsel vm8, $0x0, v42;
	v0 =	vmax.f32 v0, v4  }
0x26e: {  	v38 =	vnsel vm9, $0x0, v53;
	v42 =	vnsel vm10, $0x0, v18;
	v53 =	vld [tilespmem:$0x1FF10];
	v0 =	vmax.f32 v0, v46  }
0x26f: {  	v18 =	vnsel vm1, $0x0, v48;
	v48 =	vld [tilespmem:$0x1FA00];
	v3 =	vmax.f32 v3, v5;
	v0 =	vmax.f32 v0, v29  }
0x270: {  	v3 =	vmax.f32 v3, v6;
	v4 =	vnsel vm4, $0x0, v20;
	v20 =	vld [tilespmem:$0x1FBF0];
	v0 =	vmax.f32 v0, v31  }
0x271: {  	v3 =	vmax.f32 v3, v24;
	v24 =	vnsel vm5, $0x0, v22;
	v46 =	vld [tilespmem:$0x1FC80];
	v0 =	vmax.f32 v0, v28  }
0x272: {  	v22 =	vld [tilespmem:$0x1FED0];
	v3 =	vmax.f32 v3, v17;
	v29 =	vnsel vm5, $0x0, v37;
	v0 =	vmax.f32 v0, v11  }
0x273: {  	v37 =	vnsel vm9, $0x0, v50;
	vm11 =	vnez.u8 v53;
	v53 =	vld [tilespmem:$0x1FE30];
	v0 =	vmax.f32 v0, v26  }
0x274: {  	v17 =	vnsel vm1, $0x0, v16;
	v3 =	vmax.f32 v3, v10;
	v28 =	vld [tilespmem:$0x1FEF0];
	v0 =	vmax.f32 v0, v23  }
0x275: {  	vm4 =	vnez.u8 v34;
	v3 =	vmax.f32 v3, v9;
	v11 =	vld [tilespmem:$0x1FC10];
	v0 =	vmax.f32 v0, v58  }
0x276: {  	v31 =	vnsel vm8, $0x0, v25;
	v3 =	vmax.f32 v3, v8;
	v26 =	vld [tilespmem:$0x1FB80];
	v0 =	vmax.f32 v0, v24  }
0x277: {  	v3 =	vmax.f32 v3, v7;
	v50 =	vnsel vm10, $0x0, v46;
	v46 =	vld [tilespmem:$0x1FE90];
	v0 =	vmax.f32 v0, v31  }
0x278: {  	vm12 =	vnez.u8 v22;
	v3 =	vmax.f32 v3, v2;
	v23 =	vld [tilespmem:$0x1FB50];
	v0 =	vmax.f32 v0, v37  }
0x279: {  	v3 =	vmax.f32 v3, v4;
	v58 =	vnsel vm11, $0x0, v57;
	v24 =	vld [tilespmem:$0x1FEE0];
	v0 =	vmax.f32 v0, v42  }
0x27a: {  	v6 =	vnsel vm12, $0x0, v20;
	v57 =	vld [tilespmem:$0x1FE50];
	v3 =	vmax.f32 v3, v29;
	v0 =	vmax.f32 v0, v58  }
0x27b: {  	vm9 =	vnez.u8 v53;
	v3 =	vmax.f32 v3, v33;
	v31 =	vld [tilespmem:$0x1FEA0];
	v0 =	vmax.f32 v0, v17  }
0x27c: {  	vm14 =	vnez.u8 v28;
	v33 =	vld [tilespmem:$0x1FA90];
	v3 =	vmax.f32 v3, v38;
	v0 =	vmax.f32 v0, v39  }
0x27d: {  	v13 =	vnsel vm11, $0x0, v11;
	v37 =	vld [tilespmem:$0x1FAC0];
	v3 =	vmax.f32 v3, v50;
	v0 =	vmax.f32 v0, v1  }
0x27e: {  	v38 =	vld [tilespmem:$0x1FEC0];
	v3 =	vmax.f32 v3, v13;
	vm13 =	vnez.u8 v24;
	v0 =	vmax.f32 v0, v21  }
0x27f: {  	v3 =	vmax.f32 v3, v18;
	v4 =	vnsel vm13, $0x0, v23;
	v39 =	vld [tilespmem:$0x1FE70];
	v0 =	vmax.f32 v0, v14  }
0x280: {  	v42 =	vld [tilespmem:$0x1FE80];
	v25 =	vmax.f32 v3, v6;
	v3 =	vnsel vm14, $0x0, v26;
	v0 =	vmax.f32 v0, v12  }
0x281: {  	vm15 =	vnez.u8 v31;
	v29 =	vmax.f32 v25, v4;
	v0 =	vmax.f32 v0, v43;
	v43 =	vld [tilespmem:$0x1F9D0]  }
0x282: {  	vm3 =	vnez.u8 v46;
	v50 =	vld [tilespmem:$0x1FE20];
	v2 =	vnsel vm15, $0x0, v30;
	v1 =	vmax.f32 v29, v3  }
0x283: {  	v58 =	vld [tilespmem:$0x1FDD0];
	vm5 =	vnez.u8 v38;
	v3 =	vnsel vm4, $0x0, v33;
	v1 =	vmax.f32 v1, v2  }
0x284: {  	v2 =	vnsel vm5, $0x0, v37;
	v1 =	vmax.f32 v1, v3;
	vm6 =	vnez.u8 v39  }
0x285: {  	vm7 =	vnez.u8 v42;
	v1 =	vmax.f32 v1, v2;
	v3 =	vnsel vm6, $0x0, v41  }
0x286: {  	vm10 =	vnez.u8 v57;
	v1 =	vmax.f32 v1, v3;
	v2 =	vnsel vm7, $0x0, v43  }
0x287: {  	vm8 =	vnez.u8 v50;
	v3 =	vnsel vm3, $0x0, v48;
	v1 =	vmax.f32 v1, v2  }
0x288: {  	vm11 =	vnez.u8 v58;
	v2 =	vnsel vm8, $0x0, v63;
	v1 =	vmax.f32 v1, v3  }
0x289: {  	v0 =	vmax.f32 v0, v62;
	v3 =	vnsel vm9, $0x0, v61;
	v1 =	vmax.f32 v1, v2  }
0x28a: {  	v0 =	vmax.f32 v0, v27;
	v1 =	vmax.f32 v1, v3;
	v3 =	vnsel vm11, $0x0, v59;
	v59 =	vld [tilespmem:$0x1FDE0]  }
0x28b: {  	v0 =	vmax.f32 v0, v45;
	v2 =	vnsel vm10, $0x0, v60;
	v60 =	vld [tilespmem:$0x1FE00]  }
0x28c: {  	v0 =	vmax.f32 v0, v19  }
0x28d: {  	v0 =	vmax.f32 v0, v47  }
0x28e: {  	v0 =	vmax.f32 v0, v44  }
0x28f: {  	v0 =	vmax.f32 v0, v32;
	v1 =	vmax.f32 v1, v2;
	vm12 =	vnez.u8 v59  }
0x290: {  	v1 =	vmax.f32 v1, v3;
	vm13 =	vnez.u8 v60;
	v2 =	vnsel vm12, $0x0, v56  }
0x291: {  	v0 =	vmax.f32 v0, v35;
	v1 =	vmax.f32 v1, v2;
	v2 =	vnsel vm13, $0x0, v55  }
0x292: {  	v0 =	vmax.f32 v0, v52;
	v1 =	vmax.f32 v1, v2  }
0x293: {  	v0 =	vmax.f32 v0, v1  }
0x294: {  	v1 =	vperm.xlane v0, v36;
	_ =	sdelay $0x1  }
0x295: {  	v0 =	vmax.f32 v0, v1  }
0x296: {  	v1 =	vperm.xlane v0, v49;
	_ =	sdelay $0x1  }
0x297: {  	v0 =	vmax.f32 v0, v1  }
0x298: {  	v1 =	vperm.xlane v0, v51;
	_ =	sdelay $0x1  }
0x299: {  	v0 =	vmax.f32 v0, v1  }
0x29a: {  	v1 =	vperm.xlane v0, v54;
	_ =	sdelay $0x1  }
0x29b: {  	v62 =	vlaneseq.u32;
	v61 =	vmov s10;
	v0 =	vmax.f32 v0, v1  }
0x29c: {  	vm14 =	veq.s32 v61, v62;
	vm15 =	vgt.f32 v0, $5.000000000e-01  }
0x29d: {  	s9 =	sadd.s32 $0x1, s9;
	vm0 =	vmand vm14, vm15  }
0x29e: {  	p0 =	sne.s32 s9, s6;
	v63 =	vsel vm0, $0x3F800000, v40  }
.Ltmp1:
0x29f: {  	[tilespmem:$0x8000] =	vst v63;
	(pc) =	sbr.rel @p0 .LBB2_1-.Ltmp1, $4  }
0x2a0: {  	[hbm4b:s5+s2] =	stream.linear.scatter [tilespmem:s8], [sflag:$0x1], $0x10, $0x38;
	[tilespmem:$0x8080] =	vst v63  }
0x2a1: {  	_ =	swait.ge [sflag:s7], $0x10  }
0x2a2: {  	[sflag:s7] =	ssyncset.done $0x0  }
0x2a3: {  	[sflag:s7] =	ssyncadd.s32 $0xFFFFFFF0  }
0x2a4: {  	_ =	sfence.sel $0x180000  }
0x2a5: {  	[bflag:$0x0] =	sbarrier.arrive $0xFFFF  }
0x2a6: {  	p0 =	sne.s32 s1, $0x0;
	_ =	strace $0x90000047  }
0x2a7: {  	s0 =	sadd.s32 @!p0 $0x100000, s0;
	[bflag:$0x2] =	sbarrier.arrive $0xFFFF  }
0x2a8: {  	[sflag:s0] =	ssyncadd.tile.s32 @!p0 $0x1;
	_ =	shalt  }
.Lfunc_end2:
_tile_overlayer_lowered:
.L_overlay_start_2:
0x2a9: {  	(tag) =	ssettag $0x2  }
0x2aa: {  	s0 =	rddreg [dreg:$0x0];
	s2 =	stileid.u32  }
0x2ab: {  	s1 =	rddreg [dreg:$0x1];
	p0 =	sne.s32 s2, $0x0  }
0x2ac: {  	s3 =	rddreg [dreg:$0x2];
	[bflag:$0x3] =	sbarrier.arrive $0xFFFF;
	s2 =	simm.s32 @!p0 $0x1C01  }
0x2ad: {  	[timem:s3], [sflag:s2] =	dma.local @!p0 [hbm:s0], s1  }
0x2ae: {  	s0 =	simm.s32 @!p0 $0x1  }
0x2af: {  	_ =	swait.ge @!p0 [sflag:s0], s1  }
0x2b0: {  	s1 =	ssub.s32 @!p0 $0x0, s1;
	[sflag:s0] =	ssyncset.done @!p0 $0x0  }
0x2b1: {  	[sflag:s0] =	ssyncadd.s32 @!p0 s1  }
0x2b2: {  	[bflag:$0x3] =	sbarrier.arrive $0xFFFF  }
0x2b3: {  	_ =	shalt  }

</sc_bundles>
